<compile_context>
chip_gen: v7x
topology: tpu7x:2x2x1
jax: 0.10.2.dev20260603
libtpu: 0.0.44.dev20260713+nightly
codegen_flags: <defaults>
</compile_context>

<pallas_src>
import functools

import jax
import jax.numpy as jnp
from jax import lax
from jax.experimental import pallas as pl
from jax.experimental.pallas import tpu as pltpu
from jax.experimental.pallas import tpu_sc as plsc

N = 10000
E = 320000
NC = 2
NS = 16
NW = NC * NS
EPW = E // NW
CHUNK = 80
NCHUNK = EPW // CHUNK
NBUF = 5
NROUND = NCHUNK // NBUF
NP = 10240
RPT = NP // NS

_SELU_ALPHA = 1.6732632423543772
_SELU_SCALE = 1.0507009873554805


def _make_prop(D, dtype):
    mesh = plsc.VectorSubcoreMesh(core_axis_name="c", subcore_axis_name="s")
    lanes = 32 if dtype == jnp.bfloat16 else 16

    @functools.partial(
        pl.kernel,
        mesh=mesh,
        compiler_params=pltpu.CompilerParams(use_tc_tiling_on_sc=False),
        out_type=jax.ShapeDtypeStruct((NC, NP, D), dtype),
        scratch_types=[
            pltpu.VMEM((NCHUNK, CHUNK), jnp.int32),
            pltpu.VMEM((NCHUNK, CHUNK), jnp.int32),
            [pltpu.VMEM((CHUNK, D), dtype) for _ in range(NBUF)],
            pltpu.VMEM_SHARED((NP, D), dtype),
            [pltpu.SemaphoreType.DMA for _ in range(NBUF)],
            [pltpu.SemaphoreType.DMA for _ in range(NBUF)],
        ],
    )
    def prop(h_hbm, src_hbm, dst_hbm, out_hbm, srcb, dstb, rows, acc,
             gsem, ssem):
        cid = lax.axis_index("c")
        sid = lax.axis_index("s")
        wid = cid * NS + sid
        pltpu.sync_copy(src_hbm.at[wid], srcb)
        pltpu.sync_copy(dst_hbm.at[wid], dstb)
        zvec = jnp.zeros((lanes,), dtype)

        def zbody(r, carry):
            for c in range(D // lanes):
                rows[0][r, pl.ds(c * lanes, lanes)] = zvec
            return carry

        lax.fori_loop(0, CHUNK, zbody, 0)
        for k in range(RPT // CHUNK):
            pltpu.sync_copy(rows[0], acc.at[pl.ds(sid * RPT + k * CHUNK, CHUNK)])
        plsc.subcore_barrier()

        def gather_start(i, b):
            pltpu.async_copy(h_hbm.at[srcb.at[i]], rows[b], gsem[b])

        def gather_wait(i, b):
            pltpu.make_async_copy(h_hbm.at[srcb.at[i]], rows[b], gsem[b]).wait()

        def scat_start(i, b):
            pltpu.async_copy(rows[b], acc.at[dstb.at[i]], ssem[b], add=True)

        def scat_wait(i, b):
            pltpu.make_async_copy(rows[b], acc.at[dstb.at[i]], ssem[b]).wait()

        for b in range(NBUF):
            gather_start(b, b)

        def round_body(r, carry):
            i = r * NBUF
            for b in range(NBUF):
                gather_wait(i + b, b)
                scat_start(i + b, b)
            for b in range(NBUF):
                scat_wait(i + b, b)
                gather_start(i + NBUF + b, b)
            return carry

        lax.fori_loop(0, NROUND - 1, round_body, 0)
        i = (NROUND - 1) * NBUF
        for b in range(NBUF):
            gather_wait(i + b, b)
            scat_start(i + b, b)
        for b in range(NBUF):
            scat_wait(i + b, b)
        plsc.subcore_barrier()
        pltpu.sync_copy(
            acc.at[pl.ds(sid * RPT, RPT)],
            out_hbm.at[cid, pl.ds(sid * RPT, RPT)],
        )

    return prop


_prop128 = _make_prop(128, jnp.bfloat16)
_prop64 = _make_prop(64, jnp.float32)

_GB = 10
_RB = NP // _GB
_PB = _RB // 2


def _combine(p):
    blk = NP * 128 // _GB

    def body(a_ref, b_ref, o_ref):
        s = a_ref[...].astype(jnp.float32) + b_ref[...].astype(jnp.float32)
        o_ref[...] = s.astype(jnp.bfloat16)

    return pl.pallas_call(
        body,
        grid=(_GB,),
        in_specs=[
            pl.BlockSpec((blk,), lambda i: (i,)),
            pl.BlockSpec((blk,), lambda i: (i + _GB,)),
        ],
        out_specs=pl.BlockSpec((blk,), lambda i: (i,)),
        out_shape=jax.ShapeDtypeStruct((NP * 128,), jnp.bfloat16),
    )(p, p)


def _mlp(p2, W1p, b1p, W2p):
    blk = NP * 128 // _GB

    def body(a_ref, b_ref, w1_ref, b1_ref, w2_ref, o_ref):
        h = (a_ref[...].astype(jnp.float32)
             + b_ref[...].astype(jnp.float32)).reshape(_PB, 256)
        h = jnp.dot(h, w1_ref[...], preferred_element_type=jnp.float32)
        h = h + b1_ref[...]
        h = _SELU_SCALE * jnp.where(h > 0, h, _SELU_ALPHA * (jnp.exp(h) - 1.0))
        o_ref[...] = jnp.dot(h, w2_ref[...], preferred_element_type=jnp.float32)

    return pl.pallas_call(
        body,
        grid=(_GB,),
        in_specs=[
            pl.BlockSpec((blk,), lambda i: (i,)),
            pl.BlockSpec((blk,), lambda i: (i + _GB,)),
            pl.BlockSpec((256, 256), lambda i: (0, 0)),
            pl.BlockSpec((1, 256), lambda i: (0, 0)),
            pl.BlockSpec((256, 128), lambda i: (0, 0)),
        ],
        out_specs=pl.BlockSpec((_PB, 128), lambda i: (i, 0)),
        out_shape=jax.ShapeDtypeStruct((NP // 2, 128), jnp.float32),
    )(p2, p2, W1p, b1p, W2p)


def _final(p3, gp, b2p):

    def body(a_ref, b_ref, g_ref, b2_ref, o_ref):
        s = a_ref[0] + b_ref[0] + g_ref[...] + b2_ref[...]
        lo = s[:, :64]
        hi = s[:, 64:]

        def lsm(t):
            t = t - jnp.max(t, axis=1, keepdims=True)
            return t - jnp.log(jnp.sum(jnp.exp(t), axis=1, keepdims=True))

        out = jnp.stack([lsm(lo), lsm(hi)], axis=1)
        o_ref[...] = out.reshape(_RB, 64)

    return pl.pallas_call(
        body,
        grid=(_GB,),
        in_specs=[
            pl.BlockSpec((1, _PB, 128), lambda i: (0, i, 0)),
            pl.BlockSpec((1, _PB, 128), lambda i: (1, i, 0)),
            pl.BlockSpec((_PB, 128), lambda i: (i, 0)),
            pl.BlockSpec((1, 128), lambda i: (0, 0)),
        ],
        out_specs=pl.BlockSpec((_RB, 64), lambda i: (i, 0)),
        out_shape=jax.ShapeDtypeStruct((NP, 64), jnp.float32),
    )(p3, p3, gp, b2p)


def kernel(x, edge_index, W1, b1, W2, b2):
    src = edge_index[0].reshape(NW, NCHUNK, CHUNK)
    dst = edge_index[1].reshape(NW, NCHUNK, CHUNK)
    z1 = jnp.zeros((128, 128), jnp.float32)
    z2 = jnp.zeros((128, 64), jnp.float32)
    W1p = jnp.concatenate(
        [jnp.concatenate([W1, z1], axis=1), jnp.concatenate([z1, W1], axis=1)],
        axis=0)
    W2p = jnp.concatenate(
        [jnp.concatenate([W2, z2], axis=1), jnp.concatenate([z2, W2], axis=1)],
        axis=0)
    b1p = jnp.concatenate([b1, b1]).reshape(1, 256)
    b2p = jnp.concatenate([b2, b2]).reshape(1, 128)

    xb = x.astype(jnp.bfloat16)
    p1 = _prop128(xb, src, dst)
    h1 = _combine(p1.reshape(NC * NP * 128))
    p2 = _prop128(h1.reshape(NP, 128), src, dst)
    gp = _mlp(p2.reshape(NC * NP * 128), W1p, b1p, W2p)
    p3 = _prop64(gp.reshape(NP, 64), src, dst)
    out = _final(p3.reshape(NC, NP // 2, 128), gp, b2p)
    return out[:N]

# --- scband reference (transcript-rebuilt; emitter-appended) ---
"""Pipeline reference for scband-gnn-1125281431593 (READ-ONLY COPY).

The authoritative reference and input builder live on the scoring server;
editing this copy changes nothing except your own understanding.
"""

import jax, jax.numpy as jnp
import numpy as np

N = 10000
E = 320000
D_IN = 128
D_HID = 128
D_OUT = 64
K = 2

def setup_inputs(seed: int = 0) -> dict:
    key = jax.random.key(seed)
    k1, k2, k3, k4 = jax.random.split(key, 4)
    x = jax.random.normal(k1, (N, D_IN), dtype=jnp.float32)
    edge_index = jax.random.randint(k2, (2, E), 0, N, dtype=jnp.int32)
    W1 = jax.random.normal(k3, (D_IN, D_HID), dtype=jnp.float32) * 0.05
    b1 = jnp.zeros((D_HID,), dtype=jnp.float32)
    W2 = jax.random.normal(k4, (D_HID, D_OUT), dtype=jnp.float32) * 0.05
    b2 = jnp.zeros((D_OUT,), dtype=jnp.float32)
    return {"x": x, "edge_index": edge_index, "W1": W1, "b1": b1, "W2": W2, "b2": b2}

def reference(x, edge_index, W1, b1, W2, b2):
    # KProp conv1: aggregator='add', add_self_loops=False, K=2 propagation steps
    src = edge_index[0]
    dst = edge_index[1]
    h = x
    for _ in range(K):
        h = jax.ops.segment_sum(h[src], dst, num_segments=N)
    h = h @ W1 + b1
    # selu activation
    h = jax.nn.selu(h)
    # dropout p=0.0 -> identity (eval)
    # KProp conv2: K=1, add_self_loops=True (set_diag adds identity to adjacency)
    agg = jax.ops.segment_sum(h[src], dst, num_segments=N) + h
    out = agg @ W2 + b2
    return jax.nn.log_softmax(out, axis=1)

if __name__ == "__main__":
    import jax
    _d = setup_inputs()
    print(jax.jit(kernel)(*tuple(_d.values())))

</pallas_src>

<mosaic_0001>
#map = affine_map<(d0, d1) -> (0, 0)>
#map1 = affine_map<(d0, d1) -> (0, 0, 0)>
module attributes {stable_mosaic.version = 14 : i64} {
  func.func @prop(%arg0: i32, %arg1: i32, %arg2: memref<10240x128xbf16, #tpu.memory_space<hbm>>, %arg3: memref<32x125x80xi32, #tpu.memory_space<hbm>>, %arg4: memref<32x125x80xi32, #tpu.memory_space<hbm>>, %arg5: memref<2x10240x128xbf16, #tpu.memory_space<hbm>>, %arg6: memref<125x80xi32, #tpu.memory_space<vmem>>, %arg7: memref<125x80xi32, #tpu.memory_space<vmem>>, %arg8: memref<80x128xbf16, #tpu.memory_space<vmem>>, %arg9: memref<80x128xbf16, #tpu.memory_space<vmem>>, %arg10: memref<80x128xbf16, #tpu.memory_space<vmem>>, %arg11: memref<80x128xbf16, #tpu.memory_space<vmem>>, %arg12: memref<80x128xbf16, #tpu.memory_space<vmem>>, %arg13: memref<10240x128xbf16, #tpu.memory_space<vmem_shared>>, %arg14: memref<!tpu.dma_semaphore, #tpu.memory_space<semaphore_mem>>, %arg15: memref<!tpu.dma_semaphore, #tpu.memory_space<semaphore_mem>>, %arg16: memref<!tpu.dma_semaphore, #tpu.memory_space<semaphore_mem>>, %arg17: memref<!tpu.dma_semaphore, #tpu.memory_space<semaphore_mem>>, %arg18: memref<!tpu.dma_semaphore, #tpu.memory_space<semaphore_mem>>, %arg19: memref<!tpu.dma_semaphore, #tpu.memory_space<semaphore_mem>>, %arg20: memref<!tpu.dma_semaphore, #tpu.memory_space<semaphore_mem>>, %arg21: memref<!tpu.dma_semaphore, #tpu.memory_space<semaphore_mem>>, %arg22: memref<!tpu.dma_semaphore, #tpu.memory_space<semaphore_mem>>, %arg23: memref<!tpu.dma_semaphore, #tpu.memory_space<semaphore_mem>>) attributes {dimension_semantics = [#tpu.dimension_semantics<core_parallel>, #tpu.dimension_semantics<subcore_parallel>], iteration_bounds = array<i64: 2, 16>, scalar_prefetch = 0 : i64, scratch_operands = 18 : i64, tpu.core_type = #tpu.core_type<sc_vector_subcore>, window_params = [{transform_indices = #map}, {transform_indices = #map1}, {transform_indices = #map1}, {transform_indices = #map1}]} {
    %mul3A = arith.constant 16 : i32
    %mul3A_0 = arith.muli %arg0, %mul3A : i32
    %add3A = arith.addi %mul3A_0, %arg1 : i32
    "tpu.region"() ({
      %run_scoped3A = tpu.sem_alloc : memref<!tpu.dma_semaphore, #tpu.memory_space<semaphore_mem>>
      %dma_start3A_188 = arith.constant 0 : i32
      %dma_start3A_189 = arith.constant 0 : i32
      %dma_start3A_190 = tpu.memref_slice %arg3[%add3A, %dma_start3A_188, %dma_start3A_189] : memref<32x125x80xi32, #tpu.memory_space<hbm>> -> memref<1x125x80xi32, #tpu.memory_space<hbm>>
      %dma_start3A_191 = tpu.memref_squeeze %dma_start3A_190 : memref<1x125x80xi32, #tpu.memory_space<hbm>> -> memref<125x80xi32, #tpu.memory_space<hbm>>
      %dma_start3A_192 = arith.constant 0 : i32
      %dma_start3A_193 = arith.constant 0 : i32
      %dma_start3A_194 = tpu.memref_slice %arg3[%add3A, %dma_start3A_192, %dma_start3A_193] : memref<32x125x80xi32, #tpu.memory_space<hbm>> -> memref<1x125x80xi32, #tpu.memory_space<hbm>>
      %dma_start3A_195 = tpu.memref_squeeze %dma_start3A_194 : memref<1x125x80xi32, #tpu.memory_space<hbm>> -> memref<125x80xi32, #tpu.memory_space<hbm>>
      tpu.enqueue_dma source(%dma_start3A_195 : memref<125x80xi32, #tpu.memory_space<hbm>>) target(%arg6 : memref<125x80xi32, #tpu.memory_space<vmem>>) target_semaphore(%run_scoped3A : memref<!tpu.dma_semaphore, #tpu.memory_space<semaphore_mem>>)
      %dma_wait3A_196 = arith.constant 0 : i32
      %dma_wait3A_197 = arith.constant 0 : i32
      %dma_wait3A_198 = tpu.memref_slice %arg3[%add3A, %dma_wait3A_196, %dma_wait3A_197] : memref<32x125x80xi32, #tpu.memory_space<hbm>> -> memref<1x125x80xi32, #tpu.memory_space<hbm>>
      %dma_wait3A_199 = tpu.memref_squeeze %dma_wait3A_198 : memref<1x125x80xi32, #tpu.memory_space<hbm>> -> memref<125x80xi32, #tpu.memory_space<hbm>>
      %dma_wait3A_200 = arith.constant 0 : i32
      %dma_wait3A_201 = arith.constant 0 : i32
      %dma_wait3A_202 = tpu.memref_slice %arg3[%add3A, %dma_wait3A_200, %dma_wait3A_201] : memref<32x125x80xi32, #tpu.memory_space<hbm>> -> memref<1x125x80xi32, #tpu.memory_space<hbm>>
      %dma_wait3A_203 = tpu.memref_squeeze %dma_wait3A_202 : memref<1x125x80xi32, #tpu.memory_space<hbm>> -> memref<125x80xi32, #tpu.memory_space<hbm>>
      tpu.wait_dma2 semaphore(%run_scoped3A : memref<!tpu.dma_semaphore, #tpu.memory_space<semaphore_mem>>) src(%dma_wait3A_203 : memref<125x80xi32, #tpu.memory_space<hbm>>) dst(%arg6 : memref<125x80xi32, #tpu.memory_space<vmem>>)
      tpu.yield
    }) : () -> ()
    "tpu.region"() ({
      %run_scoped3A = tpu.sem_alloc : memref<!tpu.dma_semaphore, #tpu.memory_space<semaphore_mem>>
      %dma_start3A_188 = arith.constant 0 : i32
      %dma_start3A_189 = arith.constant 0 : i32
      %dma_start3A_190 = tpu.memref_slice %arg4[%add3A, %dma_start3A_188, %dma_start3A_189] : memref<32x125x80xi32, #tpu.memory_space<hbm>> -> memref<1x125x80xi32, #tpu.memory_space<hbm>>
      %dma_start3A_191 = tpu.memref_squeeze %dma_start3A_190 : memref<1x125x80xi32, #tpu.memory_space<hbm>> -> memref<125x80xi32, #tpu.memory_space<hbm>>
      %dma_start3A_192 = arith.constant 0 : i32
      %dma_start3A_193 = arith.constant 0 : i32
      %dma_start3A_194 = tpu.memref_slice %arg4[%add3A, %dma_start3A_192, %dma_start3A_193] : memref<32x125x80xi32, #tpu.memory_space<hbm>> -> memref<1x125x80xi32, #tpu.memory_space<hbm>>
      %dma_start3A_195 = tpu.memref_squeeze %dma_start3A_194 : memref<1x125x80xi32, #tpu.memory_space<hbm>> -> memref<125x80xi32, #tpu.memory_space<hbm>>
      tpu.enqueue_dma source(%dma_start3A_195 : memref<125x80xi32, #tpu.memory_space<hbm>>) target(%arg7 : memref<125x80xi32, #tpu.memory_space<vmem>>) target_semaphore(%run_scoped3A : memref<!tpu.dma_semaphore, #tpu.memory_space<semaphore_mem>>)
      %dma_wait3A_196 = arith.constant 0 : i32
      %dma_wait3A_197 = arith.constant 0 : i32
      %dma_wait3A_198 = tpu.memref_slice %arg4[%add3A, %dma_wait3A_196, %dma_wait3A_197] : memref<32x125x80xi32, #tpu.memory_space<hbm>> -> memref<1x125x80xi32, #tpu.memory_space<hbm>>
      %dma_wait3A_199 = tpu.memref_squeeze %dma_wait3A_198 : memref<1x125x80xi32, #tpu.memory_space<hbm>> -> memref<125x80xi32, #tpu.memory_space<hbm>>
      %dma_wait3A_200 = arith.constant 0 : i32
      %dma_wait3A_201 = arith.constant 0 : i32
      %dma_wait3A_202 = tpu.memref_slice %arg4[%add3A, %dma_wait3A_200, %dma_wait3A_201] : memref<32x125x80xi32, #tpu.memory_space<hbm>> -> memref<1x125x80xi32, #tpu.memory_space<hbm>>
      %dma_wait3A_203 = tpu.memref_squeeze %dma_wait3A_202 : memref<1x125x80xi32, #tpu.memory_space<hbm>> -> memref<125x80xi32, #tpu.memory_space<hbm>>
      tpu.wait_dma2 semaphore(%run_scoped3A : memref<!tpu.dma_semaphore, #tpu.memory_space<semaphore_mem>>) src(%dma_wait3A_203 : memref<125x80xi32, #tpu.memory_space<hbm>>) dst(%arg7 : memref<125x80xi32, #tpu.memory_space<vmem>>)
      tpu.yield
    }) : () -> ()
    %broadcast_in_dim3A = arith.constant 0.000000e+00 : bf16
    %broadcast_in_dim3A_1 = vector.broadcast %broadcast_in_dim3A : bf16 to vector<32xbf16>
    %scan3A = arith.constant 0 : i32
    %scan3A_2 = arith.constant 0 : i32
    %scan3A_3 = arith.constant 80 : i32
    %scan3A_4 = arith.addi %scan3A_2, %scan3A_3 : i32
    %scan3A_5 = arith.constant 1 : i32
    scf.for %scan3A_188 = %scan3A_2 to %scan3A_4 step %scan3A_5  : i32 {
      %swap3A = arith.index_cast %scan3A_188 : i32 to index
      %swap3A_189 = arith.constant 0 : index
      %swap3A_190 = tpu.vector_load %arg8[%swap3A, %swap3A_189] {strides = array<i32>} : memref<80x128xbf16, #tpu.memory_space<vmem>>, vector<1x32xbf16>,
      %swap3A_191 = vector.shape_cast %swap3A_190 : vector<1x32xbf16> to vector<32xbf16>
      %swap3A_192 = vector.shape_cast %broadcast_in_dim3A_1 : vector<32xbf16> to vector<1x32xbf16>
      tpu.vector_store %arg8[%swap3A, %swap3A_189], %swap3A_192 {strides = array<i32>} : memref<80x128xbf16, #tpu.memory_space<vmem>>, vector<1x32xbf16>,
      %swap3A_193 = arith.index_cast %scan3A_188 : i32 to index
      %swap3A_194 = arith.constant 32 : index
      %swap3A_195 = tpu.vector_load %arg8[%swap3A_193, %swap3A_194] {strides = array<i32>} : memref<80x128xbf16, #tpu.memory_space<vmem>>, vector<1x32xbf16>,
      %swap3A_196 = vector.shape_cast %swap3A_195 : vector<1x32xbf16> to vector<32xbf16>
      %swap3A_197 = vector.shape_cast %broadcast_in_dim3A_1 : vector<32xbf16> to vector<1x32xbf16>
      tpu.vector_store %arg8[%swap3A_193, %swap3A_194], %swap3A_197 {strides = array<i32>} : memref<80x128xbf16, #tpu.memory_space<vmem>>, vector<1x32xbf16>,
      %swap3A_198 = arith.index_cast %scan3A_188 : i32 to index
      %swap3A_199 = arith.constant 64 : index
      %swap3A_200 = tpu.vector_load %arg8[%swap3A_198, %swap3A_199] {strides = array<i32>} : memref<80x128xbf16, #tpu.memory_space<vmem>>, vector<1x32xbf16>,
      %swap3A_201 = vector.shape_cast %swap3A_200 : vector<1x32xbf16> to vector<32xbf16>
      %swap3A_202 = vector.shape_cast %broadcast_in_dim3A_1 : vector<32xbf16> to vector<1x32xbf16>
      tpu.vector_store %arg8[%swap3A_198, %swap3A_199], %swap3A_202 {strides = array<i32>} : memref<80x128xbf16, #tpu.memory_space<vmem>>, vector<1x32xbf16>,
      %swap3A_203 = arith.index_cast %scan3A_188 : i32 to index
      %swap3A_204 = arith.constant 96 : index
      %swap3A_205 = tpu.vector_load %arg8[%swap3A_203, %swap3A_204] {strides = array<i32>} : memref<80x128xbf16, #tpu.memory_space<vmem>>, vector<1x32xbf16>,
      %swap3A_206 = vector.shape_cast %swap3A_205 : vector<1x32xbf16> to vector<32xbf16>
      %swap3A_207 = vector.shape_cast %broadcast_in_dim3A_1 : vector<32xbf16> to vector<1x32xbf16>
      tpu.vector_store %arg8[%swap3A_203, %swap3A_204], %swap3A_207 {strides = array<i32>} : memref<80x128xbf16, #tpu.memory_space<vmem>>, vector<1x32xbf16>,
    }
    %scan3A_6 = arith.constant 80 : i32
    %mul3A_7 = arith.constant 640 : i32
    %mul3A_8 = arith.muli %arg1, %mul3A_7 : i32
    %add3A_9 = arith.constant 0 : i32
    %add3A_10 = arith.addi %mul3A_8, %add3A_9 : i32
    "tpu.region"() ({
      %run_scoped3A = tpu.sem_alloc : memref<!tpu.dma_semaphore, #tpu.memory_space<semaphore_mem>>
      %dma_start3A_188 = arith.constant 0 : i32
      %dma_start3A_189 = tpu.memref_slice %arg13[%add3A_10, %dma_start3A_188] : memref<10240x128xbf16, #tpu.memory_space<vmem_shared>> -> memref<80x128xbf16, #tpu.memory_space<vmem_shared>>
      %dma_start3A_190 = arith.constant 0 : i32
      %dma_start3A_191 = tpu.memref_slice %arg13[%add3A_10, %dma_start3A_190] : memref<10240x128xbf16, #tpu.memory_space<vmem_shared>> -> memref<80x128xbf16, #tpu.memory_space<vmem_shared>>
      tpu.enqueue_dma source(%arg8 : memref<80x128xbf16, #tpu.memory_space<vmem>>) target(%dma_start3A_191 : memref<80x128xbf16, #tpu.memory_space<vmem_shared>>) target_semaphore(%run_scoped3A : memref<!tpu.dma_semaphore, #tpu.memory_space<semaphore_mem>>)
      %dma_wait3A_192 = arith.constant 0 : i32
      %dma_wait3A_193 = tpu.memref_slice %arg13[%add3A_10, %dma_wait3A_192] : memref<10240x128xbf16, #tpu.memory_space<vmem_shared>> -> memref<80x128xbf16, #tpu.memory_space<vmem_shared>>
      %dma_wait3A_194 = arith.constant 0 : i32
      %dma_wait3A_195 = tpu.memref_slice %arg13[%add3A_10, %dma_wait3A_194] : memref<10240x128xbf16, #tpu.memory_space<vmem_shared>> -> memref<80x128xbf16, #tpu.memory_space<vmem_shared>>
      tpu.wait_dma2 semaphore(%run_scoped3A : memref<!tpu.dma_semaphore, #tpu.memory_space<semaphore_mem>>) src(%arg8 : memref<80x128xbf16, #tpu.memory_space<vmem>>) dst(%dma_wait3A_195 : memref<80x128xbf16, #tpu.memory_space<vmem_shared>>)
      tpu.yield
    }) : () -> ()
    %mul3A_11 = arith.constant 640 : i32
    %mul3A_12 = arith.muli %arg1, %mul3A_11 : i32
    %add3A_13 = arith.constant 80 : i32
    %add3A_14 = arith.addi %mul3A_12, %add3A_13 : i32
    "tpu.region"() ({
      %run_scoped3A = tpu.sem_alloc : memref<!tpu.dma_semaphore, #tpu.memory_space<semaphore_mem>>
      %dma_start3A_188 = arith.constant 0 : i32
      %dma_start3A_189 = tpu.memref_slice %arg13[%add3A_14, %dma_start3A_188] : memref<10240x128xbf16, #tpu.memory_space<vmem_shared>> -> memref<80x128xbf16, #tpu.memory_space<vmem_shared>>
      %dma_start3A_190 = arith.constant 0 : i32
      %dma_start3A_191 = tpu.memref_slice %arg13[%add3A_14, %dma_start3A_190] : memref<10240x128xbf16, #tpu.memory_space<vmem_shared>> -> memref<80x128xbf16, #tpu.memory_space<vmem_shared>>
      tpu.enqueue_dma source(%arg8 : memref<80x128xbf16, #tpu.memory_space<vmem>>) target(%dma_start3A_191 : memref<80x128xbf16, #tpu.memory_space<vmem_shared>>) target_semaphore(%run_scoped3A : memref<!tpu.dma_semaphore, #tpu.memory_space<semaphore_mem>>)
      %dma_wait3A_192 = arith.constant 0 : i32
      %dma_wait3A_193 = tpu.memref_slice %arg13[%add3A_14, %dma_wait3A_192] : memref<10240x128xbf16, #tpu.memory_space<vmem_shared>> -> memref<80x128xbf16, #tpu.memory_space<vmem_shared>>
      %dma_wait3A_194 = arith.constant 0 : i32
      %dma_wait3A_195 = tpu.memref_slice %arg13[%add3A_14, %dma_wait3A_194] : memref<10240x128xbf16, #tpu.memory_space<vmem_shared>> -> memref<80x128xbf16, #tpu.memory_space<vmem_shared>>
      tpu.wait_dma2 semaphore(%run_scoped3A : memref<!tpu.dma_semaphore, #tpu.memory_space<semaphore_mem>>) src(%arg8 : memref<80x128xbf16, #tpu.memory_space<vmem>>) dst(%dma_wait3A_195 : memref<80x128xbf16, #tpu.memory_space<vmem_shared>>)
      tpu.yield
    }) : () -> ()
    %mul3A_15 = arith.constant 640 : i32
    %mul3A_16 = arith.muli %arg1, %mul3A_15 : i32
    %add3A_17 = arith.constant 160 : i32
    %add3A_18 = arith.addi %mul3A_16, %add3A_17 : i32
    "tpu.region"() ({
      %run_scoped3A = tpu.sem_alloc : memref<!tpu.dma_semaphore, #tpu.memory_space<semaphore_mem>>
      %dma_start3A_188 = arith.constant 0 : i32
      %dma_start3A_189 = tpu.memref_slice %arg13[%add3A_18, %dma_start3A_188] : memref<10240x128xbf16, #tpu.memory_space<vmem_shared>> -> memref<80x128xbf16, #tpu.memory_space<vmem_shared>>
      %dma_start3A_190 = arith.constant 0 : i32
      %dma_start3A_191 = tpu.memref_slice %arg13[%add3A_18, %dma_start3A_190] : memref<10240x128xbf16, #tpu.memory_space<vmem_shared>> -> memref<80x128xbf16, #tpu.memory_space<vmem_shared>>
      tpu.enqueue_dma source(%arg8 : memref<80x128xbf16, #tpu.memory_space<vmem>>) target(%dma_start3A_191 : memref<80x128xbf16, #tpu.memory_space<vmem_shared>>) target_semaphore(%run_scoped3A : memref<!tpu.dma_semaphore, #tpu.memory_space<semaphore_mem>>)
      %dma_wait3A_192 = arith.constant 0 : i32
      %dma_wait3A_193 = tpu.memref_slice %arg13[%add3A_18, %dma_wait3A_192] : memref<10240x128xbf16, #tpu.memory_space<vmem_shared>> -> memref<80x128xbf16, #tpu.memory_space<vmem_shared>>
      %dma_wait3A_194 = arith.constant 0 : i32
      %dma_wait3A_195 = tpu.memref_slice %arg13[%add3A_18, %dma_wait3A_194] : memref<10240x128xbf16, #tpu.memory_space<vmem_shared>> -> memref<80x128xbf16, #tpu.memory_space<vmem_shared>>
      tpu.wait_dma2 semaphore(%run_scoped3A : memref<!tpu.dma_semaphore, #tpu.memory_space<semaphore_mem>>) src(%arg8 : memref<80x128xbf16, #tpu.memory_space<vmem>>) dst(%dma_wait3A_195 : memref<80x128xbf16, #tpu.memory_space<vmem_shared>>)
      tpu.yield
    }) : () -> ()
    %mul3A_19 = arith.constant 640 : i32
    %mul3A_20 = arith.muli %arg1, %mul3A_19 : i32
    %add3A_21 = arith.constant 240 : i32
    %add3A_22 = arith.addi %mul3A_20, %add3A_21 : i32
    "tpu.region"() ({
      %run_scoped3A = tpu.sem_alloc : memref<!tpu.dma_semaphore, #tpu.memory_space<semaphore_mem>>
      %dma_start3A_188 = arith.constant 0 : i32
      %dma_start3A_189 = tpu.memref_slice %arg13[%add3A_22, %dma_start3A_188] : memref<10240x128xbf16, #tpu.memory_space<vmem_shared>> -> memref<80x128xbf16, #tpu.memory_space<vmem_shared>>
      %dma_start3A_190 = arith.constant 0 : i32
      %dma_start3A_191 = tpu.memref_slice %arg13[%add3A_22, %dma_start3A_190] : memref<10240x128xbf16, #tpu.memory_space<vmem_shared>> -> memref<80x128xbf16, #tpu.memory_space<vmem_shared>>
      tpu.enqueue_dma source(%arg8 : memref<80x128xbf16, #tpu.memory_space<vmem>>) target(%dma_start3A_191 : memref<80x128xbf16, #tpu.memory_space<vmem_shared>>) target_semaphore(%run_scoped3A : memref<!tpu.dma_semaphore, #tpu.memory_space<semaphore_mem>>)
      %dma_wait3A_192 = arith.constant 0 : i32
      %dma_wait3A_193 = tpu.memref_slice %arg13[%add3A_22, %dma_wait3A_192] : memref<10240x128xbf16, #tpu.memory_space<vmem_shared>> -> memref<80x128xbf16, #tpu.memory_space<vmem_shared>>
      %dma_wait3A_194 = arith.constant 0 : i32
      %dma_wait3A_195 = tpu.memref_slice %arg13[%add3A_22, %dma_wait3A_194] : memref<10240x128xbf16, #tpu.memory_space<vmem_shared>> -> memref<80x128xbf16, #tpu.memory_space<vmem_shared>>
      tpu.wait_dma2 semaphore(%run_scoped3A : memref<!tpu.dma_semaphore, #tpu.memory_space<semaphore_mem>>) src(%arg8 : memref<80x128xbf16, #tpu.memory_space<vmem>>) dst(%dma_wait3A_195 : memref<80x128xbf16, #tpu.memory_space<vmem_shared>>)
      tpu.yield
    }) : () -> ()
    %mul3A_23 = arith.constant 640 : i32
    %mul3A_24 = arith.muli %arg1, %mul3A_23 : i32
    %add3A_25 = arith.constant 320 : i32
    %add3A_26 = arith.addi %mul3A_24, %add3A_25 : i32
    "tpu.region"() ({
      %run_scoped3A = tpu.sem_alloc : memref<!tpu.dma_semaphore, #tpu.memory_space<semaphore_mem>>
      %dma_start3A_188 = arith.constant 0 : i32
      %dma_start3A_189 = tpu.memref_slice %arg13[%add3A_26, %dma_start3A_188] : memref<10240x128xbf16, #tpu.memory_space<vmem_shared>> -> memref<80x128xbf16, #tpu.memory_space<vmem_shared>>
      %dma_start3A_190 = arith.constant 0 : i32
      %dma_start3A_191 = tpu.memref_slice %arg13[%add3A_26, %dma_start3A_190] : memref<10240x128xbf16, #tpu.memory_space<vmem_shared>> -> memref<80x128xbf16, #tpu.memory_space<vmem_shared>>
      tpu.enqueue_dma source(%arg8 : memref<80x128xbf16, #tpu.memory_space<vmem>>) target(%dma_start3A_191 : memref<80x128xbf16, #tpu.memory_space<vmem_shared>>) target_semaphore(%run_scoped3A : memref<!tpu.dma_semaphore, #tpu.memory_space<semaphore_mem>>)
      %dma_wait3A_192 = arith.constant 0 : i32
      %dma_wait3A_193 = tpu.memref_slice %arg13[%add3A_26, %dma_wait3A_192] : memref<10240x128xbf16, #tpu.memory_space<vmem_shared>> -> memref<80x128xbf16, #tpu.memory_space<vmem_shared>>
      %dma_wait3A_194 = arith.constant 0 : i32
      %dma_wait3A_195 = tpu.memref_slice %arg13[%add3A_26, %dma_wait3A_194] : memref<10240x128xbf16, #tpu.memory_space<vmem_shared>> -> memref<80x128xbf16, #tpu.memory_space<vmem_shared>>
      tpu.wait_dma2 semaphore(%run_scoped3A : memref<!tpu.dma_semaphore, #tpu.memory_space<semaphore_mem>>) src(%arg8 : memref<80x128xbf16, #tpu.memory_space<vmem>>) dst(%dma_wait3A_195 : memref<80x128xbf16, #tpu.memory_space<vmem_shared>>)
      tpu.yield
    }) : () -> ()
    %mul3A_27 = arith.constant 640 : i32
    %mul3A_28 = arith.muli %arg1, %mul3A_27 : i32
    %add3A_29 = arith.constant 400 : i32
    %add3A_30 = arith.addi %mul3A_28, %add3A_29 : i32
    "tpu.region"() ({
      %run_scoped3A = tpu.sem_alloc : memref<!tpu.dma_semaphore, #tpu.memory_space<semaphore_mem>>
      %dma_start3A_188 = arith.constant 0 : i32
      %dma_start3A_189 = tpu.memref_slice %arg13[%add3A_30, %dma_start3A_188] : memref<10240x128xbf16, #tpu.memory_space<vmem_shared>> -> memref<80x128xbf16, #tpu.memory_space<vmem_shared>>
      %dma_start3A_190 = arith.constant 0 : i32
      %dma_start3A_191 = tpu.memref_slice %arg13[%add3A_30, %dma_start3A_190] : memref<10240x128xbf16, #tpu.memory_space<vmem_shared>> -> memref<80x128xbf16, #tpu.memory_space<vmem_shared>>
      tpu.enqueue_dma source(%arg8 : memref<80x128xbf16, #tpu.memory_space<vmem>>) target(%dma_start3A_191 : memref<80x128xbf16, #tpu.memory_space<vmem_shared>>) target_semaphore(%run_scoped3A : memref<!tpu.dma_semaphore, #tpu.memory_space<semaphore_mem>>)
      %dma_wait3A_192 = arith.constant 0 : i32
      %dma_wait3A_193 = tpu.memref_slice %arg13[%add3A_30, %dma_wait3A_192] : memref<10240x128xbf16, #tpu.memory_space<vmem_shared>> -> memref<80x128xbf16, #tpu.memory_space<vmem_shared>>
      %dma_wait3A_194 = arith.constant 0 : i32
      %dma_wait3A_195 = tpu.memref_slice %arg13[%add3A_30, %dma_wait3A_194] : memref<10240x128xbf16, #tpu.memory_space<vmem_shared>> -> memref<80x128xbf16, #tpu.memory_space<vmem_shared>>
      tpu.wait_dma2 semaphore(%run_scoped3A : memref<!tpu.dma_semaphore, #tpu.memory_space<semaphore_mem>>) src(%arg8 : memref<80x128xbf16, #tpu.memory_space<vmem>>) dst(%dma_wait3A_195 : memref<80x128xbf16, #tpu.memory_space<vmem_shared>>)
      tpu.yield
    }) : () -> ()
    %mul3A_31 = arith.constant 640 : i32
    %mul3A_32 = arith.muli %arg1, %mul3A_31 : i32
    %add3A_33 = arith.constant 480 : i32
    %add3A_34 = arith.addi %mul3A_32, %add3A_33 : i32
    "tpu.region"() ({
      %run_scoped3A = tpu.sem_alloc : memref<!tpu.dma_semaphore, #tpu.memory_space<semaphore_mem>>
      %dma_start3A_188 = arith.constant 0 : i32
      %dma_start3A_189 = tpu.memref_slice %arg13[%add3A_34, %dma_start3A_188] : memref<10240x128xbf16, #tpu.memory_space<vmem_shared>> -> memref<80x128xbf16, #tpu.memory_space<vmem_shared>>
      %dma_start3A_190 = arith.constant 0 : i32
      %dma_start3A_191 = tpu.memref_slice %arg13[%add3A_34, %dma_start3A_190] : memref<10240x128xbf16, #tpu.memory_space<vmem_shared>> -> memref<80x128xbf16, #tpu.memory_space<vmem_shared>>
      tpu.enqueue_dma source(%arg8 : memref<80x128xbf16, #tpu.memory_space<vmem>>) target(%dma_start3A_191 : memref<80x128xbf16, #tpu.memory_space<vmem_shared>>) target_semaphore(%run_scoped3A : memref<!tpu.dma_semaphore, #tpu.memory_space<semaphore_mem>>)
      %dma_wait3A_192 = arith.constant 0 : i32
      %dma_wait3A_193 = tpu.memref_slice %arg13[%add3A_34, %dma_wait3A_192] : memref<10240x128xbf16, #tpu.memory_space<vmem_shared>> -> memref<80x128xbf16, #tpu.memory_space<vmem_shared>>
      %dma_wait3A_194 = arith.constant 0 : i32
      %dma_wait3A_195 = tpu.memref_slice %arg13[%add3A_34, %dma_wait3A_194] : memref<10240x128xbf16, #tpu.memory_space<vmem_shared>> -> memref<80x128xbf16, #tpu.memory_space<vmem_shared>>
      tpu.wait_dma2 semaphore(%run_scoped3A : memref<!tpu.dma_semaphore, #tpu.memory_space<semaphore_mem>>) src(%arg8 : memref<80x128xbf16, #tpu.memory_space<vmem>>) dst(%dma_wait3A_195 : memref<80x128xbf16, #tpu.memory_space<vmem_shared>>)
      tpu.yield
    }) : () -> ()
    %mul3A_35 = arith.constant 640 : i32
    %mul3A_36 = arith.muli %arg1, %mul3A_35 : i32
    %add3A_37 = arith.constant 560 : i32
    %add3A_38 = arith.addi %mul3A_36, %add3A_37 : i32
    "tpu.region"() ({
      %run_scoped3A = tpu.sem_alloc : memref<!tpu.dma_semaphore, #tpu.memory_space<semaphore_mem>>
      %dma_start3A_188 = arith.constant 0 : i32
      %dma_start3A_189 = tpu.memref_slice %arg13[%add3A_38, %dma_start3A_188] : memref<10240x128xbf16, #tpu.memory_space<vmem_shared>> -> memref<80x128xbf16, #tpu.memory_space<vmem_shared>>
      %dma_start3A_190 = arith.constant 0 : i32
      %dma_start3A_191 = tpu.memref_slice %arg13[%add3A_38, %dma_start3A_190] : memref<10240x128xbf16, #tpu.memory_space<vmem_shared>> -> memref<80x128xbf16, #tpu.memory_space<vmem_shared>>
      tpu.enqueue_dma source(%arg8 : memref<80x128xbf16, #tpu.memory_space<vmem>>) target(%dma_start3A_191 : memref<80x128xbf16, #tpu.memory_space<vmem_shared>>) target_semaphore(%run_scoped3A : memref<!tpu.dma_semaphore, #tpu.memory_space<semaphore_mem>>)
      %dma_wait3A_192 = arith.constant 0 : i32
      %dma_wait3A_193 = tpu.memref_slice %arg13[%add3A_38, %dma_wait3A_192] : memref<10240x128xbf16, #tpu.memory_space<vmem_shared>> -> memref<80x128xbf16, #tpu.memory_space<vmem_shared>>
      %dma_wait3A_194 = arith.constant 0 : i32
      %dma_wait3A_195 = tpu.memref_slice %arg13[%add3A_38, %dma_wait3A_194] : memref<10240x128xbf16, #tpu.memory_space<vmem_shared>> -> memref<80x128xbf16, #tpu.memory_space<vmem_shared>>
      tpu.wait_dma2 semaphore(%run_scoped3A : memref<!tpu.dma_semaphore, #tpu.memory_space<semaphore_mem>>) src(%arg8 : memref<80x128xbf16, #tpu.memory_space<vmem>>) dst(%dma_wait3A_195 : memref<80x128xbf16, #tpu.memory_space<vmem_shared>>)
      tpu.yield
    }) : () -> ()
    %barrier3A = arith.constant 0 : index
    tpu.barrier barrier_id(%barrier3A)
    %dma_start3A = arith.constant 0 : i32
    %dma_start3A_39 = arith.constant 0 : i32
    %dma_start3A_40 = tpu.memref_slice %arg6[%dma_start3A, %dma_start3A_39] : memref<125x80xi32, #tpu.memory_space<vmem>> -> memref<1x80xi32, #tpu.memory_space<vmem>>
    %dma_start3A_41 = tpu.memref_squeeze %dma_start3A_40 : memref<1x80xi32, #tpu.memory_space<vmem>> -> memref<80xi32, #tpu.memory_space<vmem>>
    %dma_start3A_42 = arith.constant 0 : i32
    %dma_start3A_43 = arith.constant 0 : i32
    %dma_start3A_44 = tpu.memref_slice %arg2[%dma_start3A_42, %dma_start3A_43] : memref<10240x128xbf16, #tpu.memory_space<hbm>> -> memref<10240x128xbf16, #tpu.memory_space<hbm>>
    tpu.enqueue_indirect_dma source(%dma_start3A_44 : memref<10240x128xbf16, #tpu.memory_space<hbm>>) target(%arg8 : memref<80x128xbf16, #tpu.memory_space<vmem>>) offsets(%dma_start3A_41 : memref<80xi32, #tpu.memory_space<vmem>>) semaphore(%arg14 : memref<!tpu.dma_semaphore, #tpu.memory_space<semaphore_mem>>)
    %dma_start3A_45 = arith.constant 1 : i32
    %dma_start3A_46 = arith.constant 0 : i32
    %dma_start3A_47 = tpu.memref_slice %arg6[%dma_start3A_45, %dma_start3A_46] : memref<125x80xi32, #tpu.memory_space<vmem>> -> memref<1x80xi32, #tpu.memory_space<vmem>>
    %dma_start3A_48 = tpu.memref_squeeze %dma_start3A_47 : memref<1x80xi32, #tpu.memory_space<vmem>> -> memref<80xi32, #tpu.memory_space<vmem>>
    %dma_start3A_49 = arith.constant 0 : i32
    %dma_start3A_50 = arith.constant 0 : i32
    %dma_start3A_51 = tpu.memref_slice %arg2[%dma_start3A_49, %dma_start3A_50] : memref<10240x128xbf16, #tpu.memory_space<hbm>> -> memref<10240x128xbf16, #tpu.memory_space<hbm>>
    tpu.enqueue_indirect_dma source(%dma_start3A_51 : memref<10240x128xbf16, #tpu.memory_space<hbm>>) target(%arg9 : memref<80x128xbf16, #tpu.memory_space<vmem>>) offsets(%dma_start3A_48 : memref<80xi32, #tpu.memory_space<vmem>>) semaphore(%arg15 : memref<!tpu.dma_semaphore, #tpu.memory_space<semaphore_mem>>)
    %dma_start3A_52 = arith.constant 2 : i32
    %dma_start3A_53 = arith.constant 0 : i32
    %dma_start3A_54 = tpu.memref_slice %arg6[%dma_start3A_52, %dma_start3A_53] : memref<125x80xi32, #tpu.memory_space<vmem>> -> memref<1x80xi32, #tpu.memory_space<vmem>>
    %dma_start3A_55 = tpu.memref_squeeze %dma_start3A_54 : memref<1x80xi32, #tpu.memory_space<vmem>> -> memref<80xi32, #tpu.memory_space<vmem>>
    %dma_start3A_56 = arith.constant 0 : i32
    %dma_start3A_57 = arith.constant 0 : i32
    %dma_start3A_58 = tpu.memref_slice %arg2[%dma_start3A_56, %dma_start3A_57] : memref<10240x128xbf16, #tpu.memory_space<hbm>> -> memref<10240x128xbf16, #tpu.memory_space<hbm>>
    tpu.enqueue_indirect_dma source(%dma_start3A_58 : memref<10240x128xbf16, #tpu.memory_space<hbm>>) target(%arg10 : memref<80x128xbf16, #tpu.memory_space<vmem>>) offsets(%dma_start3A_55 : memref<80xi32, #tpu.memory_space<vmem>>) semaphore(%arg16 : memref<!tpu.dma_semaphore, #tpu.memory_space<semaphore_mem>>)
    %dma_start3A_59 = arith.constant 3 : i32
    %dma_start3A_60 = arith.constant 0 : i32
    %dma_start3A_61 = tpu.memref_slice %arg6[%dma_start3A_59, %dma_start3A_60] : memref<125x80xi32, #tpu.memory_space<vmem>> -> memref<1x80xi32, #tpu.memory_space<vmem>>
    %dma_start3A_62 = tpu.memref_squeeze %dma_start3A_61 : memref<1x80xi32, #tpu.memory_space<vmem>> -> memref<80xi32, #tpu.memory_space<vmem>>
    %dma_start3A_63 = arith.constant 0 : i32
    %dma_start3A_64 = arith.constant 0 : i32
    %dma_start3A_65 = tpu.memref_slice %arg2[%dma_start3A_63, %dma_start3A_64] : memref<10240x128xbf16, #tpu.memory_space<hbm>> -> memref<10240x128xbf16, #tpu.memory_space<hbm>>
    tpu.enqueue_indirect_dma source(%dma_start3A_65 : memref<10240x128xbf16, #tpu.memory_space<hbm>>) target(%arg11 : memref<80x128xbf16, #tpu.memory_space<vmem>>) offsets(%dma_start3A_62 : memref<80xi32, #tpu.memory_space<vmem>>) semaphore(%arg17 : memref<!tpu.dma_semaphore, #tpu.memory_space<semaphore_mem>>)
    %dma_start3A_66 = arith.constant 4 : i32
    %dma_start3A_67 = arith.constant 0 : i32
    %dma_start3A_68 = tpu.memref_slice %arg6[%dma_start3A_66, %dma_start3A_67] : memref<125x80xi32, #tpu.memory_space<vmem>> -> memref<1x80xi32, #tpu.memory_space<vmem>>
    %dma_start3A_69 = tpu.memref_squeeze %dma_start3A_68 : memref<1x80xi32, #tpu.memory_space<vmem>> -> memref<80xi32, #tpu.memory_space<vmem>>
    %dma_start3A_70 = arith.constant 0 : i32
    %dma_start3A_71 = arith.constant 0 : i32
    %dma_start3A_72 = tpu.memref_slice %arg2[%dma_start3A_70, %dma_start3A_71] : memref<10240x128xbf16, #tpu.memory_space<hbm>> -> memref<10240x128xbf16, #tpu.memory_space<hbm>>
    tpu.enqueue_indirect_dma source(%dma_start3A_72 : memref<10240x128xbf16, #tpu.memory_space<hbm>>) target(%arg12 : memref<80x128xbf16, #tpu.memory_space<vmem>>) offsets(%dma_start3A_69 : memref<80xi32, #tpu.memory_space<vmem>>) semaphore(%arg18 : memref<!tpu.dma_semaphore, #tpu.memory_space<semaphore_mem>>)
    %scan3A_73 = arith.constant 0 : i32
    %scan3A_74 = arith.constant 0 : i32
    %scan3A_75 = arith.constant 24 : i32
    %scan3A_76 = arith.addi %scan3A_74, %scan3A_75 : i32
    %scan3A_77 = arith.constant 1 : i32
    scf.for %scan3A_188 = %scan3A_74 to %scan3A_76 step %scan3A_77  : i32 {
      %mul3A_189 = arith.constant 5 : i32
      %mul3A_190 = arith.muli %scan3A_188, %mul3A_189 : i32
      %add3A_191 = arith.constant 0 : i32
      %add3A_192 = arith.addi %mul3A_190, %add3A_191 : i32
      %dma_wait3A_193 = arith.constant 0 : i32
      %dma_wait3A_194 = tpu.memref_slice %arg6[%add3A_192, %dma_wait3A_193] : memref<125x80xi32, #tpu.memory_space<vmem>> -> memref<1x80xi32, #tpu.memory_space<vmem>>
      %dma_wait3A_195 = tpu.memref_squeeze %dma_wait3A_194 : memref<1x80xi32, #tpu.memory_space<vmem>> -> memref<80xi32, #tpu.memory_space<vmem>>
      %dma_wait3A_196 = arith.constant 0 : i32
      %dma_wait3A_197 = arith.constant 0 : i32
      %dma_wait3A_198 = tpu.memref_slice %arg2[%dma_wait3A_196, %dma_wait3A_197] : memref<10240x128xbf16, #tpu.memory_space<hbm>> -> memref<10240x128xbf16, #tpu.memory_space<hbm>>
      tpu.wait_indirect_dma semaphore(%arg14 : memref<!tpu.dma_semaphore, #tpu.memory_space<semaphore_mem>>) src(%dma_wait3A_198 : memref<10240x128xbf16, #tpu.memory_space<hbm>>) dst(%arg8 : memref<80x128xbf16, #tpu.memory_space<vmem>>)
      %add3A_199 = arith.constant 0 : i32
      %add3A_200 = arith.addi %mul3A_190, %add3A_199 : i32
      %dma_start3A_201 = arith.constant 0 : i32
      %dma_start3A_202 = tpu.memref_slice %arg7[%add3A_200, %dma_start3A_201] : memref<125x80xi32, #tpu.memory_space<vmem>> -> memref<1x80xi32, #tpu.memory_space<vmem>>
      %dma_start3A_203 = tpu.memref_squeeze %dma_start3A_202 : memref<1x80xi32, #tpu.memory_space<vmem>> -> memref<80xi32, #tpu.memory_space<vmem>>
      %dma_start3A_204 = arith.constant 0 : i32
      %dma_start3A_205 = arith.constant 0 : i32
      %dma_start3A_206 = tpu.memref_slice %arg13[%dma_start3A_204, %dma_start3A_205] : memref<10240x128xbf16, #tpu.memory_space<vmem_shared>> -> memref<10240x128xbf16, #tpu.memory_space<vmem_shared>>
      tpu.enqueue_indirect_dma source(%arg8 : memref<80x128xbf16, #tpu.memory_space<vmem>>) target(%dma_start3A_206 : memref<10240x128xbf16, #tpu.memory_space<vmem_shared>>) offsets(%dma_start3A_203 : memref<80xi32, #tpu.memory_space<vmem>>) semaphore(%arg19 : memref<!tpu.dma_semaphore, #tpu.memory_space<semaphore_mem>>) {add = true}
      %add3A_207 = arith.constant 1 : i32
      %add3A_208 = arith.addi %mul3A_190, %add3A_207 : i32
      %dma_wait3A_209 = arith.constant 0 : i32
      %dma_wait3A_210 = tpu.memref_slice %arg6[%add3A_208, %dma_wait3A_209] : memref<125x80xi32, #tpu.memory_space<vmem>> -> memref<1x80xi32, #tpu.memory_space<vmem>>
      %dma_wait3A_211 = tpu.memref_squeeze %dma_wait3A_210 : memref<1x80xi32, #tpu.memory_space<vmem>> -> memref<80xi32, #tpu.memory_space<vmem>>
      %dma_wait3A_212 = arith.constant 0 : i32
      %dma_wait3A_213 = arith.constant 0 : i32
      %dma_wait3A_214 = tpu.memref_slice %arg2[%dma_wait3A_212, %dma_wait3A_213] : memref<10240x128xbf16, #tpu.memory_space<hbm>> -> memref<10240x128xbf16, #tpu.memory_space<hbm>>
      tpu.wait_indirect_dma semaphore(%arg15 : memref<!tpu.dma_semaphore, #tpu.memory_space<semaphore_mem>>) src(%dma_wait3A_214 : memref<10240x128xbf16, #tpu.memory_space<hbm>>) dst(%arg9 : memref<80x128xbf16, #tpu.memory_space<vmem>>)
      %add3A_215 = arith.constant 1 : i32
      %add3A_216 = arith.addi %mul3A_190, %add3A_215 : i32
      %dma_start3A_217 = arith.constant 0 : i32
      %dma_start3A_218 = tpu.memref_slice %arg7[%add3A_216, %dma_start3A_217] : memref<125x80xi32, #tpu.memory_space<vmem>> -> memref<1x80xi32, #tpu.memory_space<vmem>>
      %dma_start3A_219 = tpu.memref_squeeze %dma_start3A_218 : memref<1x80xi32, #tpu.memory_space<vmem>> -> memref<80xi32, #tpu.memory_space<vmem>>
      %dma_start3A_220 = arith.constant 0 : i32
      %dma_start3A_221 = arith.constant 0 : i32
      %dma_start3A_222 = tpu.memref_slice %arg13[%dma_start3A_220, %dma_start3A_221] : memref<10240x128xbf16, #tpu.memory_space<vmem_shared>> -> memref<10240x128xbf16, #tpu.memory_space<vmem_shared>>
      tpu.enqueue_indirect_dma source(%arg9 : memref<80x128xbf16, #tpu.memory_space<vmem>>) target(%dma_start3A_222 : memref<10240x128xbf16, #tpu.memory_space<vmem_shared>>) offsets(%dma_start3A_219 : memref<80xi32, #tpu.memory_space<vmem>>) semaphore(%arg20 : memref<!tpu.dma_semaphore, #tpu.memory_space<semaphore_mem>>) {add = true}
      %add3A_223 = arith.constant 2 : i32
      %add3A_224 = arith.addi %mul3A_190, %add3A_223 : i32
      %dma_wait3A_225 = arith.constant 0 : i32
      %dma_wait3A_226 = tpu.memref_slice %arg6[%add3A_224, %dma_wait3A_225] : memref<125x80xi32, #tpu.memory_space<vmem>> -> memref<1x80xi32, #tpu.memory_space<vmem>>
      %dma_wait3A_227 = tpu.memref_squeeze %dma_wait3A_226 : memref<1x80xi32, #tpu.memory_space<vmem>> -> memref<80xi32, #tpu.memory_space<vmem>>
      %dma_wait3A_228 = arith.constant 0 : i32
      %dma_wait3A_229 = arith.constant 0 : i32
      %dma_wait3A_230 = tpu.memref_slice %arg2[%dma_wait3A_228, %dma_wait3A_229] : memref<10240x128xbf16, #tpu.memory_space<hbm>> -> memref<10240x128xbf16, #tpu.memory_space<hbm>>
      tpu.wait_indirect_dma semaphore(%arg16 : memref<!tpu.dma_semaphore, #tpu.memory_space<semaphore_mem>>) src(%dma_wait3A_230 : memref<10240x128xbf16, #tpu.memory_space<hbm>>) dst(%arg10 : memref<80x128xbf16, #tpu.memory_space<vmem>>)
      %add3A_231 = arith.constant 2 : i32
      %add3A_232 = arith.addi %mul3A_190, %add3A_231 : i32
      %dma_start3A_233 = arith.constant 0 : i32
      %dma_start3A_234 = tpu.memref_slice %arg7[%add3A_232, %dma_start3A_233] : memref<125x80xi32, #tpu.memory_space<vmem>> -> memref<1x80xi32, #tpu.memory_space<vmem>>
      %dma_start3A_235 = tpu.memref_squeeze %dma_start3A_234 : memref<1x80xi32, #tpu.memory_space<vmem>> -> memref<80xi32, #tpu.memory_space<vmem>>
      %dma_start3A_236 = arith.constant 0 : i32
      %dma_start3A_237 = arith.constant 0 : i32
      %dma_start3A_238 = tpu.memref_slice %arg13[%dma_start3A_236, %dma_start3A_237] : memref<10240x128xbf16, #tpu.memory_space<vmem_shared>> -> memref<10240x128xbf16, #tpu.memory_space<vmem_shared>>
      tpu.enqueue_indirect_dma source(%arg10 : memref<80x128xbf16, #tpu.memory_space<vmem>>) target(%dma_start3A_238 : memref<10240x128xbf16, #tpu.memory_space<vmem_shared>>) offsets(%dma_start3A_235 : memref<80xi32, #tpu.memory_space<vmem>>) semaphore(%arg21 : memref<!tpu.dma_semaphore, #tpu.memory_space<semaphore_mem>>) {add = true}
      %add3A_239 = arith.constant 3 : i32
      %add3A_240 = arith.addi %mul3A_190, %add3A_239 : i32
      %dma_wait3A_241 = arith.constant 0 : i32
      %dma_wait3A_242 = tpu.memref_slice %arg6[%add3A_240, %dma_wait3A_241] : memref<125x80xi32, #tpu.memory_space<vmem>> -> memref<1x80xi32, #tpu.memory_space<vmem>>
      %dma_wait3A_243 = tpu.memref_squeeze %dma_wait3A_242 : memref<1x80xi32, #tpu.memory_space<vmem>> -> memref<80xi32, #tpu.memory_space<vmem>>
      %dma_wait3A_244 = arith.constant 0 : i32
      %dma_wait3A_245 = arith.constant 0 : i32
      %dma_wait3A_246 = tpu.memref_slice %arg2[%dma_wait3A_244, %dma_wait3A_245] : memref<10240x128xbf16, #tpu.memory_space<hbm>> -> memref<10240x128xbf16, #tpu.memory_space<hbm>>
      tpu.wait_indirect_dma semaphore(%arg17 : memref<!tpu.dma_semaphore, #tpu.memory_space<semaphore_mem>>) src(%dma_wait3A_246 : memref<10240x128xbf16, #tpu.memory_space<hbm>>) dst(%arg11 : memref<80x128xbf16, #tpu.memory_space<vmem>>)
      %add3A_247 = arith.constant 3 : i32
      %add3A_248 = arith.addi %mul3A_190, %add3A_247 : i32
      %dma_start3A_249 = arith.constant 0 : i32
      %dma_start3A_250 = tpu.memref_slice %arg7[%add3A_248, %dma_start3A_249] : memref<125x80xi32, #tpu.memory_space<vmem>> -> memref<1x80xi32, #tpu.memory_space<vmem>>
      %dma_start3A_251 = tpu.memref_squeeze %dma_start3A_250 : memref<1x80xi32, #tpu.memory_space<vmem>> -> memref<80xi32, #tpu.memory_space<vmem>>
      %dma_start3A_252 = arith.constant 0 : i32
      %dma_start3A_253 = arith.constant 0 : i32
      %dma_start3A_254 = tpu.memref_slice %arg13[%dma_start3A_252, %dma_start3A_253] : memref<10240x128xbf16, #tpu.memory_space<vmem_shared>> -> memref<10240x128xbf16, #tpu.memory_space<vmem_shared>>
      tpu.enqueue_indirect_dma source(%arg11 : memref<80x128xbf16, #tpu.memory_space<vmem>>) target(%dma_start3A_254 : memref<10240x128xbf16, #tpu.memory_space<vmem_shared>>) offsets(%dma_start3A_251 : memref<80xi32, #tpu.memory_space<vmem>>) semaphore(%arg22 : memref<!tpu.dma_semaphore, #tpu.memory_space<semaphore_mem>>) {add = true}
      %add3A_255 = arith.constant 4 : i32
      %add3A_256 = arith.addi %mul3A_190, %add3A_255 : i32
      %dma_wait3A_257 = arith.constant 0 : i32
      %dma_wait3A_258 = tpu.memref_slice %arg6[%add3A_256, %dma_wait3A_257] : memref<125x80xi32, #tpu.memory_space<vmem>> -> memref<1x80xi32, #tpu.memory_space<vmem>>
      %dma_wait3A_259 = tpu.memref_squeeze %dma_wait3A_258 : memref<1x80xi32, #tpu.memory_space<vmem>> -> memref<80xi32, #tpu.memory_space<vmem>>
      %dma_wait3A_260 = arith.constant 0 : i32
      %dma_wait3A_261 = arith.constant 0 : i32
      %dma_wait3A_262 = tpu.memref_slice %arg2[%dma_wait3A_260, %dma_wait3A_261] : memref<10240x128xbf16, #tpu.memory_space<hbm>> -> memref<10240x128xbf16, #tpu.memory_space<hbm>>
      tpu.wait_indirect_dma semaphore(%arg18 : memref<!tpu.dma_semaphore, #tpu.memory_space<semaphore_mem>>) src(%dma_wait3A_262 : memref<10240x128xbf16, #tpu.memory_space<hbm>>) dst(%arg12 : memref<80x128xbf16, #tpu.memory_space<vmem>>)
      %add3A_263 = arith.constant 4 : i32
      %add3A_264 = arith.addi %mul3A_190, %add3A_263 : i32
      %dma_start3A_265 = arith.constant 0 : i32
      %dma_start3A_266 = tpu.memref_slice %arg7[%add3A_264, %dma_start3A_265] : memref<125x80xi32, #tpu.memory_space<vmem>> -> memref<1x80xi32, #tpu.memory_space<vmem>>
      %dma_start3A_267 = tpu.memref_squeeze %dma_start3A_266 : memref<1x80xi32, #tpu.memory_space<vmem>> -> memref<80xi32, #tpu.memory_space<vmem>>
      %dma_start3A_268 = arith.constant 0 : i32
      %dma_start3A_269 = arith.constant 0 : i32
      %dma_start3A_270 = tpu.memref_slice %arg13[%dma_start3A_268, %dma_start3A_269] : memref<10240x128xbf16, #tpu.memory_space<vmem_shared>> -> memref<10240x128xbf16, #tpu.memory_space<vmem_shared>>
      tpu.enqueue_indirect_dma source(%arg12 : memref<80x128xbf16, #tpu.memory_space<vmem>>) target(%dma_start3A_270 : memref<10240x128xbf16, #tpu.memory_space<vmem_shared>>) offsets(%dma_start3A_267 : memref<80xi32, #tpu.memory_space<vmem>>) semaphore(%arg23 : memref<!tpu.dma_semaphore, #tpu.memory_space<semaphore_mem>>) {add = true}
      %add3A_271 = arith.constant 0 : i32
      %add3A_272 = arith.addi %mul3A_190, %add3A_271 : i32
      %dma_wait3A_273 = arith.constant 0 : i32
      %dma_wait3A_274 = tpu.memref_slice %arg7[%add3A_272, %dma_wait3A_273] : memref<125x80xi32, #tpu.memory_space<vmem>> -> memref<1x80xi32, #tpu.memory_space<vmem>>
      %dma_wait3A_275 = tpu.memref_squeeze %dma_wait3A_274 : memref<1x80xi32, #tpu.memory_space<vmem>> -> memref<80xi32, #tpu.memory_space<vmem>>
      %dma_wait3A_276 = arith.constant 0 : i32
      %dma_wait3A_277 = arith.constant 0 : i32
      %dma_wait3A_278 = tpu.memref_slice %arg13[%dma_wait3A_276, %dma_wait3A_277] : memref<10240x128xbf16, #tpu.memory_space<vmem_shared>> -> memref<10240x128xbf16, #tpu.memory_space<vmem_shared>>
      tpu.wait_indirect_dma semaphore(%arg19 : memref<!tpu.dma_semaphore, #tpu.memory_space<semaphore_mem>>) src(%arg8 : memref<80x128xbf16, #tpu.memory_space<vmem>>) dst(%dma_wait3A_278 : memref<10240x128xbf16, #tpu.memory_space<vmem_shared>>)
      %add3A_279 = arith.constant 5 : i32
      %add3A_280 = arith.addi %mul3A_190, %add3A_279 : i32
      %add3A_281 = arith.constant 0 : i32
      %add3A_282 = arith.addi %add3A_280, %add3A_281 : i32
      %dma_start3A_283 = arith.constant 0 : i32
      %dma_start3A_284 = tpu.memref_slice %arg6[%add3A_282, %dma_start3A_283] : memref<125x80xi32, #tpu.memory_space<vmem>> -> memref<1x80xi32, #tpu.memory_space<vmem>>
      %dma_start3A_285 = tpu.memref_squeeze %dma_start3A_284 : memref<1x80xi32, #tpu.memory_space<vmem>> -> memref<80xi32, #tpu.memory_space<vmem>>
      %dma_start3A_286 = arith.constant 0 : i32
      %dma_start3A_287 = arith.constant 0 : i32
      %dma_start3A_288 = tpu.memref_slice %arg2[%dma_start3A_286, %dma_start3A_287] : memref<10240x128xbf16, #tpu.memory_space<hbm>> -> memref<10240x128xbf16, #tpu.memory_space<hbm>>
      tpu.enqueue_indirect_dma source(%dma_start3A_288 : memref<10240x128xbf16, #tpu.memory_space<hbm>>) target(%arg8 : memref<80x128xbf16, #tpu.memory_space<vmem>>) offsets(%dma_start3A_285 : memref<80xi32, #tpu.memory_space<vmem>>) semaphore(%arg14 : memref<!tpu.dma_semaphore, #tpu.memory_space<semaphore_mem>>)
      %add3A_289 = arith.constant 1 : i32
      %add3A_290 = arith.addi %mul3A_190, %add3A_289 : i32
      %dma_wait3A_291 = arith.constant 0 : i32
      %dma_wait3A_292 = tpu.memref_slice %arg7[%add3A_290, %dma_wait3A_291] : memref<125x80xi32, #tpu.memory_space<vmem>> -> memref<1x80xi32, #tpu.memory_space<vmem>>
      %dma_wait3A_293 = tpu.memref_squeeze %dma_wait3A_292 : memref<1x80xi32, #tpu.memory_space<vmem>> -> memref<80xi32, #tpu.memory_space<vmem>>
      %dma_wait3A_294 = arith.constant 0 : i32
      %dma_wait3A_295 = arith.constant 0 : i32
      %dma_wait3A_296 = tpu.memref_slice %arg13[%dma_wait3A_294, %dma_wait3A_295] : memref<10240x128xbf16, #tpu.memory_space<vmem_shared>> -> memref<10240x128xbf16, #tpu.memory_space<vmem_shared>>
      tpu.wait_indirect_dma semaphore(%arg20 : memref<!tpu.dma_semaphore, #tpu.memory_space<semaphore_mem>>) src(%arg9 : memref<80x128xbf16, #tpu.memory_space<vmem>>) dst(%dma_wait3A_296 : memref<10240x128xbf16, #tpu.memory_space<vmem_shared>>)
      %add3A_297 = arith.constant 5 : i32
      %add3A_298 = arith.addi %mul3A_190, %add3A_297 : i32
      %add3A_299 = arith.constant 1 : i32
      %add3A_300 = arith.addi %add3A_298, %add3A_299 : i32
      %dma_start3A_301 = arith.constant 0 : i32
      %dma_start3A_302 = tpu.memref_slice %arg6[%add3A_300, %dma_start3A_301] : memref<125x80xi32, #tpu.memory_space<vmem>> -> memref<1x80xi32, #tpu.memory_space<vmem>>
      %dma_start3A_303 = tpu.memref_squeeze %dma_start3A_302 : memref<1x80xi32, #tpu.memory_space<vmem>> -> memref<80xi32, #tpu.memory_space<vmem>>
      %dma_start3A_304 = arith.constant 0 : i32
      %dma_start3A_305 = arith.constant 0 : i32
      %dma_start3A_306 = tpu.memref_slice %arg2[%dma_start3A_304, %dma_start3A_305] : memref<10240x128xbf16, #tpu.memory_space<hbm>> -> memref<10240x128xbf16, #tpu.memory_space<hbm>>
      tpu.enqueue_indirect_dma source(%dma_start3A_306 : memref<10240x128xbf16, #tpu.memory_space<hbm>>) target(%arg9 : memref<80x128xbf16, #tpu.memory_space<vmem>>) offsets(%dma_start3A_303 : memref<80xi32, #tpu.memory_space<vmem>>) semaphore(%arg15 : memref<!tpu.dma_semaphore, #tpu.memory_space<semaphore_mem>>)
      %add3A_307 = arith.constant 2 : i32
      %add3A_308 = arith.addi %mul3A_190, %add3A_307 : i32
      %dma_wait3A_309 = arith.constant 0 : i32
      %dma_wait3A_310 = tpu.memref_slice %arg7[%add3A_308, %dma_wait3A_309] : memref<125x80xi32, #tpu.memory_space<vmem>> -> memref<1x80xi32, #tpu.memory_space<vmem>>
      %dma_wait3A_311 = tpu.memref_squeeze %dma_wait3A_310 : memref<1x80xi32, #tpu.memory_space<vmem>> -> memref<80xi32, #tpu.memory_space<vmem>>
      %dma_wait3A_312 = arith.constant 0 : i32
      %dma_wait3A_313 = arith.constant 0 : i32
      %dma_wait3A_314 = tpu.memref_slice %arg13[%dma_wait3A_312, %dma_wait3A_313] : memref<10240x128xbf16, #tpu.memory_space<vmem_shared>> -> memref<10240x128xbf16, #tpu.memory_space<vmem_shared>>
      tpu.wait_indirect_dma semaphore(%arg21 : memref<!tpu.dma_semaphore, #tpu.memory_space<semaphore_mem>>) src(%arg10 : memref<80x128xbf16, #tpu.memory_space<vmem>>) dst(%dma_wait3A_314 : memref<10240x128xbf16, #tpu.memory_space<vmem_shared>>)
      %add3A_315 = arith.constant 5 : i32
      %add3A_316 = arith.addi %mul3A_190, %add3A_315 : i32
      %add3A_317 = arith.constant 2 : i32
      %add3A_318 = arith.addi %add3A_316, %add3A_317 : i32
      %dma_start3A_319 = arith.constant 0 : i32
      %dma_start3A_320 = tpu.memref_slice %arg6[%add3A_318, %dma_start3A_319] : memref<125x80xi32, #tpu.memory_space<vmem>> -> memref<1x80xi32, #tpu.memory_space<vmem>>
      %dma_start3A_321 = tpu.memref_squeeze %dma_start3A_320 : memref<1x80xi32, #tpu.memory_space<vmem>> -> memref<80xi32, #tpu.memory_space<vmem>>
      %dma_start3A_322 = arith.constant 0 : i32
      %dma_start3A_323 = arith.constant 0 : i32
      %dma_start3A_324 = tpu.memref_slice %arg2[%dma_start3A_322, %dma_start3A_323] : memref<10240x128xbf16, #tpu.memory_space<hbm>> -> memref<10240x128xbf16, #tpu.memory_space<hbm>>
      tpu.enqueue_indirect_dma source(%dma_start3A_324 : memref<10240x128xbf16, #tpu.memory_space<hbm>>) target(%arg10 : memref<80x128xbf16, #tpu.memory_space<vmem>>) offsets(%dma_start3A_321 : memref<80xi32, #tpu.memory_space<vmem>>) semaphore(%arg16 : memref<!tpu.dma_semaphore, #tpu.memory_space<semaphore_mem>>)
      %add3A_325 = arith.constant 3 : i32
      %add3A_326 = arith.addi %mul3A_190, %add3A_325 : i32
      %dma_wait3A_327 = arith.constant 0 : i32
      %dma_wait3A_328 = tpu.memref_slice %arg7[%add3A_326, %dma_wait3A_327] : memref<125x80xi32, #tpu.memory_space<vmem>> -> memref<1x80xi32, #tpu.memory_space<vmem>>
      %dma_wait3A_329 = tpu.memref_squeeze %dma_wait3A_328 : memref<1x80xi32, #tpu.memory_space<vmem>> -> memref<80xi32, #tpu.memory_space<vmem>>
      %dma_wait3A_330 = arith.constant 0 : i32
      %dma_wait3A_331 = arith.constant 0 : i32
      %dma_wait3A_332 = tpu.memref_slice %arg13[%dma_wait3A_330, %dma_wait3A_331] : memref<10240x128xbf16, #tpu.memory_space<vmem_shared>> -> memref<10240x128xbf16, #tpu.memory_space<vmem_shared>>
      tpu.wait_indirect_dma semaphore(%arg22 : memref<!tpu.dma_semaphore, #tpu.memory_space<semaphore_mem>>) src(%arg11 : memref<80x128xbf16, #tpu.memory_space<vmem>>) dst(%dma_wait3A_332 : memref<10240x128xbf16, #tpu.memory_space<vmem_shared>>)
      %add3A_333 = arith.constant 5 : i32
      %add3A_334 = arith.addi %mul3A_190, %add3A_333 : i32
      %add3A_335 = arith.constant 3 : i32
      %add3A_336 = arith.addi %add3A_334, %add3A_335 : i32
      %dma_start3A_337 = arith.constant 0 : i32
      %dma_start3A_338 = tpu.memref_slice %arg6[%add3A_336, %dma_start3A_337] : memref<125x80xi32, #tpu.memory_space<vmem>> -> memref<1x80xi32, #tpu.memory_space<vmem>>
      %dma_start3A_339 = tpu.memref_squeeze %dma_start3A_338 : memref<1x80xi32, #tpu.memory_space<vmem>> -> memref<80xi32, #tpu.memory_space<vmem>>
      %dma_start3A_340 = arith.constant 0 : i32
      %dma_start3A_341 = arith.constant 0 : i32
      %dma_start3A_342 = tpu.memref_slice %arg2[%dma_start3A_340, %dma_start3A_341] : memref<10240x128xbf16, #tpu.memory_space<hbm>> -> memref<10240x128xbf16, #tpu.memory_space<hbm>>
      tpu.enqueue_indirect_dma source(%dma_start3A_342 : memref<10240x128xbf16, #tpu.memory_space<hbm>>) target(%arg11 : memref<80x128xbf16, #tpu.memory_space<vmem>>) offsets(%dma_start3A_339 : memref<80xi32, #tpu.memory_space<vmem>>) semaphore(%arg17 : memref<!tpu.dma_semaphore, #tpu.memory_space<semaphore_mem>>)
      %add3A_343 = arith.constant 4 : i32
      %add3A_344 = arith.addi %mul3A_190, %add3A_343 : i32
      %dma_wait3A_345 = arith.constant 0 : i32
      %dma_wait3A_346 = tpu.memref_slice %arg7[%add3A_344, %dma_wait3A_345] : memref<125x80xi32, #tpu.memory_space<vmem>> -> memref<1x80xi32, #tpu.memory_space<vmem>>
      %dma_wait3A_347 = tpu.memref_squeeze %dma_wait3A_346 : memref<1x80xi32, #tpu.memory_space<vmem>> -> memref<80xi32, #tpu.memory_space<vmem>>
      %dma_wait3A_348 = arith.constant 0 : i32
      %dma_wait3A_349 = arith.constant 0 : i32
      %dma_wait3A_350 = tpu.memref_slice %arg13[%dma_wait3A_348, %dma_wait3A_349] : memref<10240x128xbf16, #tpu.memory_space<vmem_shared>> -> memref<10240x128xbf16, #tpu.memory_space<vmem_shared>>
      tpu.wait_indirect_dma semaphore(%arg23 : memref<!tpu.dma_semaphore, #tpu.memory_space<semaphore_mem>>) src(%arg12 : memref<80x128xbf16, #tpu.memory_space<vmem>>) dst(%dma_wait3A_350 : memref<10240x128xbf16, #tpu.memory_space<vmem_shared>>)
      %add3A_351 = arith.constant 5 : i32
      %add3A_352 = arith.addi %mul3A_190, %add3A_351 : i32
      %add3A_353 = arith.constant 4 : i32
      %add3A_354 = arith.addi %add3A_352, %add3A_353 : i32
      %dma_start3A_355 = arith.constant 0 : i32
      %dma_start3A_356 = tpu.memref_slice %arg6[%add3A_354, %dma_start3A_355] : memref<125x80xi32, #tpu.memory_space<vmem>> -> memref<1x80xi32, #tpu.memory_space<vmem>>
      %dma_start3A_357 = tpu.memref_squeeze %dma_start3A_356 : memref<1x80xi32, #tpu.memory_space<vmem>> -> memref<80xi32, #tpu.memory_space<vmem>>
      %dma_start3A_358 = arith.constant 0 : i32
      %dma_start3A_359 = arith.constant 0 : i32
      %dma_start3A_360 = tpu.memref_slice %arg2[%dma_start3A_358, %dma_start3A_359] : memref<10240x128xbf16, #tpu.memory_space<hbm>> -> memref<10240x128xbf16, #tpu.memory_space<hbm>>
      tpu.enqueue_indirect_dma source(%dma_start3A_360 : memref<10240x128xbf16, #tpu.memory_space<hbm>>) target(%arg12 : memref<80x128xbf16, #tpu.memory_space<vmem>>) offsets(%dma_start3A_357 : memref<80xi32, #tpu.memory_space<vmem>>) semaphore(%arg18 : memref<!tpu.dma_semaphore, #tpu.memory_space<semaphore_mem>>)
    }
    %scan3A_78 = arith.constant 24 : i32
    %dma_wait3A = arith.constant 120 : i32
    %dma_wait3A_79 = arith.constant 0 : i32
    %dma_wait3A_80 = tpu.memref_slice %arg6[%dma_wait3A, %dma_wait3A_79] : memref<125x80xi32, #tpu.memory_space<vmem>> -> memref<1x80xi32, #tpu.memory_space<vmem>>
    %dma_wait3A_81 = tpu.memref_squeeze %dma_wait3A_80 : memref<1x80xi32, #tpu.memory_space<vmem>> -> memref<80xi32, #tpu.memory_space<vmem>>
    %dma_wait3A_82 = arith.constant 0 : i32
    %dma_wait3A_83 = arith.constant 0 : i32
    %dma_wait3A_84 = tpu.memref_slice %arg2[%dma_wait3A_82, %dma_wait3A_83] : memref<10240x128xbf16, #tpu.memory_space<hbm>> -> memref<10240x128xbf16, #tpu.memory_space<hbm>>
    tpu.wait_indirect_dma semaphore(%arg14 : memref<!tpu.dma_semaphore, #tpu.memory_space<semaphore_mem>>) src(%dma_wait3A_84 : memref<10240x128xbf16, #tpu.memory_space<hbm>>) dst(%arg8 : memref<80x128xbf16, #tpu.memory_space<vmem>>)
    %dma_start3A_85 = arith.constant 120 : i32
    %dma_start3A_86 = arith.constant 0 : i32
    %dma_start3A_87 = tpu.memref_slice %arg7[%dma_start3A_85, %dma_start3A_86] : memref<125x80xi32, #tpu.memory_space<vmem>> -> memref<1x80xi32, #tpu.memory_space<vmem>>
    %dma_start3A_88 = tpu.memref_squeeze %dma_start3A_87 : memref<1x80xi32, #tpu.memory_space<vmem>> -> memref<80xi32, #tpu.memory_space<vmem>>
    %dma_start3A_89 = arith.constant 0 : i32
    %dma_start3A_90 = arith.constant 0 : i32
    %dma_start3A_91 = tpu.memref_slice %arg13[%dma_start3A_89, %dma_start3A_90] : memref<10240x128xbf16, #tpu.memory_space<vmem_shared>> -> memref<10240x128xbf16, #tpu.memory_space<vmem_shared>>
    tpu.enqueue_indirect_dma source(%arg8 : memref<80x128xbf16, #tpu.memory_space<vmem>>) target(%dma_start3A_91 : memref<10240x128xbf16, #tpu.memory_space<vmem_shared>>) offsets(%dma_start3A_88 : memref<80xi32, #tpu.memory_space<vmem>>) semaphore(%arg19 : memref<!tpu.dma_semaphore, #tpu.memory_space<semaphore_mem>>) {add = true}
    %dma_wait3A_92 = arith.constant 121 : i32
    %dma_wait3A_93 = arith.constant 0 : i32
    %dma_wait3A_94 = tpu.memref_slice %arg6[%dma_wait3A_92, %dma_wait3A_93] : memref<125x80xi32, #tpu.memory_space<vmem>> -> memref<1x80xi32, #tpu.memory_space<vmem>>
    %dma_wait3A_95 = tpu.memref_squeeze %dma_wait3A_94 : memref<1x80xi32, #tpu.memory_space<vmem>> -> memref<80xi32, #tpu.memory_space<vmem>>
    %dma_wait3A_96 = arith.constant 0 : i32
    %dma_wait3A_97 = arith.constant 0 : i32
    %dma_wait3A_98 = tpu.memref_slice %arg2[%dma_wait3A_96, %dma_wait3A_97] : memref<10240x128xbf16, #tpu.memory_space<hbm>> -> memref<10240x128xbf16, #tpu.memory_space<hbm>>
    tpu.wait_indirect_dma semaphore(%arg15 : memref<!tpu.dma_semaphore, #tpu.memory_space<semaphore_mem>>) src(%dma_wait3A_98 : memref<10240x128xbf16, #tpu.memory_space<hbm>>) dst(%arg9 : memref<80x128xbf16, #tpu.memory_space<vmem>>)
    %dma_start3A_99 = arith.constant 121 : i32
    %dma_start3A_100 = arith.constant 0 : i32
    %dma_start3A_101 = tpu.memref_slice %arg7[%dma_start3A_99, %dma_start3A_100] : memref<125x80xi32, #tpu.memory_space<vmem>> -> memref<1x80xi32, #tpu.memory_space<vmem>>
    %dma_start3A_102 = tpu.memref_squeeze %dma_start3A_101 : memref<1x80xi32, #tpu.memory_space<vmem>> -> memref<80xi32, #tpu.memory_space<vmem>>
    %dma_start3A_103 = arith.constant 0 : i32
    %dma_start3A_104 = arith.constant 0 : i32
    %dma_start3A_105 = tpu.memref_slice %arg13[%dma_start3A_103, %dma_start3A_104] : memref<10240x128xbf16, #tpu.memory_space<vmem_shared>> -> memref<10240x128xbf16, #tpu.memory_space<vmem_shared>>
    tpu.enqueue_indirect_dma source(%arg9 : memref<80x128xbf16, #tpu.memory_space<vmem>>) target(%dma_start3A_105 : memref<10240x128xbf16, #tpu.memory_space<vmem_shared>>) offsets(%dma_start3A_102 : memref<80xi32, #tpu.memory_space<vmem>>) semaphore(%arg20 : memref<!tpu.dma_semaphore, #tpu.memory_space<semaphore_mem>>) {add = true}
    %dma_wait3A_106 = arith.constant 122 : i32
    %dma_wait3A_107 = arith.constant 0 : i32
    %dma_wait3A_108 = tpu.memref_slice %arg6[%dma_wait3A_106, %dma_wait3A_107] : memref<125x80xi32, #tpu.memory_space<vmem>> -> memref<1x80xi32, #tpu.memory_space<vmem>>
    %dma_wait3A_109 = tpu.memref_squeeze %dma_wait3A_108 : memref<1x80xi32, #tpu.memory_space<vmem>> -> memref<80xi32, #tpu.memory_space<vmem>>
    %dma_wait3A_110 = arith.constant 0 : i32
    %dma_wait3A_111 = arith.constant 0 : i32
    %dma_wait3A_112 = tpu.memref_slice %arg2[%dma_wait3A_110, %dma_wait3A_111] : memref<10240x128xbf16, #tpu.memory_space<hbm>> -> memref<10240x128xbf16, #tpu.memory_space<hbm>>
    tpu.wait_indirect_dma semaphore(%arg16 : memref<!tpu.dma_semaphore, #tpu.memory_space<semaphore_mem>>) src(%dma_wait3A_112 : memref<10240x128xbf16, #tpu.memory_space<hbm>>) dst(%arg10 : memref<80x128xbf16, #tpu.memory_space<vmem>>)
    %dma_start3A_113 = arith.constant 122 : i32
    %dma_start3A_114 = arith.constant 0 : i32
    %dma_start3A_115 = tpu.memref_slice %arg7[%dma_start3A_113, %dma_start3A_114] : memref<125x80xi32, #tpu.memory_space<vmem>> -> memref<1x80xi32, #tpu.memory_space<vmem>>
    %dma_start3A_116 = tpu.memref_squeeze %dma_start3A_115 : memref<1x80xi32, #tpu.memory_space<vmem>> -> memref<80xi32, #tpu.memory_space<vmem>>
    %dma_start3A_117 = arith.constant 0 : i32
    %dma_start3A_118 = arith.constant 0 : i32
    %dma_start3A_119 = tpu.memref_slice %arg13[%dma_start3A_117, %dma_start3A_118] : memref<10240x128xbf16, #tpu.memory_space<vmem_shared>> -> memref<10240x128xbf16, #tpu.memory_space<vmem_shared>>
    tpu.enqueue_indirect_dma source(%arg10 : memref<80x128xbf16, #tpu.memory_space<vmem>>) target(%dma_start3A_119 : memref<10240x128xbf16, #tpu.memory_space<vmem_shared>>) offsets(%dma_start3A_116 : memref<80xi32, #tpu.memory_space<vmem>>) semaphore(%arg21 : memref<!tpu.dma_semaphore, #tpu.memory_space<semaphore_mem>>) {add = true}
    %dma_wait3A_120 = arith.constant 123 : i32
    %dma_wait3A_121 = arith.constant 0 : i32
    %dma_wait3A_122 = tpu.memref_slice %arg6[%dma_wait3A_120, %dma_wait3A_121] : memref<125x80xi32, #tpu.memory_space<vmem>> -> memref<1x80xi32, #tpu.memory_space<vmem>>
    %dma_wait3A_123 = tpu.memref_squeeze %dma_wait3A_122 : memref<1x80xi32, #tpu.memory_space<vmem>> -> memref<80xi32, #tpu.memory_space<vmem>>
    %dma_wait3A_124 = arith.constant 0 : i32
    %dma_wait3A_125 = arith.constant 0 : i32
    %dma_wait3A_126 = tpu.memref_slice %arg2[%dma_wait3A_124, %dma_wait3A_125] : memref<10240x128xbf16, #tpu.memory_space<hbm>> -> memref<10240x128xbf16, #tpu.memory_space<hbm>>
    tpu.wait_indirect_dma semaphore(%arg17 : memref<!tpu.dma_semaphore, #tpu.memory_space<semaphore_mem>>) src(%dma_wait3A_126 : memref<10240x128xbf16, #tpu.memory_space<hbm>>) dst(%arg11 : memref<80x128xbf16, #tpu.memory_space<vmem>>)
    %dma_start3A_127 = arith.constant 123 : i32
    %dma_start3A_128 = arith.constant 0 : i32
    %dma_start3A_129 = tpu.memref_slice %arg7[%dma_start3A_127, %dma_start3A_128] : memref<125x80xi32, #tpu.memory_space<vmem>> -> memref<1x80xi32, #tpu.memory_space<vmem>>
    %dma_start3A_130 = tpu.memref_squeeze %dma_start3A_129 : memref<1x80xi32, #tpu.memory_space<vmem>> -> memref<80xi32, #tpu.memory_space<vmem>>
    %dma_start3A_131 = arith.constant 0 : i32
    %dma_start3A_132 = arith.constant 0 : i32
    %dma_start3A_133 = tpu.memref_slice %arg13[%dma_start3A_131, %dma_start3A_132] : memref<10240x128xbf16, #tpu.memory_space<vmem_shared>> -> memref<10240x128xbf16, #tpu.memory_space<vmem_shared>>
    tpu.enqueue_indirect_dma source(%arg11 : memref<80x128xbf16, #tpu.memory_space<vmem>>) target(%dma_start3A_133 : memref<10240x128xbf16, #tpu.memory_space<vmem_shared>>) offsets(%dma_start3A_130 : memref<80xi32, #tpu.memory_space<vmem>>) semaphore(%arg22 : memref<!tpu.dma_semaphore, #tpu.memory_space<semaphore_mem>>) {add = true}
    %dma_wait3A_134 = arith.constant 124 : i32
    %dma_wait3A_135 = arith.constant 0 : i32
    %dma_wait3A_136 = tpu.memref_slice %arg6[%dma_wait3A_134, %dma_wait3A_135] : memref<125x80xi32, #tpu.memory_space<vmem>> -> memref<1x80xi32, #tpu.memory_space<vmem>>
    %dma_wait3A_137 = tpu.memref_squeeze %dma_wait3A_136 : memref<1x80xi32, #tpu.memory_space<vmem>> -> memref<80xi32, #tpu.memory_space<vmem>>
    %dma_wait3A_138 = arith.constant 0 : i32
    %dma_wait3A_139 = arith.constant 0 : i32
    %dma_wait3A_140 = tpu.memref_slice %arg2[%dma_wait3A_138, %dma_wait3A_139] : memref<10240x128xbf16, #tpu.memory_space<hbm>> -> memref<10240x128xbf16, #tpu.memory_space<hbm>>
    tpu.wait_indirect_dma semaphore(%arg18 : memref<!tpu.dma_semaphore, #tpu.memory_space<semaphore_mem>>) src(%dma_wait3A_140 : memref<10240x128xbf16, #tpu.memory_space<hbm>>) dst(%arg12 : memref<80x128xbf16, #tpu.memory_space<vmem>>)
    %dma_start3A_141 = arith.constant 124 : i32
    %dma_start3A_142 = arith.constant 0 : i32
    %dma_start3A_143 = tpu.memref_slice %arg7[%dma_start3A_141, %dma_start3A_142] : memref<125x80xi32, #tpu.memory_space<vmem>> -> memref<1x80xi32, #tpu.memory_space<vmem>>
    %dma_start3A_144 = tpu.memref_squeeze %dma_start3A_143 : memref<1x80xi32, #tpu.memory_space<vmem>> -> memref<80xi32, #tpu.memory_space<vmem>>
    %dma_start3A_145 = arith.constant 0 : i32
    %dma_start3A_146 = arith.constant 0 : i32
    %dma_start3A_147 = tpu.memref_slice %arg13[%dma_start3A_145, %dma_start3A_146] : memref<10240x128xbf16, #tpu.memory_space<vmem_shared>> -> memref<10240x128xbf16, #tpu.memory_space<vmem_shared>>
    tpu.enqueue_indirect_dma source(%arg12 : memref<80x128xbf16, #tpu.memory_space<vmem>>) target(%dma_start3A_147 : memref<10240x128xbf16, #tpu.memory_space<vmem_shared>>) offsets(%dma_start3A_144 : memref<80xi32, #tpu.memory_space<vmem>>) semaphore(%arg23 : memref<!tpu.dma_semaphore, #tpu.memory_space<semaphore_mem>>) {add = true}
    %dma_wait3A_148 = arith.constant 120 : i32
    %dma_wait3A_149 = arith.constant 0 : i32
    %dma_wait3A_150 = tpu.memref_slice %arg7[%dma_wait3A_148, %dma_wait3A_149] : memref<125x80xi32, #tpu.memory_space<vmem>> -> memref<1x80xi32, #tpu.memory_space<vmem>>
    %dma_wait3A_151 = tpu.memref_squeeze %dma_wait3A_150 : memref<1x80xi32, #tpu.memory_space<vmem>> -> memref<80xi32, #tpu.memory_space<vmem>>
    %dma_wait3A_152 = arith.constant 0 : i32
    %dma_wait3A_153 = arith.constant 0 : i32
    %dma_wait3A_154 = tpu.memref_slice %arg13[%dma_wait3A_152, %dma_wait3A_153] : memref<10240x128xbf16, #tpu.memory_space<vmem_shared>> -> memref<10240x128xbf16, #tpu.memory_space<vmem_shared>>
    tpu.wait_indirect_dma semaphore(%arg19 : memref<!tpu.dma_semaphore, #tpu.memory_space<semaphore_mem>>) src(%arg8 : memref<80x128xbf16, #tpu.memory_space<vmem>>) dst(%dma_wait3A_154 : memref<10240x128xbf16, #tpu.memory_space<vmem_shared>>)
    %dma_wait3A_155 = arith.constant 121 : i32
    %dma_wait3A_156 = arith.constant 0 : i32
    %dma_wait3A_157 = tpu.memref_slice %arg7[%dma_wait3A_155, %dma_wait3A_156] : memref<125x80xi32, #tpu.memory_space<vmem>> -> memref<1x80xi32, #tpu.memory_space<vmem>>
    %dma_wait3A_158 = tpu.memref_squeeze %dma_wait3A_157 : memref<1x80xi32, #tpu.memory_space<vmem>> -> memref<80xi32, #tpu.memory_space<vmem>>
    %dma_wait3A_159 = arith.constant 0 : i32
    %dma_wait3A_160 = arith.constant 0 : i32
    %dma_wait3A_161 = tpu.memref_slice %arg13[%dma_wait3A_159, %dma_wait3A_160] : memref<10240x128xbf16, #tpu.memory_space<vmem_shared>> -> memref<10240x128xbf16, #tpu.memory_space<vmem_shared>>
    tpu.wait_indirect_dma semaphore(%arg20 : memref<!tpu.dma_semaphore, #tpu.memory_space<semaphore_mem>>) src(%arg9 : memref<80x128xbf16, #tpu.memory_space<vmem>>) dst(%dma_wait3A_161 : memref<10240x128xbf16, #tpu.memory_space<vmem_shared>>)
    %dma_wait3A_162 = arith.constant 122 : i32
    %dma_wait3A_163 = arith.constant 0 : i32
    %dma_wait3A_164 = tpu.memref_slice %arg7[%dma_wait3A_162, %dma_wait3A_163] : memref<125x80xi32, #tpu.memory_space<vmem>> -> memref<1x80xi32, #tpu.memory_space<vmem>>
    %dma_wait3A_165 = tpu.memref_squeeze %dma_wait3A_164 : memref<1x80xi32, #tpu.memory_space<vmem>> -> memref<80xi32, #tpu.memory_space<vmem>>
    %dma_wait3A_166 = arith.constant 0 : i32
    %dma_wait3A_167 = arith.constant 0 : i32
    %dma_wait3A_168 = tpu.memref_slice %arg13[%dma_wait3A_166, %dma_wait3A_167] : memref<10240x128xbf16, #tpu.memory_space<vmem_shared>> -> memref<10240x128xbf16, #tpu.memory_space<vmem_shared>>
    tpu.wait_indirect_dma semaphore(%arg21 : memref<!tpu.dma_semaphore, #tpu.memory_space<semaphore_mem>>) src(%arg10 : memref<80x128xbf16, #tpu.memory_space<vmem>>) dst(%dma_wait3A_168 : memref<10240x128xbf16, #tpu.memory_space<vmem_shared>>)
    %dma_wait3A_169 = arith.constant 123 : i32
    %dma_wait3A_170 = arith.constant 0 : i32
    %dma_wait3A_171 = tpu.memref_slice %arg7[%dma_wait3A_169, %dma_wait3A_170] : memref<125x80xi32, #tpu.memory_space<vmem>> -> memref<1x80xi32, #tpu.memory_space<vmem>>
    %dma_wait3A_172 = tpu.memref_squeeze %dma_wait3A_171 : memref<1x80xi32, #tpu.memory_space<vmem>> -> memref<80xi32, #tpu.memory_space<vmem>>
    %dma_wait3A_173 = arith.constant 0 : i32
    %dma_wait3A_174 = arith.constant 0 : i32
    %dma_wait3A_175 = tpu.memref_slice %arg13[%dma_wait3A_173, %dma_wait3A_174] : memref<10240x128xbf16, #tpu.memory_space<vmem_shared>> -> memref<10240x128xbf16, #tpu.memory_space<vmem_shared>>
    tpu.wait_indirect_dma semaphore(%arg22 : memref<!tpu.dma_semaphore, #tpu.memory_space<semaphore_mem>>) src(%arg11 : memref<80x128xbf16, #tpu.memory_space<vmem>>) dst(%dma_wait3A_175 : memref<10240x128xbf16, #tpu.memory_space<vmem_shared>>)
    %dma_wait3A_176 = arith.constant 124 : i32
    %dma_wait3A_177 = arith.constant 0 : i32
    %dma_wait3A_178 = tpu.memref_slice %arg7[%dma_wait3A_176, %dma_wait3A_177] : memref<125x80xi32, #tpu.memory_space<vmem>> -> memref<1x80xi32, #tpu.memory_space<vmem>>
    %dma_wait3A_179 = tpu.memref_squeeze %dma_wait3A_178 : memref<1x80xi32, #tpu.memory_space<vmem>> -> memref<80xi32, #tpu.memory_space<vmem>>
    %dma_wait3A_180 = arith.constant 0 : i32
    %dma_wait3A_181 = arith.constant 0 : i32
    %dma_wait3A_182 = tpu.memref_slice %arg13[%dma_wait3A_180, %dma_wait3A_181] : memref<10240x128xbf16, #tpu.memory_space<vmem_shared>> -> memref<10240x128xbf16, #tpu.memory_space<vmem_shared>>
    tpu.wait_indirect_dma semaphore(%arg23 : memref<!tpu.dma_semaphore, #tpu.memory_space<semaphore_mem>>) src(%arg12 : memref<80x128xbf16, #tpu.memory_space<vmem>>) dst(%dma_wait3A_182 : memref<10240x128xbf16, #tpu.memory_space<vmem_shared>>)
    %barrier3A_183 = arith.constant 0 : index
    tpu.barrier barrier_id(%barrier3A_183)
    %mul3A_184 = arith.constant 640 : i32
    %mul3A_185 = arith.muli %arg1, %mul3A_184 : i32
    %mul3A_186 = arith.constant 640 : i32
    %mul3A_187 = arith.muli %arg1, %mul3A_186 : i32
    "tpu.region"() ({
      %run_scoped3A = tpu.sem_alloc : memref<!tpu.dma_semaphore, #tpu.memory_space<semaphore_mem>>
      %dma_start3A_188 = arith.constant 0 : i32
      %dma_start3A_189 = tpu.memref_slice %arg5[%arg0, %mul3A_187, %dma_start3A_188] : memref<2x10240x128xbf16, #tpu.memory_space<hbm>> -> memref<1x640x128xbf16, #tpu.memory_space<hbm>>
      %dma_start3A_190 = tpu.memref_squeeze %dma_start3A_189 : memref<1x640x128xbf16, #tpu.memory_space<hbm>> -> memref<640x128xbf16, #tpu.memory_space<hbm>>
      %dma_start3A_191 = arith.constant 0 : i32
      %dma_start3A_192 = tpu.memref_slice %arg13[%mul3A_185, %dma_start3A_191] : memref<10240x128xbf16, #tpu.memory_space<vmem_shared>> -> memref<640x128xbf16, #tpu.memory_space<vmem_shared>>
      tpu.enqueue_dma source(%dma_start3A_192 : memref<640x128xbf16, #tpu.memory_space<vmem_shared>>) target(%dma_start3A_190 : memref<640x128xbf16, #tpu.memory_space<hbm>>) target_semaphore(%run_scoped3A : memref<!tpu.dma_semaphore, #tpu.memory_space<semaphore_mem>>)
      %dma_wait3A_193 = arith.constant 0 : i32
      %dma_wait3A_194 = tpu.memref_slice %arg5[%arg0, %mul3A_187, %dma_wait3A_193] : memref<2x10240x128xbf16, #tpu.memory_space<hbm>> -> memref<1x640x128xbf16, #tpu.memory_space<hbm>>
      %dma_wait3A_195 = tpu.memref_squeeze %dma_wait3A_194 : memref<1x640x128xbf16, #tpu.memory_space<hbm>> -> memref<640x128xbf16, #tpu.memory_space<hbm>>
      %dma_wait3A_196 = arith.constant 0 : i32
      %dma_wait3A_197 = tpu.memref_slice %arg13[%mul3A_185, %dma_wait3A_196] : memref<10240x128xbf16, #tpu.memory_space<vmem_shared>> -> memref<640x128xbf16, #tpu.memory_space<vmem_shared>>
      tpu.wait_dma2 semaphore(%run_scoped3A : memref<!tpu.dma_semaphore, #tpu.memory_space<semaphore_mem>>) src(%dma_wait3A_197 : memref<640x128xbf16, #tpu.memory_space<vmem_shared>>) dst(%dma_wait3A_195 : memref<640x128xbf16, #tpu.memory_space<hbm>>)
      tpu.yield
    }) : () -> ()
    return
  }
}

#map = affine_map<(d0, d1) -> (0, 0)>
#map1 = affine_map<(d0, d1) -> (0, 0, 0)>
module attributes {stable_mosaic.version = 14 : i64} {
  func.func @prop(%arg0: i32, %arg1: i32, %arg2: memref<10000x128xbf16, #tpu.memory_space<hbm>>, %arg3: memref<32x125x80xi32, #tpu.memory_space<hbm>>, %arg4: memref<32x125x80xi32, #tpu.memory_space<hbm>>, %arg5: memref<2x10240x128xbf16, #tpu.memory_space<hbm>>, %arg6: memref<125x80xi32, #tpu.memory_space<vmem>>, %arg7: memref<125x80xi32, #tpu.memory_space<vmem>>, %arg8: memref<80x128xbf16, #tpu.memory_space<vmem>>, %arg9: memref<80x128xbf16, #tpu.memory_space<vmem>>, %arg10: memref<80x128xbf16, #tpu.memory_space<vmem>>, %arg11: memref<80x128xbf16, #tpu.memory_space<vmem>>, %arg12: memref<80x128xbf16, #tpu.memory_space<vmem>>, %arg13: memref<10240x128xbf16, #tpu.memory_space<vmem_shared>>, %arg14: memref<!tpu.dma_semaphore, #tpu.memory_space<semaphore_mem>>, %arg15: memref<!tpu.dma_semaphore, #tpu.memory_space<semaphore_mem>>, %arg16: memref<!tpu.dma_semaphore, #tpu.memory_space<semaphore_mem>>, %arg17: memref<!tpu.dma_semaphore, #tpu.memory_space<semaphore_mem>>, %arg18: memref<!tpu.dma_semaphore, #tpu.memory_space<semaphore_mem>>, %arg19: memref<!tpu.dma_semaphore, #tpu.memory_space<semaphore_mem>>, %arg20: memref<!tpu.dma_semaphore, #tpu.memory_space<semaphore_mem>>, %arg21: memref<!tpu.dma_semaphore, #tpu.memory_space<semaphore_mem>>, %arg22: memref<!tpu.dma_semaphore, #tpu.memory_space<semaphore_mem>>, %arg23: memref<!tpu.dma_semaphore, #tpu.memory_space<semaphore_mem>>) attributes {dimension_semantics = [#tpu.dimension_semantics<core_parallel>, #tpu.dimension_semantics<subcore_parallel>], iteration_bounds = array<i64: 2, 16>, scalar_prefetch = 0 : i64, scratch_operands = 18 : i64, tpu.core_type = #tpu.core_type<sc_vector_subcore>, window_params = [{transform_indices = #map}, {transform_indices = #map1}, {transform_indices = #map1}, {transform_indices = #map1}]} {
    %mul3A = arith.constant 16 : i32
    %mul3A_0 = arith.muli %arg0, %mul3A : i32
    %add3A = arith.addi %mul3A_0, %arg1 : i32
    "tpu.region"() ({
      %run_scoped3A = tpu.sem_alloc : memref<!tpu.dma_semaphore, #tpu.memory_space<semaphore_mem>>
      %dma_start3A_188 = arith.constant 0 : i32
      %dma_start3A_189 = arith.constant 0 : i32
      %dma_start3A_190 = tpu.memref_slice %arg3[%add3A, %dma_start3A_188, %dma_start3A_189] : memref<32x125x80xi32, #tpu.memory_space<hbm>> -> memref<1x125x80xi32, #tpu.memory_space<hbm>>
      %dma_start3A_191 = tpu.memref_squeeze %dma_start3A_190 : memref<1x125x80xi32, #tpu.memory_space<hbm>> -> memref<125x80xi32, #tpu.memory_space<hbm>>
      %dma_start3A_192 = arith.constant 0 : i32
      %dma_start3A_193 = arith.constant 0 : i32
      %dma_start3A_194 = tpu.memref_slice %arg3[%add3A, %dma_start3A_192, %dma_start3A_193] : memref<32x125x80xi32, #tpu.memory_space<hbm>> -> memref<1x125x80xi32, #tpu.memory_space<hbm>>
      %dma_start3A_195 = tpu.memref_squeeze %dma_start3A_194 : memref<1x125x80xi32, #tpu.memory_space<hbm>> -> memref<125x80xi32, #tpu.memory_space<hbm>>
      tpu.enqueue_dma source(%dma_start3A_195 : memref<125x80xi32, #tpu.memory_space<hbm>>) target(%arg6 : memref<125x80xi32, #tpu.memory_space<vmem>>) target_semaphore(%run_scoped3A : memref<!tpu.dma_semaphore, #tpu.memory_space<semaphore_mem>>)
      %dma_wait3A_196 = arith.constant 0 : i32
      %dma_wait3A_197 = arith.constant 0 : i32
      %dma_wait3A_198 = tpu.memref_slice %arg3[%add3A, %dma_wait3A_196, %dma_wait3A_197] : memref<32x125x80xi32, #tpu.memory_space<hbm>> -> memref<1x125x80xi32, #tpu.memory_space<hbm>>
      %dma_wait3A_199 = tpu.memref_squeeze %dma_wait3A_198 : memref<1x125x80xi32, #tpu.memory_space<hbm>> -> memref<125x80xi32, #tpu.memory_space<hbm>>
      %dma_wait3A_200 = arith.constant 0 : i32
      %dma_wait3A_201 = arith.constant 0 : i32
      %dma_wait3A_202 = tpu.memref_slice %arg3[%add3A, %dma_wait3A_200, %dma_wait3A_201] : memref<32x125x80xi32, #tpu.memory_space<hbm>> -> memref<1x125x80xi32, #tpu.memory_space<hbm>>
      %dma_wait3A_203 = tpu.memref_squeeze %dma_wait3A_202 : memref<1x125x80xi32, #tpu.memory_space<hbm>> -> memref<125x80xi32, #tpu.memory_space<hbm>>
      tpu.wait_dma2 semaphore(%run_scoped3A : memref<!tpu.dma_semaphore, #tpu.memory_space<semaphore_mem>>) src(%dma_wait3A_203 : memref<125x80xi32, #tpu.memory_space<hbm>>) dst(%arg6 : memref<125x80xi32, #tpu.memory_space<vmem>>)
      tpu.yield
    }) : () -> ()
    "tpu.region"() ({
      %run_scoped3A = tpu.sem_alloc : memref<!tpu.dma_semaphore, #tpu.memory_space<semaphore_mem>>
      %dma_start3A_188 = arith.constant 0 : i32
      %dma_start3A_189 = arith.constant 0 : i32
      %dma_start3A_190 = tpu.memref_slice %arg4[%add3A, %dma_start3A_188, %dma_start3A_189] : memref<32x125x80xi32, #tpu.memory_space<hbm>> -> memref<1x125x80xi32, #tpu.memory_space<hbm>>
      %dma_start3A_191 = tpu.memref_squeeze %dma_start3A_190 : memref<1x125x80xi32, #tpu.memory_space<hbm>> -> memref<125x80xi32, #tpu.memory_space<hbm>>
      %dma_start3A_192 = arith.constant 0 : i32
      %dma_start3A_193 = arith.constant 0 : i32
      %dma_start3A_194 = tpu.memref_slice %arg4[%add3A, %dma_start3A_192, %dma_start3A_193] : memref<32x125x80xi32, #tpu.memory_space<hbm>> -> memref<1x125x80xi32, #tpu.memory_space<hbm>>
      %dma_start3A_195 = tpu.memref_squeeze %dma_start3A_194 : memref<1x125x80xi32, #tpu.memory_space<hbm>> -> memref<125x80xi32, #tpu.memory_space<hbm>>
      tpu.enqueue_dma source(%dma_start3A_195 : memref<125x80xi32, #tpu.memory_space<hbm>>) target(%arg7 : memref<125x80xi32, #tpu.memory_space<vmem>>) target_semaphore(%run_scoped3A : memref<!tpu.dma_semaphore, #tpu.memory_space<semaphore_mem>>)
      %dma_wait3A_196 = arith.constant 0 : i32
      %dma_wait3A_197 = arith.constant 0 : i32
      %dma_wait3A_198 = tpu.memref_slice %arg4[%add3A, %dma_wait3A_196, %dma_wait3A_197] : memref<32x125x80xi32, #tpu.memory_space<hbm>> -> memref<1x125x80xi32, #tpu.memory_space<hbm>>
      %dma_wait3A_199 = tpu.memref_squeeze %dma_wait3A_198 : memref<1x125x80xi32, #tpu.memory_space<hbm>> -> memref<125x80xi32, #tpu.memory_space<hbm>>
      %dma_wait3A_200 = arith.constant 0 : i32
      %dma_wait3A_201 = arith.constant 0 : i32
      %dma_wait3A_202 = tpu.memref_slice %arg4[%add3A, %dma_wait3A_200, %dma_wait3A_201] : memref<32x125x80xi32, #tpu.memory_space<hbm>> -> memref<1x125x80xi32, #tpu.memory_space<hbm>>
      %dma_wait3A_203 = tpu.memref_squeeze %dma_wait3A_202 : memref<1x125x80xi32, #tpu.memory_space<hbm>> -> memref<125x80xi32, #tpu.memory_space<hbm>>
      tpu.wait_dma2 semaphore(%run_scoped3A : memref<!tpu.dma_semaphore, #tpu.memory_space<semaphore_mem>>) src(%dma_wait3A_203 : memref<125x80xi32, #tpu.memory_space<hbm>>) dst(%arg7 : memref<125x80xi32, #tpu.memory_space<vmem>>)
      tpu.yield
    }) : () -> ()
    %broadcast_in_dim3A = arith.constant 0.000000e+00 : bf16
    %broadcast_in_dim3A_1 = vector.broadcast %broadcast_in_dim3A : bf16 to vector<32xbf16>
    %scan3A = arith.constant 0 : i32
    %scan3A_2 = arith.constant 0 : i32
    %scan3A_3 = arith.constant 80 : i32
    %scan3A_4 = arith.addi %scan3A_2, %scan3A_3 : i32
    %scan3A_5 = arith.constant 1 : i32
    scf.for %scan3A_188 = %scan3A_2 to %scan3A_4 step %scan3A_5  : i32 {
      %swap3A = arith.index_cast %scan3A_188 : i32 to index
      %swap3A_189 = arith.constant 0 : index
      %swap3A_190 = tpu.vector_load %arg8[%swap3A, %swap3A_189] {strides = array<i32>} : memref<80x128xbf16, #tpu.memory_space<vmem>>, vector<1x32xbf16>,
      %swap3A_191 = vector.shape_cast %swap3A_190 : vector<1x32xbf16> to vector<32xbf16>
      %swap3A_192 = vector.shape_cast %broadcast_in_dim3A_1 : vector<32xbf16> to vector<1x32xbf16>
      tpu.vector_store %arg8[%swap3A, %swap3A_189], %swap3A_192 {strides = array<i32>} : memref<80x128xbf16, #tpu.memory_space<vmem>>, vector<1x32xbf16>,
      %swap3A_193 = arith.index_cast %scan3A_188 : i32 to index
      %swap3A_194 = arith.constant 32 : index
      %swap3A_195 = tpu.vector_load %arg8[%swap3A_193, %swap3A_194] {strides = array<i32>} : memref<80x128xbf16, #tpu.memory_space<vmem>>, vector<1x32xbf16>,
      %swap3A_196 = vector.shape_cast %swap3A_195 : vector<1x32xbf16> to vector<32xbf16>
      %swap3A_197 = vector.shape_cast %broadcast_in_dim3A_1 : vector<32xbf16> to vector<1x32xbf16>
      tpu.vector_store %arg8[%swap3A_193, %swap3A_194], %swap3A_197 {strides = array<i32>} : memref<80x128xbf16, #tpu.memory_space<vmem>>, vector<1x32xbf16>,
      %swap3A_198 = arith.index_cast %scan3A_188 : i32 to index
      %swap3A_199 = arith.constant 64 : index
      %swap3A_200 = tpu.vector_load %arg8[%swap3A_198, %swap3A_199] {strides = array<i32>} : memref<80x128xbf16, #tpu.memory_space<vmem>>, vector<1x32xbf16>,
      %swap3A_201 = vector.shape_cast %swap3A_200 : vector<1x32xbf16> to vector<32xbf16>
      %swap3A_202 = vector.shape_cast %broadcast_in_dim3A_1 : vector<32xbf16> to vector<1x32xbf16>
      tpu.vector_store %arg8[%swap3A_198, %swap3A_199], %swap3A_202 {strides = array<i32>} : memref<80x128xbf16, #tpu.memory_space<vmem>>, vector<1x32xbf16>,
      %swap3A_203 = arith.index_cast %scan3A_188 : i32 to index
      %swap3A_204 = arith.constant 96 : index
      %swap3A_205 = tpu.vector_load %arg8[%swap3A_203, %swap3A_204] {strides = array<i32>} : memref<80x128xbf16, #tpu.memory_space<vmem>>, vector<1x32xbf16>,
      %swap3A_206 = vector.shape_cast %swap3A_205 : vector<1x32xbf16> to vector<32xbf16>
      %swap3A_207 = vector.shape_cast %broadcast_in_dim3A_1 : vector<32xbf16> to vector<1x32xbf16>
      tpu.vector_store %arg8[%swap3A_203, %swap3A_204], %swap3A_207 {strides = array<i32>} : memref<80x128xbf16, #tpu.memory_space<vmem>>, vector<1x32xbf16>,
    }
    %scan3A_6 = arith.constant 80 : i32
    %mul3A_7 = arith.constant 640 : i32
    %mul3A_8 = arith.muli %arg1, %mul3A_7 : i32
    %add3A_9 = arith.constant 0 : i32
    %add3A_10 = arith.addi %mul3A_8, %add3A_9 : i32
    "tpu.region"() ({
      %run_scoped3A = tpu.sem_alloc : memref<!tpu.dma_semaphore, #tpu.memory_space<semaphore_mem>>
      %dma_start3A_188 = arith.constant 0 : i32
      %dma_start3A_189 = tpu.memref_slice %arg13[%add3A_10, %dma_start3A_188] : memref<10240x128xbf16, #tpu.memory_space<vmem_shared>> -> memref<80x128xbf16, #tpu.memory_space<vmem_shared>>
      %dma_start3A_190 = arith.constant 0 : i32
      %dma_start3A_191 = tpu.memref_slice %arg13[%add3A_10, %dma_start3A_190] : memref<10240x128xbf16, #tpu.memory_space<vmem_shared>> -> memref<80x128xbf16, #tpu.memory_space<vmem_shared>>
      tpu.enqueue_dma source(%arg8 : memref<80x128xbf16, #tpu.memory_space<vmem>>) target(%dma_start3A_191 : memref<80x128xbf16, #tpu.memory_space<vmem_shared>>) target_semaphore(%run_scoped3A : memref<!tpu.dma_semaphore, #tpu.memory_space<semaphore_mem>>)
      %dma_wait3A_192 = arith.constant 0 : i32
      %dma_wait3A_193 = tpu.memref_slice %arg13[%add3A_10, %dma_wait3A_192] : memref<10240x128xbf16, #tpu.memory_space<vmem_shared>> -> memref<80x128xbf16, #tpu.memory_space<vmem_shared>>
      %dma_wait3A_194 = arith.constant 0 : i32
      %dma_wait3A_195 = tpu.memref_slice %arg13[%add3A_10, %dma_wait3A_194] : memref<10240x128xbf16, #tpu.memory_space<vmem_shared>> -> memref<80x128xbf16, #tpu.memory_space<vmem_shared>>
      tpu.wait_dma2 semaphore(%run_scoped3A : memref<!tpu.dma_semaphore, #tpu.memory_space<semaphore_mem>>) src(%arg8 : memref<80x128xbf16, #tpu.memory_space<vmem>>) dst(%dma_wait3A_195 : memref<80x128xbf16, #tpu.memory_space<vmem_shared>>)
      tpu.yield
    }) : () -> ()
    %mul3A_11 = arith.constant 640 : i32
    %mul3A_12 = arith.muli %arg1, %mul3A_11 : i32
    %add3A_13 = arith.constant 80 : i32
    %add3A_14 = arith.addi %mul3A_12, %add3A_13 : i32
    "tpu.region"() ({
      %run_scoped3A = tpu.sem_alloc : memref<!tpu.dma_semaphore, #tpu.memory_space<semaphore_mem>>
      %dma_start3A_188 = arith.constant 0 : i32
      %dma_start3A_189 = tpu.memref_slice %arg13[%add3A_14, %dma_start3A_188] : memref<10240x128xbf16, #tpu.memory_space<vmem_shared>> -> memref<80x128xbf16, #tpu.memory_space<vmem_shared>>
      %dma_start3A_190 = arith.constant 0 : i32
      %dma_start3A_191 = tpu.memref_slice %arg13[%add3A_14, %dma_start3A_190] : memref<10240x128xbf16, #tpu.memory_space<vmem_shared>> -> memref<80x128xbf16, #tpu.memory_space<vmem_shared>>
      tpu.enqueue_dma source(%arg8 : memref<80x128xbf16, #tpu.memory_space<vmem>>) target(%dma_start3A_191 : memref<80x128xbf16, #tpu.memory_space<vmem_shared>>) target_semaphore(%run_scoped3A : memref<!tpu.dma_semaphore, #tpu.memory_space<semaphore_mem>>)
      %dma_wait3A_192 = arith.constant 0 : i32
      %dma_wait3A_193 = tpu.memref_slice %arg13[%add3A_14, %dma_wait3A_192] : memref<10240x128xbf16, #tpu.memory_space<vmem_shared>> -> memref<80x128xbf16, #tpu.memory_space<vmem_shared>>
      %dma_wait3A_194 = arith.constant 0 : i32
      %dma_wait3A_195 = tpu.memref_slice %arg13[%add3A_14, %dma_wait3A_194] : memref<10240x128xbf16, #tpu.memory_space<vmem_shared>> -> memref<80x128xbf16, #tpu.memory_space<vmem_shared>>
      tpu.wait_dma2 semaphore(%run_scoped3A : memref<!tpu.dma_semaphore, #tpu.memory_space<semaphore_mem>>) src(%arg8 : memref<80x128xbf16, #tpu.memory_space<vmem>>) dst(%dma_wait3A_195 : memref<80x128xbf16, #tpu.memory_space<vmem_shared>>)
      tpu.yield
    }) : () -> ()
    %mul3A_15 = arith.constant 640 : i32
    %mul3A_16 = arith.muli %arg1, %mul3A_15 : i32
    %add3A_17 = arith.constant 160 : i32
    %add3A_18 = arith.addi %mul3A_16, %add3A_17 : i32
    "tpu.region"() ({
      %run_scoped3A = tpu.sem_alloc : memref<!tpu.dma_semaphore, #tpu.memory_space<semaphore_mem>>
      %dma_start3A_188 = arith.constant 0 : i32
      %dma_start3A_189 = tpu.memref_slice %arg13[%add3A_18, %dma_start3A_188] : memref<10240x128xbf16, #tpu.memory_space<vmem_shared>> -> memref<80x128xbf16, #tpu.memory_space<vmem_shared>>
      %dma_start3A_190 = arith.constant 0 : i32
      %dma_start3A_191 = tpu.memref_slice %arg13[%add3A_18, %dma_start3A_190] : memref<10240x128xbf16, #tpu.memory_space<vmem_shared>> -> memref<80x128xbf16, #tpu.memory_space<vmem_shared>>
      tpu.enqueue_dma source(%arg8 : memref<80x128xbf16, #tpu.memory_space<vmem>>) target(%dma_start3A_191 : memref<80x128xbf16, #tpu.memory_space<vmem_shared>>) target_semaphore(%run_scoped3A : memref<!tpu.dma_semaphore, #tpu.memory_space<semaphore_mem>>)
      %dma_wait3A_192 = arith.constant 0 : i32
      %dma_wait3A_193 = tpu.memref_slice %arg13[%add3A_18, %dma_wait3A_192] : memref<10240x128xbf16, #tpu.memory_space<vmem_shared>> -> memref<80x128xbf16, #tpu.memory_space<vmem_shared>>
      %dma_wait3A_194 = arith.constant 0 : i32
      %dma_wait3A_195 = tpu.memref_slice %arg13[%add3A_18, %dma_wait3A_194] : memref<10240x128xbf16, #tpu.memory_space<vmem_shared>> -> memref<80x128xbf16, #tpu.memory_space<vmem_shared>>
      tpu.wait_dma2 semaphore(%run_scoped3A : memref<!tpu.dma_semaphore, #tpu.memory_space<semaphore_mem>>) src(%arg8 : memref<80x128xbf16, #tpu.memory_space<vmem>>) dst(%dma_wait3A_195 : memref<80x128xbf16, #tpu.memory_space<vmem_shared>>)
      tpu.yield
    }) : () -> ()
    %mul3A_19 = arith.constant 640 : i32
    %mul3A_20 = arith.muli %arg1, %mul3A_19 : i32
    %add3A_21 = arith.constant 240 : i32
    %add3A_22 = arith.addi %mul3A_20, %add3A_21 : i32
    "tpu.region"() ({
      %run_scoped3A = tpu.sem_alloc : memref<!tpu.dma_semaphore, #tpu.memory_space<semaphore_mem>>
      %dma_start3A_188 = arith.constant 0 : i32
      %dma_start3A_189 = tpu.memref_slice %arg13[%add3A_22, %dma_start3A_188] : memref<10240x128xbf16, #tpu.memory_space<vmem_shared>> -> memref<80x128xbf16, #tpu.memory_space<vmem_shared>>
      %dma_start3A_190 = arith.constant 0 : i32
      %dma_start3A_191 = tpu.memref_slice %arg13[%add3A_22, %dma_start3A_190] : memref<10240x128xbf16, #tpu.memory_space<vmem_shared>> -> memref<80x128xbf16, #tpu.memory_space<vmem_shared>>
      tpu.enqueue_dma source(%arg8 : memref<80x128xbf16, #tpu.memory_space<vmem>>) target(%dma_start3A_191 : memref<80x128xbf16, #tpu.memory_space<vmem_shared>>) target_semaphore(%run_scoped3A : memref<!tpu.dma_semaphore, #tpu.memory_space<semaphore_mem>>)
      %dma_wait3A_192 = arith.constant 0 : i32
      %dma_wait3A_193 = tpu.memref_slice %arg13[%add3A_22, %dma_wait3A_192] : memref<10240x128xbf16, #tpu.memory_space<vmem_shared>> -> memref<80x128xbf16, #tpu.memory_space<vmem_shared>>
      %dma_wait3A_194 = arith.constant 0 : i32
      %dma_wait3A_195 = tpu.memref_slice %arg13[%add3A_22, %dma_wait3A_194] : memref<10240x128xbf16, #tpu.memory_space<vmem_shared>> -> memref<80x128xbf16, #tpu.memory_space<vmem_shared>>
      tpu.wait_dma2 semaphore(%run_scoped3A : memref<!tpu.dma_semaphore, #tpu.memory_space<semaphore_mem>>) src(%arg8 : memref<80x128xbf16, #tpu.memory_space<vmem>>) dst(%dma_wait3A_195 : memref<80x128xbf16, #tpu.memory_space<vmem_shared>>)
      tpu.yield
    }) : () -> ()
    %mul3A_23 = arith.constant 640 : i32
    %mul3A_24 = arith.muli %arg1, %mul3A_23 : i32
    %add3A_25 = arith.constant 320 : i32
    %add3A_26 = arith.addi %mul3A_24, %add3A_25 : i32
    "tpu.region"() ({
      %run_scoped3A = tpu.sem_alloc : memref<!tpu.dma_semaphore, #tpu.memory_space<semaphore_mem>>
      %dma_start3A_188 = arith.constant 0 : i32
      %dma_start3A_189 = tpu.memref_slice %arg13[%add3A_26, %dma_start3A_188] : memref<10240x128xbf16, #tpu.memory_space<vmem_shared>> -> memref<80x128xbf16, #tpu.memory_space<vmem_shared>>
      %dma_start3A_190 = arith.constant 0 : i32
      %dma_start3A_191 = tpu.memref_slice %arg13[%add3A_26, %dma_start3A_190] : memref<10240x128xbf16, #tpu.memory_space<vmem_shared>> -> memref<80x128xbf16, #tpu.memory_space<vmem_shared>>
      tpu.enqueue_dma source(%arg8 : memref<80x128xbf16, #tpu.memory_space<vmem>>) target(%dma_start3A_191 : memref<80x128xbf16, #tpu.memory_space<vmem_shared>>) target_semaphore(%run_scoped3A : memref<!tpu.dma_semaphore, #tpu.memory_space<semaphore_mem>>)
      %dma_wait3A_192 = arith.constant 0 : i32
      %dma_wait3A_193 = tpu.memref_slice %arg13[%add3A_26, %dma_wait3A_192] : memref<10240x128xbf16, #tpu.memory_space<vmem_shared>> -> memref<80x128xbf16, #tpu.memory_space<vmem_shared>>
      %dma_wait3A_194 = arith.constant 0 : i32
      %dma_wait3A_195 = tpu.memref_slice %arg13[%add3A_26, %dma_wait3A_194] : memref<10240x128xbf16, #tpu.memory_space<vmem_shared>> -> memref<80x128xbf16, #tpu.memory_space<vmem_shared>>
      tpu.wait_dma2 semaphore(%run_scoped3A : memref<!tpu.dma_semaphore, #tpu.memory_space<semaphore_mem>>) src(%arg8 : memref<80x128xbf16, #tpu.memory_space<vmem>>) dst(%dma_wait3A_195 : memref<80x128xbf16, #tpu.memory_space<vmem_shared>>)
      tpu.yield
    }) : () -> ()
    %mul3A_27 = arith.constant 640 : i32
    %mul3A_28 = arith.muli %arg1, %mul3A_27 : i32
    %add3A_29 = arith.constant 400 : i32
    %add3A_30 = arith.addi %mul3A_28, %add3A_29 : i32
    "tpu.region"() ({
      %run_scoped3A = tpu.sem_alloc : memref<!tpu.dma_semaphore, #tpu.memory_space<semaphore_mem>>
      %dma_start3A_188 = arith.constant 0 : i32
      %dma_start3A_189 = tpu.memref_slice %arg13[%add3A_30, %dma_start3A_188] : memref<10240x128xbf16, #tpu.memory_space<vmem_shared>> -> memref<80x128xbf16, #tpu.memory_space<vmem_shared>>
      %dma_start3A_190 = arith.constant 0 : i32
      %dma_start3A_191 = tpu.memref_slice %arg13[%add3A_30, %dma_start3A_190] : memref<10240x128xbf16, #tpu.memory_space<vmem_shared>> -> memref<80x128xbf16, #tpu.memory_space<vmem_shared>>
      tpu.enqueue_dma source(%arg8 : memref<80x128xbf16, #tpu.memory_space<vmem>>) target(%dma_start3A_191 : memref<80x128xbf16, #tpu.memory_space<vmem_shared>>) target_semaphore(%run_scoped3A : memref<!tpu.dma_semaphore, #tpu.memory_space<semaphore_mem>>)
      %dma_wait3A_192 = arith.constant 0 : i32
      %dma_wait3A_193 = tpu.memref_slice %arg13[%add3A_30, %dma_wait3A_192] : memref<10240x128xbf16, #tpu.memory_space<vmem_shared>> -> memref<80x128xbf16, #tpu.memory_space<vmem_shared>>
      %dma_wait3A_194 = arith.constant 0 : i32
      %dma_wait3A_195 = tpu.memref_slice %arg13[%add3A_30, %dma_wait3A_194] : memref<10240x128xbf16, #tpu.memory_space<vmem_shared>> -> memref<80x128xbf16, #tpu.memory_space<vmem_shared>>
      tpu.wait_dma2 semaphore(%run_scoped3A : memref<!tpu.dma_semaphore, #tpu.memory_space<semaphore_mem>>) src(%arg8 : memref<80x128xbf16, #tpu.memory_space<vmem>>) dst(%dma_wait3A_195 : memref<80x128xbf16, #tpu.memory_space<vmem_shared>>)
      tpu.yield
    }) : () -> ()
    %mul3A_31 = arith.constant 640 : i32
    %mul3A_32 = arith.muli %arg1, %mul3A_31 : i32
    %add3A_33 = arith.constant 480 : i32
    %add3A_34 = arith.addi %mul3A_32, %add3A_33 : i32
    "tpu.region"() ({
      %run_scoped3A = tpu.sem_alloc : memref<!tpu.dma_semaphore, #tpu.memory_space<semaphore_mem>>
      %dma_start3A_188 = arith.constant 0 : i32
      %dma_start3A_189 = tpu.memref_slice %arg13[%add3A_34, %dma_start3A_188] : memref<10240x128xbf16, #tpu.memory_space<vmem_shared>> -> memref<80x128xbf16, #tpu.memory_space<vmem_shared>>
      %dma_start3A_190 = arith.constant 0 : i32
      %dma_start3A_191 = tpu.memref_slice %arg13[%add3A_34, %dma_start3A_190] : memref<10240x128xbf16, #tpu.memory_space<vmem_shared>> -> memref<80x128xbf16, #tpu.memory_space<vmem_shared>>
      tpu.enqueue_dma source(%arg8 : memref<80x128xbf16, #tpu.memory_space<vmem>>) target(%dma_start3A_191 : memref<80x128xbf16, #tpu.memory_space<vmem_shared>>) target_semaphore(%run_scoped3A : memref<!tpu.dma_semaphore, #tpu.memory_space<semaphore_mem>>)
      %dma_wait3A_192 = arith.constant 0 : i32
      %dma_wait3A_193 = tpu.memref_slice %arg13[%add3A_34, %dma_wait3A_192] : memref<10240x128xbf16, #tpu.memory_space<vmem_shared>> -> memref<80x128xbf16, #tpu.memory_space<vmem_shared>>
      %dma_wait3A_194 = arith.constant 0 : i32
      %dma_wait3A_195 = tpu.memref_slice %arg13[%add3A_34, %dma_wait3A_194] : memref<10240x128xbf16, #tpu.memory_space<vmem_shared>> -> memref<80x128xbf16, #tpu.memory_space<vmem_shared>>
      tpu.wait_dma2 semaphore(%run_scoped3A : memref<!tpu.dma_semaphore, #tpu.memory_space<semaphore_mem>>) src(%arg8 : memref<80x128xbf16, #tpu.memory_space<vmem>>) dst(%dma_wait3A_195 : memref<80x128xbf16, #tpu.memory_space<vmem_shared>>)
      tpu.yield
    }) : () -> ()
    %mul3A_35 = arith.constant 640 : i32
    %mul3A_36 = arith.muli %arg1, %mul3A_35 : i32
    %add3A_37 = arith.constant 560 : i32
    %add3A_38 = arith.addi %mul3A_36, %add3A_37 : i32
    "tpu.region"() ({
      %run_scoped3A = tpu.sem_alloc : memref<!tpu.dma_semaphore, #tpu.memory_space<semaphore_mem>>
      %dma_start3A_188 = arith.constant 0 : i32
      %dma_start3A_189 = tpu.memref_slice %arg13[%add3A_38, %dma_start3A_188] : memref<10240x128xbf16, #tpu.memory_space<vmem_shared>> -> memref<80x128xbf16, #tpu.memory_space<vmem_shared>>
      %dma_start3A_190 = arith.constant 0 : i32
      %dma_start3A_191 = tpu.memref_slice %arg13[%add3A_38, %dma_start3A_190] : memref<10240x128xbf16, #tpu.memory_space<vmem_shared>> -> memref<80x128xbf16, #tpu.memory_space<vmem_shared>>
      tpu.enqueue_dma source(%arg8 : memref<80x128xbf16, #tpu.memory_space<vmem>>) target(%dma_start3A_191 : memref<80x128xbf16, #tpu.memory_space<vmem_shared>>) target_semaphore(%run_scoped3A : memref<!tpu.dma_semaphore, #tpu.memory_space<semaphore_mem>>)
      %dma_wait3A_192 = arith.constant 0 : i32
      %dma_wait3A_193 = tpu.memref_slice %arg13[%add3A_38, %dma_wait3A_192] : memref<10240x128xbf16, #tpu.memory_space<vmem_shared>> -> memref<80x128xbf16, #tpu.memory_space<vmem_shared>>
      %dma_wait3A_194 = arith.constant 0 : i32
      %dma_wait3A_195 = tpu.memref_slice %arg13[%add3A_38, %dma_wait3A_194] : memref<10240x128xbf16, #tpu.memory_space<vmem_shared>> -> memref<80x128xbf16, #tpu.memory_space<vmem_shared>>
      tpu.wait_dma2 semaphore(%run_scoped3A : memref<!tpu.dma_semaphore, #tpu.memory_space<semaphore_mem>>) src(%arg8 : memref<80x128xbf16, #tpu.memory_space<vmem>>) dst(%dma_wait3A_195 : memref<80x128xbf16, #tpu.memory_space<vmem_shared>>)
      tpu.yield
    }) : () -> ()
    %barrier3A = arith.constant 0 : index
    tpu.barrier barrier_id(%barrier3A)
    %dma_start3A = arith.constant 0 : i32
    %dma_start3A_39 = arith.constant 0 : i32
    %dma_start3A_40 = tpu.memref_slice %arg6[%dma_start3A, %dma_start3A_39] : memref<125x80xi32, #tpu.memory_space<vmem>> -> memref<1x80xi32, #tpu.memory_space<vmem>>
    %dma_start3A_41 = tpu.memref_squeeze %dma_start3A_40 : memref<1x80xi32, #tpu.memory_space<vmem>> -> memref<80xi32, #tpu.memory_space<vmem>>
    %dma_start3A_42 = arith.constant 0 : i32
    %dma_start3A_43 = arith.constant 0 : i32
    %dma_start3A_44 = tpu.memref_slice %arg2[%dma_start3A_42, %dma_start3A_43] : memref<10000x128xbf16, #tpu.memory_space<hbm>> -> memref<10000x128xbf16, #tpu.memory_space<hbm>>
    tpu.enqueue_indirect_dma source(%dma_start3A_44 : memref<10000x128xbf16, #tpu.memory_space<hbm>>) target(%arg8 : memref<80x128xbf16, #tpu.memory_space<vmem>>) offsets(%dma_start3A_41 : memref<80xi32, #tpu.memory_space<vmem>>) semaphore(%arg14 : memref<!tpu.dma_semaphore, #tpu.memory_space<semaphore_mem>>)
    %dma_start3A_45 = arith.constant 1 : i32
    %dma_start3A_46 = arith.constant 0 : i32
    %dma_start3A_47 = tpu.memref_slice %arg6[%dma_start3A_45, %dma_start3A_46] : memref<125x80xi32, #tpu.memory_space<vmem>> -> memref<1x80xi32, #tpu.memory_space<vmem>>
    %dma_start3A_48 = tpu.memref_squeeze %dma_start3A_47 : memref<1x80xi32, #tpu.memory_space<vmem>> -> memref<80xi32, #tpu.memory_space<vmem>>
    %dma_start3A_49 = arith.constant 0 : i32
    %dma_start3A_50 = arith.constant 0 : i32
    %dma_start3A_51 = tpu.memref_slice %arg2[%dma_start3A_49, %dma_start3A_50] : memref<10000x128xbf16, #tpu.memory_space<hbm>> -> memref<10000x128xbf16, #tpu.memory_space<hbm>>
    tpu.enqueue_indirect_dma source(%dma_start3A_51 : memref<10000x128xbf16, #tpu.memory_space<hbm>>) target(%arg9 : memref<80x128xbf16, #tpu.memory_space<vmem>>) offsets(%dma_start3A_48 : memref<80xi32, #tpu.memory_space<vmem>>) semaphore(%arg15 : memref<!tpu.dma_semaphore, #tpu.memory_space<semaphore_mem>>)
    %dma_start3A_52 = arith.constant 2 : i32
    %dma_start3A_53 = arith.constant 0 : i32
    %dma_start3A_54 = tpu.memref_slice %arg6[%dma_start3A_52, %dma_start3A_53] : memref<125x80xi32, #tpu.memory_space<vmem>> -> memref<1x80xi32, #tpu.memory_space<vmem>>
    %dma_start3A_55 = tpu.memref_squeeze %dma_start3A_54 : memref<1x80xi32, #tpu.memory_space<vmem>> -> memref<80xi32, #tpu.memory_space<vmem>>
    %dma_start3A_56 = arith.constant 0 : i32
    %dma_start3A_57 = arith.constant 0 : i32
    %dma_start3A_58 = tpu.memref_slice %arg2[%dma_start3A_56, %dma_start3A_57] : memref<10000x128xbf16, #tpu.memory_space<hbm>> -> memref<10000x128xbf16, #tpu.memory_space<hbm>>
    tpu.enqueue_indirect_dma source(%dma_start3A_58 : memref<10000x128xbf16, #tpu.memory_space<hbm>>) target(%arg10 : memref<80x128xbf16, #tpu.memory_space<vmem>>) offsets(%dma_start3A_55 : memref<80xi32, #tpu.memory_space<vmem>>) semaphore(%arg16 : memref<!tpu.dma_semaphore, #tpu.memory_space<semaphore_mem>>)
    %dma_start3A_59 = arith.constant 3 : i32
    %dma_start3A_60 = arith.constant 0 : i32
    %dma_start3A_61 = tpu.memref_slice %arg6[%dma_start3A_59, %dma_start3A_60] : memref<125x80xi32, #tpu.memory_space<vmem>> -> memref<1x80xi32, #tpu.memory_space<vmem>>
    %dma_start3A_62 = tpu.memref_squeeze %dma_start3A_61 : memref<1x80xi32, #tpu.memory_space<vmem>> -> memref<80xi32, #tpu.memory_space<vmem>>
    %dma_start3A_63 = arith.constant 0 : i32
    %dma_start3A_64 = arith.constant 0 : i32
    %dma_start3A_65 = tpu.memref_slice %arg2[%dma_start3A_63, %dma_start3A_64] : memref<10000x128xbf16, #tpu.memory_space<hbm>> -> memref<10000x128xbf16, #tpu.memory_space<hbm>>
    tpu.enqueue_indirect_dma source(%dma_start3A_65 : memref<10000x128xbf16, #tpu.memory_space<hbm>>) target(%arg11 : memref<80x128xbf16, #tpu.memory_space<vmem>>) offsets(%dma_start3A_62 : memref<80xi32, #tpu.memory_space<vmem>>) semaphore(%arg17 : memref<!tpu.dma_semaphore, #tpu.memory_space<semaphore_mem>>)
    %dma_start3A_66 = arith.constant 4 : i32
    %dma_start3A_67 = arith.constant 0 : i32
    %dma_start3A_68 = tpu.memref_slice %arg6[%dma_start3A_66, %dma_start3A_67] : memref<125x80xi32, #tpu.memory_space<vmem>> -> memref<1x80xi32, #tpu.memory_space<vmem>>
    %dma_start3A_69 = tpu.memref_squeeze %dma_start3A_68 : memref<1x80xi32, #tpu.memory_space<vmem>> -> memref<80xi32, #tpu.memory_space<vmem>>
    %dma_start3A_70 = arith.constant 0 : i32
    %dma_start3A_71 = arith.constant 0 : i32
    %dma_start3A_72 = tpu.memref_slice %arg2[%dma_start3A_70, %dma_start3A_71] : memref<10000x128xbf16, #tpu.memory_space<hbm>> -> memref<10000x128xbf16, #tpu.memory_space<hbm>>
    tpu.enqueue_indirect_dma source(%dma_start3A_72 : memref<10000x128xbf16, #tpu.memory_space<hbm>>) target(%arg12 : memref<80x128xbf16, #tpu.memory_space<vmem>>) offsets(%dma_start3A_69 : memref<80xi32, #tpu.memory_space<vmem>>) semaphore(%arg18 : memref<!tpu.dma_semaphore, #tpu.memory_space<semaphore_mem>>)
    %scan3A_73 = arith.constant 0 : i32
    %scan3A_74 = arith.constant 0 : i32
    %scan3A_75 = arith.constant 24 : i32
    %scan3A_76 = arith.addi %scan3A_74, %scan3A_75 : i32
    %scan3A_77 = arith.constant 1 : i32
    scf.for %scan3A_188 = %scan3A_74 to %scan3A_76 step %scan3A_77  : i32 {
      %mul3A_189 = arith.constant 5 : i32
      %mul3A_190 = arith.muli %scan3A_188, %mul3A_189 : i32
      %add3A_191 = arith.constant 0 : i32
      %add3A_192 = arith.addi %mul3A_190, %add3A_191 : i32
      %dma_wait3A_193 = arith.constant 0 : i32
      %dma_wait3A_194 = tpu.memref_slice %arg6[%add3A_192, %dma_wait3A_193] : memref<125x80xi32, #tpu.memory_space<vmem>> -> memref<1x80xi32, #tpu.memory_space<vmem>>
      %dma_wait3A_195 = tpu.memref_squeeze %dma_wait3A_194 : memref<1x80xi32, #tpu.memory_space<vmem>> -> memref<80xi32, #tpu.memory_space<vmem>>
      %dma_wait3A_196 = arith.constant 0 : i32
      %dma_wait3A_197 = arith.constant 0 : i32
      %dma_wait3A_198 = tpu.memref_slice %arg2[%dma_wait3A_196, %dma_wait3A_197] : memref<10000x128xbf16, #tpu.memory_space<hbm>> -> memref<10000x128xbf16, #tpu.memory_space<hbm>>
      tpu.wait_indirect_dma semaphore(%arg14 : memref<!tpu.dma_semaphore, #tpu.memory_space<semaphore_mem>>) src(%dma_wait3A_198 : memref<10000x128xbf16, #tpu.memory_space<hbm>>) dst(%arg8 : memref<80x128xbf16, #tpu.memory_space<vmem>>)
      %add3A_199 = arith.constant 0 : i32
      %add3A_200 = arith.addi %mul3A_190, %add3A_199 : i32
      %dma_start3A_201 = arith.constant 0 : i32
      %dma_start3A_202 = tpu.memref_slice %arg7[%add3A_200, %dma_start3A_201] : memref<125x80xi32, #tpu.memory_space<vmem>> -> memref<1x80xi32, #tpu.memory_space<vmem>>
      %dma_start3A_203 = tpu.memref_squeeze %dma_start3A_202 : memref<1x80xi32, #tpu.memory_space<vmem>> -> memref<80xi32, #tpu.memory_space<vmem>>
      %dma_start3A_204 = arith.constant 0 : i32
      %dma_start3A_205 = arith.constant 0 : i32
      %dma_start3A_206 = tpu.memref_slice %arg13[%dma_start3A_204, %dma_start3A_205] : memref<10240x128xbf16, #tpu.memory_space<vmem_shared>> -> memref<10240x128xbf16, #tpu.memory_space<vmem_shared>>
      tpu.enqueue_indirect_dma source(%arg8 : memref<80x128xbf16, #tpu.memory_space<vmem>>) target(%dma_start3A_206 : memref<10240x128xbf16, #tpu.memory_space<vmem_shared>>) offsets(%dma_start3A_203 : memref<80xi32, #tpu.memory_space<vmem>>) semaphore(%arg19 : memref<!tpu.dma_semaphore, #tpu.memory_space<semaphore_mem>>) {add = true}
      %add3A_207 = arith.constant 1 : i32
      %add3A_208 = arith.addi %mul3A_190, %add3A_207 : i32
      %dma_wait3A_209 = arith.constant 0 : i32
      %dma_wait3A_210 = tpu.memref_slice %arg6[%add3A_208, %dma_wait3A_209] : memref<125x80xi32, #tpu.memory_space<vmem>> -> memref<1x80xi32, #tpu.memory_space<vmem>>
      %dma_wait3A_211 = tpu.memref_squeeze %dma_wait3A_210 : memref<1x80xi32, #tpu.memory_space<vmem>> -> memref<80xi32, #tpu.memory_space<vmem>>
      %dma_wait3A_212 = arith.constant 0 : i32
      %dma_wait3A_213 = arith.constant 0 : i32
      %dma_wait3A_214 = tpu.memref_slice %arg2[%dma_wait3A_212, %dma_wait3A_213] : memref<10000x128xbf16, #tpu.memory_space<hbm>> -> memref<10000x128xbf16, #tpu.memory_space<hbm>>
      tpu.wait_indirect_dma semaphore(%arg15 : memref<!tpu.dma_semaphore, #tpu.memory_space<semaphore_mem>>) src(%dma_wait3A_214 : memref<10000x128xbf16, #tpu.memory_space<hbm>>) dst(%arg9 : memref<80x128xbf16, #tpu.memory_space<vmem>>)
      %add3A_215 = arith.constant 1 : i32
      %add3A_216 = arith.addi %mul3A_190, %add3A_215 : i32
      %dma_start3A_217 = arith.constant 0 : i32
      %dma_start3A_218 = tpu.memref_slice %arg7[%add3A_216, %dma_start3A_217] : memref<125x80xi32, #tpu.memory_space<vmem>> -> memref<1x80xi32, #tpu.memory_space<vmem>>
      %dma_start3A_219 = tpu.memref_squeeze %dma_start3A_218 : memref<1x80xi32, #tpu.memory_space<vmem>> -> memref<80xi32, #tpu.memory_space<vmem>>
      %dma_start3A_220 = arith.constant 0 : i32
      %dma_start3A_221 = arith.constant 0 : i32
      %dma_start3A_222 = tpu.memref_slice %arg13[%dma_start3A_220, %dma_start3A_221] : memref<10240x128xbf16, #tpu.memory_space<vmem_shared>> -> memref<10240x128xbf16, #tpu.memory_space<vmem_shared>>
      tpu.enqueue_indirect_dma source(%arg9 : memref<80x128xbf16, #tpu.memory_space<vmem>>) target(%dma_start3A_222 : memref<10240x128xbf16, #tpu.memory_space<vmem_shared>>) offsets(%dma_start3A_219 : memref<80xi32, #tpu.memory_space<vmem>>) semaphore(%arg20 : memref<!tpu.dma_semaphore, #tpu.memory_space<semaphore_mem>>) {add = true}
      %add3A_223 = arith.constant 2 : i32
      %add3A_224 = arith.addi %mul3A_190, %add3A_223 : i32
      %dma_wait3A_225 = arith.constant 0 : i32
      %dma_wait3A_226 = tpu.memref_slice %arg6[%add3A_224, %dma_wait3A_225] : memref<125x80xi32, #tpu.memory_space<vmem>> -> memref<1x80xi32, #tpu.memory_space<vmem>>
      %dma_wait3A_227 = tpu.memref_squeeze %dma_wait3A_226 : memref<1x80xi32, #tpu.memory_space<vmem>> -> memref<80xi32, #tpu.memory_space<vmem>>
      %dma_wait3A_228 = arith.constant 0 : i32
      %dma_wait3A_229 = arith.constant 0 : i32
      %dma_wait3A_230 = tpu.memref_slice %arg2[%dma_wait3A_228, %dma_wait3A_229] : memref<10000x128xbf16, #tpu.memory_space<hbm>> -> memref<10000x128xbf16, #tpu.memory_space<hbm>>
      tpu.wait_indirect_dma semaphore(%arg16 : memref<!tpu.dma_semaphore, #tpu.memory_space<semaphore_mem>>) src(%dma_wait3A_230 : memref<10000x128xbf16, #tpu.memory_space<hbm>>) dst(%arg10 : memref<80x128xbf16, #tpu.memory_space<vmem>>)
      %add3A_231 = arith.constant 2 : i32
      %add3A_232 = arith.addi %mul3A_190, %add3A_231 : i32
      %dma_start3A_233 = arith.constant 0 : i32
      %dma_start3A_234 = tpu.memref_slice %arg7[%add3A_232, %dma_start3A_233] : memref<125x80xi32, #tpu.memory_space<vmem>> -> memref<1x80xi32, #tpu.memory_space<vmem>>
      %dma_start3A_235 = tpu.memref_squeeze %dma_start3A_234 : memref<1x80xi32, #tpu.memory_space<vmem>> -> memref<80xi32, #tpu.memory_space<vmem>>
      %dma_start3A_236 = arith.constant 0 : i32
      %dma_start3A_237 = arith.constant 0 : i32
      %dma_start3A_238 = tpu.memref_slice %arg13[%dma_start3A_236, %dma_start3A_237] : memref<10240x128xbf16, #tpu.memory_space<vmem_shared>> -> memref<10240x128xbf16, #tpu.memory_space<vmem_shared>>
      tpu.enqueue_indirect_dma source(%arg10 : memref<80x128xbf16, #tpu.memory_space<vmem>>) target(%dma_start3A_238 : memref<10240x128xbf16, #tpu.memory_space<vmem_shared>>) offsets(%dma_start3A_235 : memref<80xi32, #tpu.memory_space<vmem>>) semaphore(%arg21 : memref<!tpu.dma_semaphore, #tpu.memory_space<semaphore_mem>>) {add = true}
      %add3A_239 = arith.constant 3 : i32
      %add3A_240 = arith.addi %mul3A_190, %add3A_239 : i32
      %dma_wait3A_241 = arith.constant 0 : i32
      %dma_wait3A_242 = tpu.memref_slice %arg6[%add3A_240, %dma_wait3A_241] : memref<125x80xi32, #tpu.memory_space<vmem>> -> memref<1x80xi32, #tpu.memory_space<vmem>>
      %dma_wait3A_243 = tpu.memref_squeeze %dma_wait3A_242 : memref<1x80xi32, #tpu.memory_space<vmem>> -> memref<80xi32, #tpu.memory_space<vmem>>
      %dma_wait3A_244 = arith.constant 0 : i32
      %dma_wait3A_245 = arith.constant 0 : i32
      %dma_wait3A_246 = tpu.memref_slice %arg2[%dma_wait3A_244, %dma_wait3A_245] : memref<10000x128xbf16, #tpu.memory_space<hbm>> -> memref<10000x128xbf16, #tpu.memory_space<hbm>>
      tpu.wait_indirect_dma semaphore(%arg17 : memref<!tpu.dma_semaphore, #tpu.memory_space<semaphore_mem>>) src(%dma_wait3A_246 : memref<10000x128xbf16, #tpu.memory_space<hbm>>) dst(%arg11 : memref<80x128xbf16, #tpu.memory_space<vmem>>)
      %add3A_247 = arith.constant 3 : i32
      %add3A_248 = arith.addi %mul3A_190, %add3A_247 : i32
      %dma_start3A_249 = arith.constant 0 : i32
      %dma_start3A_250 = tpu.memref_slice %arg7[%add3A_248, %dma_start3A_249] : memref<125x80xi32, #tpu.memory_space<vmem>> -> memref<1x80xi32, #tpu.memory_space<vmem>>
      %dma_start3A_251 = tpu.memref_squeeze %dma_start3A_250 : memref<1x80xi32, #tpu.memory_space<vmem>> -> memref<80xi32, #tpu.memory_space<vmem>>
      %dma_start3A_252 = arith.constant 0 : i32
      %dma_start3A_253 = arith.constant 0 : i32
      %dma_start3A_254 = tpu.memref_slice %arg13[%dma_start3A_252, %dma_start3A_253] : memref<10240x128xbf16, #tpu.memory_space<vmem_shared>> -> memref<10240x128xbf16, #tpu.memory_space<vmem_shared>>
      tpu.enqueue_indirect_dma source(%arg11 : memref<80x128xbf16, #tpu.memory_space<vmem>>) target(%dma_start3A_254 : memref<10240x128xbf16, #tpu.memory_space<vmem_shared>>) offsets(%dma_start3A_251 : memref<80xi32, #tpu.memory_space<vmem>>) semaphore(%arg22 : memref<!tpu.dma_semaphore, #tpu.memory_space<semaphore_mem>>) {add = true}
      %add3A_255 = arith.constant 4 : i32
      %add3A_256 = arith.addi %mul3A_190, %add3A_255 : i32
      %dma_wait3A_257 = arith.constant 0 : i32
      %dma_wait3A_258 = tpu.memref_slice %arg6[%add3A_256, %dma_wait3A_257] : memref<125x80xi32, #tpu.memory_space<vmem>> -> memref<1x80xi32, #tpu.memory_space<vmem>>
      %dma_wait3A_259 = tpu.memref_squeeze %dma_wait3A_258 : memref<1x80xi32, #tpu.memory_space<vmem>> -> memref<80xi32, #tpu.memory_space<vmem>>
      %dma_wait3A_260 = arith.constant 0 : i32
      %dma_wait3A_261 = arith.constant 0 : i32
      %dma_wait3A_262 = tpu.memref_slice %arg2[%dma_wait3A_260, %dma_wait3A_261] : memref<10000x128xbf16, #tpu.memory_space<hbm>> -> memref<10000x128xbf16, #tpu.memory_space<hbm>>
      tpu.wait_indirect_dma semaphore(%arg18 : memref<!tpu.dma_semaphore, #tpu.memory_space<semaphore_mem>>) src(%dma_wait3A_262 : memref<10000x128xbf16, #tpu.memory_space<hbm>>) dst(%arg12 : memref<80x128xbf16, #tpu.memory_space<vmem>>)
      %add3A_263 = arith.constant 4 : i32
      %add3A_264 = arith.addi %mul3A_190, %add3A_263 : i32
      %dma_start3A_265 = arith.constant 0 : i32
      %dma_start3A_266 = tpu.memref_slice %arg7[%add3A_264, %dma_start3A_265] : memref<125x80xi32, #tpu.memory_space<vmem>> -> memref<1x80xi32, #tpu.memory_space<vmem>>
      %dma_start3A_267 = tpu.memref_squeeze %dma_start3A_266 : memref<1x80xi32, #tpu.memory_space<vmem>> -> memref<80xi32, #tpu.memory_space<vmem>>
      %dma_start3A_268 = arith.constant 0 : i32
      %dma_start3A_269 = arith.constant 0 : i32
      %dma_start3A_270 = tpu.memref_slice %arg13[%dma_start3A_268, %dma_start3A_269] : memref<10240x128xbf16, #tpu.memory_space<vmem_shared>> -> memref<10240x128xbf16, #tpu.memory_space<vmem_shared>>
      tpu.enqueue_indirect_dma source(%arg12 : memref<80x128xbf16, #tpu.memory_space<vmem>>) target(%dma_start3A_270 : memref<10240x128xbf16, #tpu.memory_space<vmem_shared>>) offsets(%dma_start3A_267 : memref<80xi32, #tpu.memory_space<vmem>>) semaphore(%arg23 : memref<!tpu.dma_semaphore, #tpu.memory_space<semaphore_mem>>) {add = true}
      %add3A_271 = arith.constant 0 : i32
      %add3A_272 = arith.addi %mul3A_190, %add3A_271 : i32
      %dma_wait3A_273 = arith.constant 0 : i32
      %dma_wait3A_274 = tpu.memref_slice %arg7[%add3A_272, %dma_wait3A_273] : memref<125x80xi32, #tpu.memory_space<vmem>> -> memref<1x80xi32, #tpu.memory_space<vmem>>
      %dma_wait3A_275 = tpu.memref_squeeze %dma_wait3A_274 : memref<1x80xi32, #tpu.memory_space<vmem>> -> memref<80xi32, #tpu.memory_space<vmem>>
      %dma_wait3A_276 = arith.constant 0 : i32
      %dma_wait3A_277 = arith.constant 0 : i32
      %dma_wait3A_278 = tpu.memref_slice %arg13[%dma_wait3A_276, %dma_wait3A_277] : memref<10240x128xbf16, #tpu.memory_space<vmem_shared>> -> memref<10240x128xbf16, #tpu.memory_space<vmem_shared>>
      tpu.wait_indirect_dma semaphore(%arg19 : memref<!tpu.dma_semaphore, #tpu.memory_space<semaphore_mem>>) src(%arg8 : memref<80x128xbf16, #tpu.memory_space<vmem>>) dst(%dma_wait3A_278 : memref<10240x128xbf16, #tpu.memory_space<vmem_shared>>)
      %add3A_279 = arith.constant 5 : i32
      %add3A_280 = arith.addi %mul3A_190, %add3A_279 : i32
      %add3A_281 = arith.constant 0 : i32
      %add3A_282 = arith.addi %add3A_280, %add3A_281 : i32
      %dma_start3A_283 = arith.constant 0 : i32
      %dma_start3A_284 = tpu.memref_slice %arg6[%add3A_282, %dma_start3A_283] : memref<125x80xi32, #tpu.memory_space<vmem>> -> memref<1x80xi32, #tpu.memory_space<vmem>>
      %dma_start3A_285 = tpu.memref_squeeze %dma_start3A_284 : memref<1x80xi32, #tpu.memory_space<vmem>> -> memref<80xi32, #tpu.memory_space<vmem>>
      %dma_start3A_286 = arith.constant 0 : i32
      %dma_start3A_287 = arith.constant 0 : i32
      %dma_start3A_288 = tpu.memref_slice %arg2[%dma_start3A_286, %dma_start3A_287] : memref<10000x128xbf16, #tpu.memory_space<hbm>> -> memref<10000x128xbf16, #tpu.memory_space<hbm>>
      tpu.enqueue_indirect_dma source(%dma_start3A_288 : memref<10000x128xbf16, #tpu.memory_space<hbm>>) target(%arg8 : memref<80x128xbf16, #tpu.memory_space<vmem>>) offsets(%dma_start3A_285 : memref<80xi32, #tpu.memory_space<vmem>>) semaphore(%arg14 : memref<!tpu.dma_semaphore, #tpu.memory_space<semaphore_mem>>)
      %add3A_289 = arith.constant 1 : i32
      %add3A_290 = arith.addi %mul3A_190, %add3A_289 : i32
      %dma_wait3A_291 = arith.constant 0 : i32
      %dma_wait3A_292 = tpu.memref_slice %arg7[%add3A_290, %dma_wait3A_291] : memref<125x80xi32, #tpu.memory_space<vmem>> -> memref<1x80xi32, #tpu.memory_space<vmem>>
      %dma_wait3A_293 = tpu.memref_squeeze %dma_wait3A_292 : memref<1x80xi32, #tpu.memory_space<vmem>> -> memref<80xi32, #tpu.memory_space<vmem>>
      %dma_wait3A_294 = arith.constant 0 : i32
      %dma_wait3A_295 = arith.constant 0 : i32
      %dma_wait3A_296 = tpu.memref_slice %arg13[%dma_wait3A_294, %dma_wait3A_295] : memref<10240x128xbf16, #tpu.memory_space<vmem_shared>> -> memref<10240x128xbf16, #tpu.memory_space<vmem_shared>>
      tpu.wait_indirect_dma semaphore(%arg20 : memref<!tpu.dma_semaphore, #tpu.memory_space<semaphore_mem>>) src(%arg9 : memref<80x128xbf16, #tpu.memory_space<vmem>>) dst(%dma_wait3A_296 : memref<10240x128xbf16, #tpu.memory_space<vmem_shared>>)
      %add3A_297 = arith.constant 5 : i32
      %add3A_298 = arith.addi %mul3A_190, %add3A_297 : i32
      %add3A_299 = arith.constant 1 : i32
      %add3A_300 = arith.addi %add3A_298, %add3A_299 : i32
      %dma_start3A_301 = arith.constant 0 : i32
      %dma_start3A_302 = tpu.memref_slice %arg6[%add3A_300, %dma_start3A_301] : memref<125x80xi32, #tpu.memory_space<vmem>> -> memref<1x80xi32, #tpu.memory_space<vmem>>
      %dma_start3A_303 = tpu.memref_squeeze %dma_start3A_302 : memref<1x80xi32, #tpu.memory_space<vmem>> -> memref<80xi32, #tpu.memory_space<vmem>>
      %dma_start3A_304 = arith.constant 0 : i32
      %dma_start3A_305 = arith.constant 0 : i32
      %dma_start3A_306 = tpu.memref_slice %arg2[%dma_start3A_304, %dma_start3A_305] : memref<10000x128xbf16, #tpu.memory_space<hbm>> -> memref<10000x128xbf16, #tpu.memory_space<hbm>>
      tpu.enqueue_indirect_dma source(%dma_start3A_306 : memref<10000x128xbf16, #tpu.memory_space<hbm>>) target(%arg9 : memref<80x128xbf16, #tpu.memory_space<vmem>>) offsets(%dma_start3A_303 : memref<80xi32, #tpu.memory_space<vmem>>) semaphore(%arg15 : memref<!tpu.dma_semaphore, #tpu.memory_space<semaphore_mem>>)
      %add3A_307 = arith.constant 2 : i32
      %add3A_308 = arith.addi %mul3A_190, %add3A_307 : i32
      %dma_wait3A_309 = arith.constant 0 : i32
      %dma_wait3A_310 = tpu.memref_slice %arg7[%add3A_308, %dma_wait3A_309] : memref<125x80xi32, #tpu.memory_space<vmem>> -> memref<1x80xi32, #tpu.memory_space<vmem>>
      %dma_wait3A_311 = tpu.memref_squeeze %dma_wait3A_310 : memref<1x80xi32, #tpu.memory_space<vmem>> -> memref<80xi32, #tpu.memory_space<vmem>>
      %dma_wait3A_312 = arith.constant 0 : i32
      %dma_wait3A_313 = arith.constant 0 : i32
      %dma_wait3A_314 = tpu.memref_slice %arg13[%dma_wait3A_312, %dma_wait3A_313] : memref<10240x128xbf16, #tpu.memory_space<vmem_shared>> -> memref<10240x128xbf16, #tpu.memory_space<vmem_shared>>
      tpu.wait_indirect_dma semaphore(%arg21 : memref<!tpu.dma_semaphore, #tpu.memory_space<semaphore_mem>>) src(%arg10 : memref<80x128xbf16, #tpu.memory_space<vmem>>) dst(%dma_wait3A_314 : memref<10240x128xbf16, #tpu.memory_space<vmem_shared>>)
      %add3A_315 = arith.constant 5 : i32
      %add3A_316 = arith.addi %mul3A_190, %add3A_315 : i32
      %add3A_317 = arith.constant 2 : i32
      %add3A_318 = arith.addi %add3A_316, %add3A_317 : i32
      %dma_start3A_319 = arith.constant 0 : i32
      %dma_start3A_320 = tpu.memref_slice %arg6[%add3A_318, %dma_start3A_319] : memref<125x80xi32, #tpu.memory_space<vmem>> -> memref<1x80xi32, #tpu.memory_space<vmem>>
      %dma_start3A_321 = tpu.memref_squeeze %dma_start3A_320 : memref<1x80xi32, #tpu.memory_space<vmem>> -> memref<80xi32, #tpu.memory_space<vmem>>
      %dma_start3A_322 = arith.constant 0 : i32
      %dma_start3A_323 = arith.constant 0 : i32
      %dma_start3A_324 = tpu.memref_slice %arg2[%dma_start3A_322, %dma_start3A_323] : memref<10000x128xbf16, #tpu.memory_space<hbm>> -> memref<10000x128xbf16, #tpu.memory_space<hbm>>
      tpu.enqueue_indirect_dma source(%dma_start3A_324 : memref<10000x128xbf16, #tpu.memory_space<hbm>>) target(%arg10 : memref<80x128xbf16, #tpu.memory_space<vmem>>) offsets(%dma_start3A_321 : memref<80xi32, #tpu.memory_space<vmem>>) semaphore(%arg16 : memref<!tpu.dma_semaphore, #tpu.memory_space<semaphore_mem>>)
      %add3A_325 = arith.constant 3 : i32
      %add3A_326 = arith.addi %mul3A_190, %add3A_325 : i32
      %dma_wait3A_327 = arith.constant 0 : i32
      %dma_wait3A_328 = tpu.memref_slice %arg7[%add3A_326, %dma_wait3A_327] : memref<125x80xi32, #tpu.memory_space<vmem>> -> memref<1x80xi32, #tpu.memory_space<vmem>>
      %dma_wait3A_329 = tpu.memref_squeeze %dma_wait3A_328 : memref<1x80xi32, #tpu.memory_space<vmem>> -> memref<80xi32, #tpu.memory_space<vmem>>
      %dma_wait3A_330 = arith.constant 0 : i32
      %dma_wait3A_331 = arith.constant 0 : i32
      %dma_wait3A_332 = tpu.memref_slice %arg13[%dma_wait3A_330, %dma_wait3A_331] : memref<10240x128xbf16, #tpu.memory_space<vmem_shared>> -> memref<10240x128xbf16, #tpu.memory_space<vmem_shared>>
      tpu.wait_indirect_dma semaphore(%arg22 : memref<!tpu.dma_semaphore, #tpu.memory_space<semaphore_mem>>) src(%arg11 : memref<80x128xbf16, #tpu.memory_space<vmem>>) dst(%dma_wait3A_332 : memref<10240x128xbf16, #tpu.memory_space<vmem_shared>>)
      %add3A_333 = arith.constant 5 : i32
      %add3A_334 = arith.addi %mul3A_190, %add3A_333 : i32
      %add3A_335 = arith.constant 3 : i32
      %add3A_336 = arith.addi %add3A_334, %add3A_335 : i32
      %dma_start3A_337 = arith.constant 0 : i32
      %dma_start3A_338 = tpu.memref_slice %arg6[%add3A_336, %dma_start3A_337] : memref<125x80xi32, #tpu.memory_space<vmem>> -> memref<1x80xi32, #tpu.memory_space<vmem>>
      %dma_start3A_339 = tpu.memref_squeeze %dma_start3A_338 : memref<1x80xi32, #tpu.memory_space<vmem>> -> memref<80xi32, #tpu.memory_space<vmem>>
      %dma_start3A_340 = arith.constant 0 : i32
      %dma_start3A_341 = arith.constant 0 : i32
      %dma_start3A_342 = tpu.memref_slice %arg2[%dma_start3A_340, %dma_start3A_341] : memref<10000x128xbf16, #tpu.memory_space<hbm>> -> memref<10000x128xbf16, #tpu.memory_space<hbm>>
      tpu.enqueue_indirect_dma source(%dma_start3A_342 : memref<10000x128xbf16, #tpu.memory_space<hbm>>) target(%arg11 : memref<80x128xbf16, #tpu.memory_space<vmem>>) offsets(%dma_start3A_339 : memref<80xi32, #tpu.memory_space<vmem>>) semaphore(%arg17 : memref<!tpu.dma_semaphore, #tpu.memory_space<semaphore_mem>>)
      %add3A_343 = arith.constant 4 : i32
      %add3A_344 = arith.addi %mul3A_190, %add3A_343 : i32
      %dma_wait3A_345 = arith.constant 0 : i32
      %dma_wait3A_346 = tpu.memref_slice %arg7[%add3A_344, %dma_wait3A_345] : memref<125x80xi32, #tpu.memory_space<vmem>> -> memref<1x80xi32, #tpu.memory_space<vmem>>
      %dma_wait3A_347 = tpu.memref_squeeze %dma_wait3A_346 : memref<1x80xi32, #tpu.memory_space<vmem>> -> memref<80xi32, #tpu.memory_space<vmem>>
      %dma_wait3A_348 = arith.constant 0 : i32
      %dma_wait3A_349 = arith.constant 0 : i32
      %dma_wait3A_350 = tpu.memref_slice %arg13[%dma_wait3A_348, %dma_wait3A_349] : memref<10240x128xbf16, #tpu.memory_space<vmem_shared>> -> memref<10240x128xbf16, #tpu.memory_space<vmem_shared>>
      tpu.wait_indirect_dma semaphore(%arg23 : memref<!tpu.dma_semaphore, #tpu.memory_space<semaphore_mem>>) src(%arg12 : memref<80x128xbf16, #tpu.memory_space<vmem>>) dst(%dma_wait3A_350 : memref<10240x128xbf16, #tpu.memory_space<vmem_shared>>)
      %add3A_351 = arith.constant 5 : i32
      %add3A_352 = arith.addi %mul3A_190, %add3A_351 : i32
      %add3A_353 = arith.constant 4 : i32
      %add3A_354 = arith.addi %add3A_352, %add3A_353 : i32
      %dma_start3A_355 = arith.constant 0 : i32
      %dma_start3A_356 = tpu.memref_slice %arg6[%add3A_354, %dma_start3A_355] : memref<125x80xi32, #tpu.memory_space<vmem>> -> memref<1x80xi32, #tpu.memory_space<vmem>>
      %dma_start3A_357 = tpu.memref_squeeze %dma_start3A_356 : memref<1x80xi32, #tpu.memory_space<vmem>> -> memref<80xi32, #tpu.memory_space<vmem>>
      %dma_start3A_358 = arith.constant 0 : i32
      %dma_start3A_359 = arith.constant 0 : i32
      %dma_start3A_360 = tpu.memref_slice %arg2[%dma_start3A_358, %dma_start3A_359] : memref<10000x128xbf16, #tpu.memory_space<hbm>> -> memref<10000x128xbf16, #tpu.memory_space<hbm>>
      tpu.enqueue_indirect_dma source(%dma_start3A_360 : memref<10000x128xbf16, #tpu.memory_space<hbm>>) target(%arg12 : memref<80x128xbf16, #tpu.memory_space<vmem>>) offsets(%dma_start3A_357 : memref<80xi32, #tpu.memory_space<vmem>>) semaphore(%arg18 : memref<!tpu.dma_semaphore, #tpu.memory_space<semaphore_mem>>)
    }
    %scan3A_78 = arith.constant 24 : i32
    %dma_wait3A = arith.constant 120 : i32
    %dma_wait3A_79 = arith.constant 0 : i32
    %dma_wait3A_80 = tpu.memref_slice %arg6[%dma_wait3A, %dma_wait3A_79] : memref<125x80xi32, #tpu.memory_space<vmem>> -> memref<1x80xi32, #tpu.memory_space<vmem>>
    %dma_wait3A_81 = tpu.memref_squeeze %dma_wait3A_80 : memref<1x80xi32, #tpu.memory_space<vmem>> -> memref<80xi32, #tpu.memory_space<vmem>>
    %dma_wait3A_82 = arith.constant 0 : i32
    %dma_wait3A_83 = arith.constant 0 : i32
    %dma_wait3A_84 = tpu.memref_slice %arg2[%dma_wait3A_82, %dma_wait3A_83] : memref<10000x128xbf16, #tpu.memory_space<hbm>> -> memref<10000x128xbf16, #tpu.memory_space<hbm>>
    tpu.wait_indirect_dma semaphore(%arg14 : memref<!tpu.dma_semaphore, #tpu.memory_space<semaphore_mem>>) src(%dma_wait3A_84 : memref<10000x128xbf16, #tpu.memory_space<hbm>>) dst(%arg8 : memref<80x128xbf16, #tpu.memory_space<vmem>>)
    %dma_start3A_85 = arith.constant 120 : i32
    %dma_start3A_86 = arith.constant 0 : i32
    %dma_start3A_87 = tpu.memref_slice %arg7[%dma_start3A_85, %dma_start3A_86] : memref<125x80xi32, #tpu.memory_space<vmem>> -> memref<1x80xi32, #tpu.memory_space<vmem>>
    %dma_start3A_88 = tpu.memref_squeeze %dma_start3A_87 : memref<1x80xi32, #tpu.memory_space<vmem>> -> memref<80xi32, #tpu.memory_space<vmem>>
    %dma_start3A_89 = arith.constant 0 : i32
    %dma_start3A_90 = arith.constant 0 : i32
    %dma_start3A_91 = tpu.memref_slice %arg13[%dma_start3A_89, %dma_start3A_90] : memref<10240x128xbf16, #tpu.memory_space<vmem_shared>> -> memref<10240x128xbf16, #tpu.memory_space<vmem_shared>>
    tpu.enqueue_indirect_dma source(%arg8 : memref<80x128xbf16, #tpu.memory_space<vmem>>) target(%dma_start3A_91 : memref<10240x128xbf16, #tpu.memory_space<vmem_shared>>) offsets(%dma_start3A_88 : memref<80xi32, #tpu.memory_space<vmem>>) semaphore(%arg19 : memref<!tpu.dma_semaphore, #tpu.memory_space<semaphore_mem>>) {add = true}
    %dma_wait3A_92 = arith.constant 121 : i32
    %dma_wait3A_93 = arith.constant 0 : i32
    %dma_wait3A_94 = tpu.memref_slice %arg6[%dma_wait3A_92, %dma_wait3A_93] : memref<125x80xi32, #tpu.memory_space<vmem>> -> memref<1x80xi32, #tpu.memory_space<vmem>>
    %dma_wait3A_95 = tpu.memref_squeeze %dma_wait3A_94 : memref<1x80xi32, #tpu.memory_space<vmem>> -> memref<80xi32, #tpu.memory_space<vmem>>
    %dma_wait3A_96 = arith.constant 0 : i32
    %dma_wait3A_97 = arith.constant 0 : i32
    %dma_wait3A_98 = tpu.memref_slice %arg2[%dma_wait3A_96, %dma_wait3A_97] : memref<10000x128xbf16, #tpu.memory_space<hbm>> -> memref<10000x128xbf16, #tpu.memory_space<hbm>>
    tpu.wait_indirect_dma semaphore(%arg15 : memref<!tpu.dma_semaphore, #tpu.memory_space<semaphore_mem>>) src(%dma_wait3A_98 : memref<10000x128xbf16, #tpu.memory_space<hbm>>) dst(%arg9 : memref<80x128xbf16, #tpu.memory_space<vmem>>)
    %dma_start3A_99 = arith.constant 121 : i32
    %dma_start3A_100 = arith.constant 0 : i32
    %dma_start3A_101 = tpu.memref_slice %arg7[%dma_start3A_99, %dma_start3A_100] : memref<125x80xi32, #tpu.memory_space<vmem>> -> memref<1x80xi32, #tpu.memory_space<vmem>>
    %dma_start3A_102 = tpu.memref_squeeze %dma_start3A_101 : memref<1x80xi32, #tpu.memory_space<vmem>> -> memref<80xi32, #tpu.memory_space<vmem>>
    %dma_start3A_103 = arith.constant 0 : i32
    %dma_start3A_104 = arith.constant 0 : i32
    %dma_start3A_105 = tpu.memref_slice %arg13[%dma_start3A_103, %dma_start3A_104] : memref<10240x128xbf16, #tpu.memory_space<vmem_shared>> -> memref<10240x128xbf16, #tpu.memory_space<vmem_shared>>
    tpu.enqueue_indirect_dma source(%arg9 : memref<80x128xbf16, #tpu.memory_space<vmem>>) target(%dma_start3A_105 : memref<10240x128xbf16, #tpu.memory_space<vmem_shared>>) offsets(%dma_start3A_102 : memref<80xi32, #tpu.memory_space<vmem>>) semaphore(%arg20 : memref<!tpu.dma_semaphore, #tpu.memory_space<semaphore_mem>>) {add = true}
    %dma_wait3A_106 = arith.constant 122 : i32
    %dma_wait3A_107 = arith.constant 0 : i32
    %dma_wait3A_108 = tpu.memref_slice %arg6[%dma_wait3A_106, %dma_wait3A_107] : memref<125x80xi32, #tpu.memory_space<vmem>> -> memref<1x80xi32, #tpu.memory_space<vmem>>
    %dma_wait3A_109 = tpu.memref_squeeze %dma_wait3A_108 : memref<1x80xi32, #tpu.memory_space<vmem>> -> memref<80xi32, #tpu.memory_space<vmem>>
    %dma_wait3A_110 = arith.constant 0 : i32
    %dma_wait3A_111 = arith.constant 0 : i32
    %dma_wait3A_112 = tpu.memref_slice %arg2[%dma_wait3A_110, %dma_wait3A_111] : memref<10000x128xbf16, #tpu.memory_space<hbm>> -> memref<10000x128xbf16, #tpu.memory_space<hbm>>
    tpu.wait_indirect_dma semaphore(%arg16 : memref<!tpu.dma_semaphore, #tpu.memory_space<semaphore_mem>>) src(%dma_wait3A_112 : memref<10000x128xbf16, #tpu.memory_space<hbm>>) dst(%arg10 : memref<80x128xbf16, #tpu.memory_space<vmem>>)
    %dma_start3A_113 = arith.constant 122 : i32
    %dma_start3A_114 = arith.constant 0 : i32
    %dma_start3A_115 = tpu.memref_slice %arg7[%dma_start3A_113, %dma_start3A_114] : memref<125x80xi32, #tpu.memory_space<vmem>> -> memref<1x80xi32, #tpu.memory_space<vmem>>
    %dma_start3A_116 = tpu.memref_squeeze %dma_start3A_115 : memref<1x80xi32, #tpu.memory_space<vmem>> -> memref<80xi32, #tpu.memory_space<vmem>>
    %dma_start3A_117 = arith.constant 0 : i32
    %dma_start3A_118 = arith.constant 0 : i32
    %dma_start3A_119 = tpu.memref_slice %arg13[%dma_start3A_117, %dma_start3A_118] : memref<10240x128xbf16, #tpu.memory_space<vmem_shared>> -> memref<10240x128xbf16, #tpu.memory_space<vmem_shared>>
    tpu.enqueue_indirect_dma source(%arg10 : memref<80x128xbf16, #tpu.memory_space<vmem>>) target(%dma_start3A_119 : memref<10240x128xbf16, #tpu.memory_space<vmem_shared>>) offsets(%dma_start3A_116 : memref<80xi32, #tpu.memory_space<vmem>>) semaphore(%arg21 : memref<!tpu.dma_semaphore, #tpu.memory_space<semaphore_mem>>) {add = true}
    %dma_wait3A_120 = arith.constant 123 : i32
    %dma_wait3A_121 = arith.constant 0 : i32
    %dma_wait3A_122 = tpu.memref_slice %arg6[%dma_wait3A_120, %dma_wait3A_121] : memref<125x80xi32, #tpu.memory_space<vmem>> -> memref<1x80xi32, #tpu.memory_space<vmem>>
    %dma_wait3A_123 = tpu.memref_squeeze %dma_wait3A_122 : memref<1x80xi32, #tpu.memory_space<vmem>> -> memref<80xi32, #tpu.memory_space<vmem>>
    %dma_wait3A_124 = arith.constant 0 : i32
    %dma_wait3A_125 = arith.constant 0 : i32
    %dma_wait3A_126 = tpu.memref_slice %arg2[%dma_wait3A_124, %dma_wait3A_125] : memref<10000x128xbf16, #tpu.memory_space<hbm>> -> memref<10000x128xbf16, #tpu.memory_space<hbm>>
    tpu.wait_indirect_dma semaphore(%arg17 : memref<!tpu.dma_semaphore, #tpu.memory_space<semaphore_mem>>) src(%dma_wait3A_126 : memref<10000x128xbf16, #tpu.memory_space<hbm>>) dst(%arg11 : memref<80x128xbf16, #tpu.memory_space<vmem>>)
    %dma_start3A_127 = arith.constant 123 : i32
    %dma_start3A_128 = arith.constant 0 : i32
    %dma_start3A_129 = tpu.memref_slice %arg7[%dma_start3A_127, %dma_start3A_128] : memref<125x80xi32, #tpu.memory_space<vmem>> -> memref<1x80xi32, #tpu.memory_space<vmem>>
    %dma_start3A_130 = tpu.memref_squeeze %dma_start3A_129 : memref<1x80xi32, #tpu.memory_space<vmem>> -> memref<80xi32, #tpu.memory_space<vmem>>
    %dma_start3A_131 = arith.constant 0 : i32
    %dma_start3A_132 = arith.constant 0 : i32
    %dma_start3A_133 = tpu.memref_slice %arg13[%dma_start3A_131, %dma_start3A_132] : memref<10240x128xbf16, #tpu.memory_space<vmem_shared>> -> memref<10240x128xbf16, #tpu.memory_space<vmem_shared>>
    tpu.enqueue_indirect_dma source(%arg11 : memref<80x128xbf16, #tpu.memory_space<vmem>>) target(%dma_start3A_133 : memref<10240x128xbf16, #tpu.memory_space<vmem_shared>>) offsets(%dma_start3A_130 : memref<80xi32, #tpu.memory_space<vmem>>) semaphore(%arg22 : memref<!tpu.dma_semaphore, #tpu.memory_space<semaphore_mem>>) {add = true}
    %dma_wait3A_134 = arith.constant 124 : i32
    %dma_wait3A_135 = arith.constant 0 : i32
    %dma_wait3A_136 = tpu.memref_slice %arg6[%dma_wait3A_134, %dma_wait3A_135] : memref<125x80xi32, #tpu.memory_space<vmem>> -> memref<1x80xi32, #tpu.memory_space<vmem>>
    %dma_wait3A_137 = tpu.memref_squeeze %dma_wait3A_136 : memref<1x80xi32, #tpu.memory_space<vmem>> -> memref<80xi32, #tpu.memory_space<vmem>>
    %dma_wait3A_138 = arith.constant 0 : i32
    %dma_wait3A_139 = arith.constant 0 : i32
    %dma_wait3A_140 = tpu.memref_slice %arg2[%dma_wait3A_138, %dma_wait3A_139] : memref<10000x128xbf16, #tpu.memory_space<hbm>> -> memref<10000x128xbf16, #tpu.memory_space<hbm>>
    tpu.wait_indirect_dma semaphore(%arg18 : memref<!tpu.dma_semaphore, #tpu.memory_space<semaphore_mem>>) src(%dma_wait3A_140 : memref<10000x128xbf16, #tpu.memory_space<hbm>>) dst(%arg12 : memref<80x128xbf16, #tpu.memory_space<vmem>>)
    %dma_start3A_141 = arith.constant 124 : i32
    %dma_start3A_142 = arith.constant 0 : i32
    %dma_start3A_143 = tpu.memref_slice %arg7[%dma_start3A_141, %dma_start3A_142] : memref<125x80xi32, #tpu.memory_space<vmem>> -> memref<1x80xi32, #tpu.memory_space<vmem>>
    %dma_start3A_144 = tpu.memref_squeeze %dma_start3A_143 : memref<1x80xi32, #tpu.memory_space<vmem>> -> memref<80xi32, #tpu.memory_space<vmem>>
    %dma_start3A_145 = arith.constant 0 : i32
    %dma_start3A_146 = arith.constant 0 : i32
    %dma_start3A_147 = tpu.memref_slice %arg13[%dma_start3A_145, %dma_start3A_146] : memref<10240x128xbf16, #tpu.memory_space<vmem_shared>> -> memref<10240x128xbf16, #tpu.memory_space<vmem_shared>>
    tpu.enqueue_indirect_dma source(%arg12 : memref<80x128xbf16, #tpu.memory_space<vmem>>) target(%dma_start3A_147 : memref<10240x128xbf16, #tpu.memory_space<vmem_shared>>) offsets(%dma_start3A_144 : memref<80xi32, #tpu.memory_space<vmem>>) semaphore(%arg23 : memref<!tpu.dma_semaphore, #tpu.memory_space<semaphore_mem>>) {add = true}
    %dma_wait3A_148 = arith.constant 120 : i32
    %dma_wait3A_149 = arith.constant 0 : i32
    %dma_wait3A_150 = tpu.memref_slice %arg7[%dma_wait3A_148, %dma_wait3A_149] : memref<125x80xi32, #tpu.memory_space<vmem>> -> memref<1x80xi32, #tpu.memory_space<vmem>>
    %dma_wait3A_151 = tpu.memref_squeeze %dma_wait3A_150 : memref<1x80xi32, #tpu.memory_space<vmem>> -> memref<80xi32, #tpu.memory_space<vmem>>
    %dma_wait3A_152 = arith.constant 0 : i32
    %dma_wait3A_153 = arith.constant 0 : i32
    %dma_wait3A_154 = tpu.memref_slice %arg13[%dma_wait3A_152, %dma_wait3A_153] : memref<10240x128xbf16, #tpu.memory_space<vmem_shared>> -> memref<10240x128xbf16, #tpu.memory_space<vmem_shared>>
    tpu.wait_indirect_dma semaphore(%arg19 : memref<!tpu.dma_semaphore, #tpu.memory_space<semaphore_mem>>) src(%arg8 : memref<80x128xbf16, #tpu.memory_space<vmem>>) dst(%dma_wait3A_154 : memref<10240x128xbf16, #tpu.memory_space<vmem_shared>>)
    %dma_wait3A_155 = arith.constant 121 : i32
    %dma_wait3A_156 = arith.constant 0 : i32
    %dma_wait3A_157 = tpu.memref_slice %arg7[%dma_wait3A_155, %dma_wait3A_156] : memref<125x80xi32, #tpu.memory_space<vmem>> -> memref<1x80xi32, #tpu.memory_space<vmem>>
    %dma_wait3A_158 = tpu.memref_squeeze %dma_wait3A_157 : memref<1x80xi32, #tpu.memory_space<vmem>> -> memref<80xi32, #tpu.memory_space<vmem>>
    %dma_wait3A_159 = arith.constant 0 : i32
    %dma_wait3A_160 = arith.constant 0 : i32
    %dma_wait3A_161 = tpu.memref_slice %arg13[%dma_wait3A_159, %dma_wait3A_160] : memref<10240x128xbf16, #tpu.memory_space<vmem_shared>> -> memref<10240x128xbf16, #tpu.memory_space<vmem_shared>>
    tpu.wait_indirect_dma semaphore(%arg20 : memref<!tpu.dma_semaphore, #tpu.memory_space<semaphore_mem>>) src(%arg9 : memref<80x128xbf16, #tpu.memory_space<vmem>>) dst(%dma_wait3A_161 : memref<10240x128xbf16, #tpu.memory_space<vmem_shared>>)
    %dma_wait3A_162 = arith.constant 122 : i32
    %dma_wait3A_163 = arith.constant 0 : i32
    %dma_wait3A_164 = tpu.memref_slice %arg7[%dma_wait3A_162, %dma_wait3A_163] : memref<125x80xi32, #tpu.memory_space<vmem>> -> memref<1x80xi32, #tpu.memory_space<vmem>>
    %dma_wait3A_165 = tpu.memref_squeeze %dma_wait3A_164 : memref<1x80xi32, #tpu.memory_space<vmem>> -> memref<80xi32, #tpu.memory_space<vmem>>
    %dma_wait3A_166 = arith.constant 0 : i32
    %dma_wait3A_167 = arith.constant 0 : i32
    %dma_wait3A_168 = tpu.memref_slice %arg13[%dma_wait3A_166, %dma_wait3A_167] : memref<10240x128xbf16, #tpu.memory_space<vmem_shared>> -> memref<10240x128xbf16, #tpu.memory_space<vmem_shared>>
    tpu.wait_indirect_dma semaphore(%arg21 : memref<!tpu.dma_semaphore, #tpu.memory_space<semaphore_mem>>) src(%arg10 : memref<80x128xbf16, #tpu.memory_space<vmem>>) dst(%dma_wait3A_168 : memref<10240x128xbf16, #tpu.memory_space<vmem_shared>>)
    %dma_wait3A_169 = arith.constant 123 : i32
    %dma_wait3A_170 = arith.constant 0 : i32
    %dma_wait3A_171 = tpu.memref_slice %arg7[%dma_wait3A_169, %dma_wait3A_170] : memref<125x80xi32, #tpu.memory_space<vmem>> -> memref<1x80xi32, #tpu.memory_space<vmem>>
    %dma_wait3A_172 = tpu.memref_squeeze %dma_wait3A_171 : memref<1x80xi32, #tpu.memory_space<vmem>> -> memref<80xi32, #tpu.memory_space<vmem>>
    %dma_wait3A_173 = arith.constant 0 : i32
    %dma_wait3A_174 = arith.constant 0 : i32
    %dma_wait3A_175 = tpu.memref_slice %arg13[%dma_wait3A_173, %dma_wait3A_174] : memref<10240x128xbf16, #tpu.memory_space<vmem_shared>> -> memref<10240x128xbf16, #tpu.memory_space<vmem_shared>>
    tpu.wait_indirect_dma semaphore(%arg22 : memref<!tpu.dma_semaphore, #tpu.memory_space<semaphore_mem>>) src(%arg11 : memref<80x128xbf16, #tpu.memory_space<vmem>>) dst(%dma_wait3A_175 : memref<10240x128xbf16, #tpu.memory_space<vmem_shared>>)
    %dma_wait3A_176 = arith.constant 124 : i32
    %dma_wait3A_177 = arith.constant 0 : i32
    %dma_wait3A_178 = tpu.memref_slice %arg7[%dma_wait3A_176, %dma_wait3A_177] : memref<125x80xi32, #tpu.memory_space<vmem>> -> memref<1x80xi32, #tpu.memory_space<vmem>>
    %dma_wait3A_179 = tpu.memref_squeeze %dma_wait3A_178 : memref<1x80xi32, #tpu.memory_space<vmem>> -> memref<80xi32, #tpu.memory_space<vmem>>
    %dma_wait3A_180 = arith.constant 0 : i32
    %dma_wait3A_181 = arith.constant 0 : i32
    %dma_wait3A_182 = tpu.memref_slice %arg13[%dma_wait3A_180, %dma_wait3A_181] : memref<10240x128xbf16, #tpu.memory_space<vmem_shared>> -> memref<10240x128xbf16, #tpu.memory_space<vmem_shared>>
    tpu.wait_indirect_dma semaphore(%arg23 : memref<!tpu.dma_semaphore, #tpu.memory_space<semaphore_mem>>) src(%arg12 : memref<80x128xbf16, #tpu.memory_space<vmem>>) dst(%dma_wait3A_182 : memref<10240x128xbf16, #tpu.memory_space<vmem_shared>>)
    %barrier3A_183 = arith.constant 0 : index
    tpu.barrier barrier_id(%barrier3A_183)
    %mul3A_184 = arith.constant 640 : i32
    %mul3A_185 = arith.muli %arg1, %mul3A_184 : i32
    %mul3A_186 = arith.constant 640 : i32
    %mul3A_187 = arith.muli %arg1, %mul3A_186 : i32
    "tpu.region"() ({
      %run_scoped3A = tpu.sem_alloc : memref<!tpu.dma_semaphore, #tpu.memory_space<semaphore_mem>>
      %dma_start3A_188 = arith.constant 0 : i32
      %dma_start3A_189 = tpu.memref_slice %arg5[%arg0, %mul3A_187, %dma_start3A_188] : memref<2x10240x128xbf16, #tpu.memory_space<hbm>> -> memref<1x640x128xbf16, #tpu.memory_space<hbm>>
      %dma_start3A_190 = tpu.memref_squeeze %dma_start3A_189 : memref<1x640x128xbf16, #tpu.memory_space<hbm>> -> memref<640x128xbf16, #tpu.memory_space<hbm>>
      %dma_start3A_191 = arith.constant 0 : i32
      %dma_start3A_192 = tpu.memref_slice %arg13[%mul3A_185, %dma_start3A_191] : memref<10240x128xbf16, #tpu.memory_space<vmem_shared>> -> memref<640x128xbf16, #tpu.memory_space<vmem_shared>>
      tpu.enqueue_dma source(%dma_start3A_192 : memref<640x128xbf16, #tpu.memory_space<vmem_shared>>) target(%dma_start3A_190 : memref<640x128xbf16, #tpu.memory_space<hbm>>) target_semaphore(%run_scoped3A : memref<!tpu.dma_semaphore, #tpu.memory_space<semaphore_mem>>)
      %dma_wait3A_193 = arith.constant 0 : i32
      %dma_wait3A_194 = tpu.memref_slice %arg5[%arg0, %mul3A_187, %dma_wait3A_193] : memref<2x10240x128xbf16, #tpu.memory_space<hbm>> -> memref<1x640x128xbf16, #tpu.memory_space<hbm>>
      %dma_wait3A_195 = tpu.memref_squeeze %dma_wait3A_194 : memref<1x640x128xbf16, #tpu.memory_space<hbm>> -> memref<640x128xbf16, #tpu.memory_space<hbm>>
      %dma_wait3A_196 = arith.constant 0 : i32
      %dma_wait3A_197 = tpu.memref_slice %arg13[%mul3A_185, %dma_wait3A_196] : memref<10240x128xbf16, #tpu.memory_space<vmem_shared>> -> memref<640x128xbf16, #tpu.memory_space<vmem_shared>>
      tpu.wait_dma2 semaphore(%run_scoped3A : memref<!tpu.dma_semaphore, #tpu.memory_space<semaphore_mem>>) src(%dma_wait3A_197 : memref<640x128xbf16, #tpu.memory_space<vmem_shared>>) dst(%dma_wait3A_195 : memref<640x128xbf16, #tpu.memory_space<hbm>>)
      tpu.yield
    }) : () -> ()
    return
  }
}

#map = affine_map<(d0, d1) -> (0, 0)>
#map1 = affine_map<(d0, d1) -> (0, 0, 0)>
module attributes {stable_mosaic.version = 14 : i64} {
  func.func @prop(%arg0: i32, %arg1: i32, %arg2: memref<10240x64xf32, #tpu.memory_space<hbm>>, %arg3: memref<32x125x80xi32, #tpu.memory_space<hbm>>, %arg4: memref<32x125x80xi32, #tpu.memory_space<hbm>>, %arg5: memref<2x10240x64xf32, #tpu.memory_space<hbm>>, %arg6: memref<125x80xi32, #tpu.memory_space<vmem>>, %arg7: memref<125x80xi32, #tpu.memory_space<vmem>>, %arg8: memref<80x64xf32, #tpu.memory_space<vmem>>, %arg9: memref<80x64xf32, #tpu.memory_space<vmem>>, %arg10: memref<80x64xf32, #tpu.memory_space<vmem>>, %arg11: memref<80x64xf32, #tpu.memory_space<vmem>>, %arg12: memref<80x64xf32, #tpu.memory_space<vmem>>, %arg13: memref<10240x64xf32, #tpu.memory_space<vmem_shared>>, %arg14: memref<!tpu.dma_semaphore, #tpu.memory_space<semaphore_mem>>, %arg15: memref<!tpu.dma_semaphore, #tpu.memory_space<semaphore_mem>>, %arg16: memref<!tpu.dma_semaphore, #tpu.memory_space<semaphore_mem>>, %arg17: memref<!tpu.dma_semaphore, #tpu.memory_space<semaphore_mem>>, %arg18: memref<!tpu.dma_semaphore, #tpu.memory_space<semaphore_mem>>, %arg19: memref<!tpu.dma_semaphore, #tpu.memory_space<semaphore_mem>>, %arg20: memref<!tpu.dma_semaphore, #tpu.memory_space<semaphore_mem>>, %arg21: memref<!tpu.dma_semaphore, #tpu.memory_space<semaphore_mem>>, %arg22: memref<!tpu.dma_semaphore, #tpu.memory_space<semaphore_mem>>, %arg23: memref<!tpu.dma_semaphore, #tpu.memory_space<semaphore_mem>>) attributes {dimension_semantics = [#tpu.dimension_semantics<core_parallel>, #tpu.dimension_semantics<subcore_parallel>], iteration_bounds = array<i64: 2, 16>, scalar_prefetch = 0 : i64, scratch_operands = 18 : i64, tpu.core_type = #tpu.core_type<sc_vector_subcore>, window_params = [{transform_indices = #map}, {transform_indices = #map1}, {transform_indices = #map1}, {transform_indices = #map1}]} {
    %mul3A = arith.constant 16 : i32
    %mul3A_0 = arith.muli %arg0, %mul3A : i32
    %add3A = arith.addi %mul3A_0, %arg1 : i32
    "tpu.region"() ({
      %run_scoped3A = tpu.sem_alloc : memref<!tpu.dma_semaphore, #tpu.memory_space<semaphore_mem>>
      %dma_start3A_188 = arith.constant 0 : i32
      %dma_start3A_189 = arith.constant 0 : i32
      %dma_start3A_190 = tpu.memref_slice %arg3[%add3A, %dma_start3A_188, %dma_start3A_189] : memref<32x125x80xi32, #tpu.memory_space<hbm>> -> memref<1x125x80xi32, #tpu.memory_space<hbm>>
      %dma_start3A_191 = tpu.memref_squeeze %dma_start3A_190 : memref<1x125x80xi32, #tpu.memory_space<hbm>> -> memref<125x80xi32, #tpu.memory_space<hbm>>
      %dma_start3A_192 = arith.constant 0 : i32
      %dma_start3A_193 = arith.constant 0 : i32
      %dma_start3A_194 = tpu.memref_slice %arg3[%add3A, %dma_start3A_192, %dma_start3A_193] : memref<32x125x80xi32, #tpu.memory_space<hbm>> -> memref<1x125x80xi32, #tpu.memory_space<hbm>>
      %dma_start3A_195 = tpu.memref_squeeze %dma_start3A_194 : memref<1x125x80xi32, #tpu.memory_space<hbm>> -> memref<125x80xi32, #tpu.memory_space<hbm>>
      tpu.enqueue_dma source(%dma_start3A_195 : memref<125x80xi32, #tpu.memory_space<hbm>>) target(%arg6 : memref<125x80xi32, #tpu.memory_space<vmem>>) target_semaphore(%run_scoped3A : memref<!tpu.dma_semaphore, #tpu.memory_space<semaphore_mem>>)
      %dma_wait3A_196 = arith.constant 0 : i32
      %dma_wait3A_197 = arith.constant 0 : i32
      %dma_wait3A_198 = tpu.memref_slice %arg3[%add3A, %dma_wait3A_196, %dma_wait3A_197] : memref<32x125x80xi32, #tpu.memory_space<hbm>> -> memref<1x125x80xi32, #tpu.memory_space<hbm>>
      %dma_wait3A_199 = tpu.memref_squeeze %dma_wait3A_198 : memref<1x125x80xi32, #tpu.memory_space<hbm>> -> memref<125x80xi32, #tpu.memory_space<hbm>>
      %dma_wait3A_200 = arith.constant 0 : i32
      %dma_wait3A_201 = arith.constant 0 : i32
      %dma_wait3A_202 = tpu.memref_slice %arg3[%add3A, %dma_wait3A_200, %dma_wait3A_201] : memref<32x125x80xi32, #tpu.memory_space<hbm>> -> memref<1x125x80xi32, #tpu.memory_space<hbm>>
      %dma_wait3A_203 = tpu.memref_squeeze %dma_wait3A_202 : memref<1x125x80xi32, #tpu.memory_space<hbm>> -> memref<125x80xi32, #tpu.memory_space<hbm>>
      tpu.wait_dma2 semaphore(%run_scoped3A : memref<!tpu.dma_semaphore, #tpu.memory_space<semaphore_mem>>) src(%dma_wait3A_203 : memref<125x80xi32, #tpu.memory_space<hbm>>) dst(%arg6 : memref<125x80xi32, #tpu.memory_space<vmem>>)
      tpu.yield
    }) : () -> ()
    "tpu.region"() ({
      %run_scoped3A = tpu.sem_alloc : memref<!tpu.dma_semaphore, #tpu.memory_space<semaphore_mem>>
      %dma_start3A_188 = arith.constant 0 : i32
      %dma_start3A_189 = arith.constant 0 : i32
      %dma_start3A_190 = tpu.memref_slice %arg4[%add3A, %dma_start3A_188, %dma_start3A_189] : memref<32x125x80xi32, #tpu.memory_space<hbm>> -> memref<1x125x80xi32, #tpu.memory_space<hbm>>
      %dma_start3A_191 = tpu.memref_squeeze %dma_start3A_190 : memref<1x125x80xi32, #tpu.memory_space<hbm>> -> memref<125x80xi32, #tpu.memory_space<hbm>>
      %dma_start3A_192 = arith.constant 0 : i32
      %dma_start3A_193 = arith.constant 0 : i32
      %dma_start3A_194 = tpu.memref_slice %arg4[%add3A, %dma_start3A_192, %dma_start3A_193] : memref<32x125x80xi32, #tpu.memory_space<hbm>> -> memref<1x125x80xi32, #tpu.memory_space<hbm>>
      %dma_start3A_195 = tpu.memref_squeeze %dma_start3A_194 : memref<1x125x80xi32, #tpu.memory_space<hbm>> -> memref<125x80xi32, #tpu.memory_space<hbm>>
      tpu.enqueue_dma source(%dma_start3A_195 : memref<125x80xi32, #tpu.memory_space<hbm>>) target(%arg7 : memref<125x80xi32, #tpu.memory_space<vmem>>) target_semaphore(%run_scoped3A : memref<!tpu.dma_semaphore, #tpu.memory_space<semaphore_mem>>)
      %dma_wait3A_196 = arith.constant 0 : i32
      %dma_wait3A_197 = arith.constant 0 : i32
      %dma_wait3A_198 = tpu.memref_slice %arg4[%add3A, %dma_wait3A_196, %dma_wait3A_197] : memref<32x125x80xi32, #tpu.memory_space<hbm>> -> memref<1x125x80xi32, #tpu.memory_space<hbm>>
      %dma_wait3A_199 = tpu.memref_squeeze %dma_wait3A_198 : memref<1x125x80xi32, #tpu.memory_space<hbm>> -> memref<125x80xi32, #tpu.memory_space<hbm>>
      %dma_wait3A_200 = arith.constant 0 : i32
      %dma_wait3A_201 = arith.constant 0 : i32
      %dma_wait3A_202 = tpu.memref_slice %arg4[%add3A, %dma_wait3A_200, %dma_wait3A_201] : memref<32x125x80xi32, #tpu.memory_space<hbm>> -> memref<1x125x80xi32, #tpu.memory_space<hbm>>
      %dma_wait3A_203 = tpu.memref_squeeze %dma_wait3A_202 : memref<1x125x80xi32, #tpu.memory_space<hbm>> -> memref<125x80xi32, #tpu.memory_space<hbm>>
      tpu.wait_dma2 semaphore(%run_scoped3A : memref<!tpu.dma_semaphore, #tpu.memory_space<semaphore_mem>>) src(%dma_wait3A_203 : memref<125x80xi32, #tpu.memory_space<hbm>>) dst(%arg7 : memref<125x80xi32, #tpu.memory_space<vmem>>)
      tpu.yield
    }) : () -> ()
    %broadcast_in_dim3A = arith.constant 0.000000e+00 : f32
    %broadcast_in_dim3A_1 = vector.broadcast %broadcast_in_dim3A : f32 to vector<16xf32>
    %scan3A = arith.constant 0 : i32
    %scan3A_2 = arith.constant 0 : i32
    %scan3A_3 = arith.constant 80 : i32
    %scan3A_4 = arith.addi %scan3A_2, %scan3A_3 : i32
    %scan3A_5 = arith.constant 1 : i32
    scf.for %scan3A_188 = %scan3A_2 to %scan3A_4 step %scan3A_5  : i32 {
      %swap3A = arith.index_cast %scan3A_188 : i32 to index
      %swap3A_189 = arith.constant 0 : index
      %swap3A_190 = tpu.vector_load %arg8[%swap3A, %swap3A_189] {strides = array<i32>} : memref<80x64xf32, #tpu.memory_space<vmem>>, vector<1x16xf32>,
      %swap3A_191 = vector.shape_cast %swap3A_190 : vector<1x16xf32> to vector<16xf32>
      %swap3A_192 = vector.shape_cast %broadcast_in_dim3A_1 : vector<16xf32> to vector<1x16xf32>
      tpu.vector_store %arg8[%swap3A, %swap3A_189], %swap3A_192 {strides = array<i32>} : memref<80x64xf32, #tpu.memory_space<vmem>>, vector<1x16xf32>,
      %swap3A_193 = arith.index_cast %scan3A_188 : i32 to index
      %swap3A_194 = arith.constant 16 : index
      %swap3A_195 = tpu.vector_load %arg8[%swap3A_193, %swap3A_194] {strides = array<i32>} : memref<80x64xf32, #tpu.memory_space<vmem>>, vector<1x16xf32>,
      %swap3A_196 = vector.shape_cast %swap3A_195 : vector<1x16xf32> to vector<16xf32>
      %swap3A_197 = vector.shape_cast %broadcast_in_dim3A_1 : vector<16xf32> to vector<1x16xf32>
      tpu.vector_store %arg8[%swap3A_193, %swap3A_194], %swap3A_197 {strides = array<i32>} : memref<80x64xf32, #tpu.memory_space<vmem>>, vector<1x16xf32>,
      %swap3A_198 = arith.index_cast %scan3A_188 : i32 to index
      %swap3A_199 = arith.constant 32 : index
      %swap3A_200 = tpu.vector_load %arg8[%swap3A_198, %swap3A_199] {strides = array<i32>} : memref<80x64xf32, #tpu.memory_space<vmem>>, vector<1x16xf32>,
      %swap3A_201 = vector.shape_cast %swap3A_200 : vector<1x16xf32> to vector<16xf32>
      %swap3A_202 = vector.shape_cast %broadcast_in_dim3A_1 : vector<16xf32> to vector<1x16xf32>
      tpu.vector_store %arg8[%swap3A_198, %swap3A_199], %swap3A_202 {strides = array<i32>} : memref<80x64xf32, #tpu.memory_space<vmem>>, vector<1x16xf32>,
      %swap3A_203 = arith.index_cast %scan3A_188 : i32 to index
      %swap3A_204 = arith.constant 48 : index
      %swap3A_205 = tpu.vector_load %arg8[%swap3A_203, %swap3A_204] {strides = array<i32>} : memref<80x64xf32, #tpu.memory_space<vmem>>, vector<1x16xf32>,
      %swap3A_206 = vector.shape_cast %swap3A_205 : vector<1x16xf32> to vector<16xf32>
      %swap3A_207 = vector.shape_cast %broadcast_in_dim3A_1 : vector<16xf32> to vector<1x16xf32>
      tpu.vector_store %arg8[%swap3A_203, %swap3A_204], %swap3A_207 {strides = array<i32>} : memref<80x64xf32, #tpu.memory_space<vmem>>, vector<1x16xf32>,
    }
    %scan3A_6 = arith.constant 80 : i32
    %mul3A_7 = arith.constant 640 : i32
    %mul3A_8 = arith.muli %arg1, %mul3A_7 : i32
    %add3A_9 = arith.constant 0 : i32
    %add3A_10 = arith.addi %mul3A_8, %add3A_9 : i32
    "tpu.region"() ({
      %run_scoped3A = tpu.sem_alloc : memref<!tpu.dma_semaphore, #tpu.memory_space<semaphore_mem>>
      %dma_start3A_188 = arith.constant 0 : i32
      %dma_start3A_189 = tpu.memref_slice %arg13[%add3A_10, %dma_start3A_188] : memref<10240x64xf32, #tpu.memory_space<vmem_shared>> -> memref<80x64xf32, #tpu.memory_space<vmem_shared>>
      %dma_start3A_190 = arith.constant 0 : i32
      %dma_start3A_191 = tpu.memref_slice %arg13[%add3A_10, %dma_start3A_190] : memref<10240x64xf32, #tpu.memory_space<vmem_shared>> -> memref<80x64xf32, #tpu.memory_space<vmem_shared>>
      tpu.enqueue_dma source(%arg8 : memref<80x64xf32, #tpu.memory_space<vmem>>) target(%dma_start3A_191 : memref<80x64xf32, #tpu.memory_space<vmem_shared>>) target_semaphore(%run_scoped3A : memref<!tpu.dma_semaphore, #tpu.memory_space<semaphore_mem>>)
      %dma_wait3A_192 = arith.constant 0 : i32
      %dma_wait3A_193 = tpu.memref_slice %arg13[%add3A_10, %dma_wait3A_192] : memref<10240x64xf32, #tpu.memory_space<vmem_shared>> -> memref<80x64xf32, #tpu.memory_space<vmem_shared>>
      %dma_wait3A_194 = arith.constant 0 : i32
      %dma_wait3A_195 = tpu.memref_slice %arg13[%add3A_10, %dma_wait3A_194] : memref<10240x64xf32, #tpu.memory_space<vmem_shared>> -> memref<80x64xf32, #tpu.memory_space<vmem_shared>>
      tpu.wait_dma2 semaphore(%run_scoped3A : memref<!tpu.dma_semaphore, #tpu.memory_space<semaphore_mem>>) src(%arg8 : memref<80x64xf32, #tpu.memory_space<vmem>>) dst(%dma_wait3A_195 : memref<80x64xf32, #tpu.memory_space<vmem_shared>>)
      tpu.yield
    }) : () -> ()
    %mul3A_11 = arith.constant 640 : i32
    %mul3A_12 = arith.muli %arg1, %mul3A_11 : i32
    %add3A_13 = arith.constant 80 : i32
    %add3A_14 = arith.addi %mul3A_12, %add3A_13 : i32
    "tpu.region"() ({
      %run_scoped3A = tpu.sem_alloc : memref<!tpu.dma_semaphore, #tpu.memory_space<semaphore_mem>>
      %dma_start3A_188 = arith.constant 0 : i32
      %dma_start3A_189 = tpu.memref_slice %arg13[%add3A_14, %dma_start3A_188] : memref<10240x64xf32, #tpu.memory_space<vmem_shared>> -> memref<80x64xf32, #tpu.memory_space<vmem_shared>>
      %dma_start3A_190 = arith.constant 0 : i32
      %dma_start3A_191 = tpu.memref_slice %arg13[%add3A_14, %dma_start3A_190] : memref<10240x64xf32, #tpu.memory_space<vmem_shared>> -> memref<80x64xf32, #tpu.memory_space<vmem_shared>>
      tpu.enqueue_dma source(%arg8 : memref<80x64xf32, #tpu.memory_space<vmem>>) target(%dma_start3A_191 : memref<80x64xf32, #tpu.memory_space<vmem_shared>>) target_semaphore(%run_scoped3A : memref<!tpu.dma_semaphore, #tpu.memory_space<semaphore_mem>>)
      %dma_wait3A_192 = arith.constant 0 : i32
      %dma_wait3A_193 = tpu.memref_slice %arg13[%add3A_14, %dma_wait3A_192] : memref<10240x64xf32, #tpu.memory_space<vmem_shared>> -> memref<80x64xf32, #tpu.memory_space<vmem_shared>>
      %dma_wait3A_194 = arith.constant 0 : i32
      %dma_wait3A_195 = tpu.memref_slice %arg13[%add3A_14, %dma_wait3A_194] : memref<10240x64xf32, #tpu.memory_space<vmem_shared>> -> memref<80x64xf32, #tpu.memory_space<vmem_shared>>
      tpu.wait_dma2 semaphore(%run_scoped3A : memref<!tpu.dma_semaphore, #tpu.memory_space<semaphore_mem>>) src(%arg8 : memref<80x64xf32, #tpu.memory_space<vmem>>) dst(%dma_wait3A_195 : memref<80x64xf32, #tpu.memory_space<vmem_shared>>)
      tpu.yield
    }) : () -> ()
    %mul3A_15 = arith.constant 640 : i32
    %mul3A_16 = arith.muli %arg1, %mul3A_15 : i32
    %add3A_17 = arith.constant 160 : i32
    %add3A_18 = arith.addi %mul3A_16, %add3A_17 : i32
    "tpu.region"() ({
      %run_scoped3A = tpu.sem_alloc : memref<!tpu.dma_semaphore, #tpu.memory_space<semaphore_mem>>
      %dma_start3A_188 = arith.constant 0 : i32
      %dma_start3A_189 = tpu.memref_slice %arg13[%add3A_18, %dma_start3A_188] : memref<10240x64xf32, #tpu.memory_space<vmem_shared>> -> memref<80x64xf32, #tpu.memory_space<vmem_shared>>
      %dma_start3A_190 = arith.constant 0 : i32
      %dma_start3A_191 = tpu.memref_slice %arg13[%add3A_18, %dma_start3A_190] : memref<10240x64xf32, #tpu.memory_space<vmem_shared>> -> memref<80x64xf32, #tpu.memory_space<vmem_shared>>
      tpu.enqueue_dma source(%arg8 : memref<80x64xf32, #tpu.memory_space<vmem>>) target(%dma_start3A_191 : memref<80x64xf32, #tpu.memory_space<vmem_shared>>) target_semaphore(%run_scoped3A : memref<!tpu.dma_semaphore, #tpu.memory_space<semaphore_mem>>)
      %dma_wait3A_192 = arith.constant 0 : i32
      %dma_wait3A_193 = tpu.memref_slice %arg13[%add3A_18, %dma_wait3A_192] : memref<10240x64xf32, #tpu.memory_space<vmem_shared>> -> memref<80x64xf32, #tpu.memory_space<vmem_shared>>
      %dma_wait3A_194 = arith.constant 0 : i32
      %dma_wait3A_195 = tpu.memref_slice %arg13[%add3A_18, %dma_wait3A_194] : memref<10240x64xf32, #tpu.memory_space<vmem_shared>> -> memref<80x64xf32, #tpu.memory_space<vmem_shared>>
      tpu.wait_dma2 semaphore(%run_scoped3A : memref<!tpu.dma_semaphore, #tpu.memory_space<semaphore_mem>>) src(%arg8 : memref<80x64xf32, #tpu.memory_space<vmem>>) dst(%dma_wait3A_195 : memref<80x64xf32, #tpu.memory_space<vmem_shared>>)
      tpu.yield
    }) : () -> ()
    %mul3A_19 = arith.constant 640 : i32
    %mul3A_20 = arith.muli %arg1, %mul3A_19 : i32
    %add3A_21 = arith.constant 240 : i32
    %add3A_22 = arith.addi %mul3A_20, %add3A_21 : i32
    "tpu.region"() ({
      %run_scoped3A = tpu.sem_alloc : memref<!tpu.dma_semaphore, #tpu.memory_space<semaphore_mem>>
      %dma_start3A_188 = arith.constant 0 : i32
      %dma_start3A_189 = tpu.memref_slice %arg13[%add3A_22, %dma_start3A_188] : memref<10240x64xf32, #tpu.memory_space<vmem_shared>> -> memref<80x64xf32, #tpu.memory_space<vmem_shared>>
      %dma_start3A_190 = arith.constant 0 : i32
      %dma_start3A_191 = tpu.memref_slice %arg13[%add3A_22, %dma_start3A_190] : memref<10240x64xf32, #tpu.memory_space<vmem_shared>> -> memref<80x64xf32, #tpu.memory_space<vmem_shared>>
      tpu.enqueue_dma source(%arg8 : memref<80x64xf32, #tpu.memory_space<vmem>>) target(%dma_start3A_191 : memref<80x64xf32, #tpu.memory_space<vmem_shared>>) target_semaphore(%run_scoped3A : memref<!tpu.dma_semaphore, #tpu.memory_space<semaphore_mem>>)
      %dma_wait3A_192 = arith.constant 0 : i32
      %dma_wait3A_193 = tpu.memref_slice %arg13[%add3A_22, %dma_wait3A_192] : memref<10240x64xf32, #tpu.memory_space<vmem_shared>> -> memref<80x64xf32, #tpu.memory_space<vmem_shared>>
      %dma_wait3A_194 = arith.constant 0 : i32
      %dma_wait3A_195 = tpu.memref_slice %arg13[%add3A_22, %dma_wait3A_194] : memref<10240x64xf32, #tpu.memory_space<vmem_shared>> -> memref<80x64xf32, #tpu.memory_space<vmem_shared>>
      tpu.wait_dma2 semaphore(%run_scoped3A : memref<!tpu.dma_semaphore, #tpu.memory_space<semaphore_mem>>) src(%arg8 : memref<80x64xf32, #tpu.memory_space<vmem>>) dst(%dma_wait3A_195 : memref<80x64xf32, #tpu.memory_space<vmem_shared>>)
      tpu.yield
    }) : () -> ()
    %mul3A_23 = arith.constant 640 : i32
    %mul3A_24 = arith.muli %arg1, %mul3A_23 : i32
    %add3A_25 = arith.constant 320 : i32
    %add3A_26 = arith.addi %mul3A_24, %add3A_25 : i32
    "tpu.region"() ({
      %run_scoped3A = tpu.sem_alloc : memref<!tpu.dma_semaphore, #tpu.memory_space<semaphore_mem>>
      %dma_start3A_188 = arith.constant 0 : i32
      %dma_start3A_189 = tpu.memref_slice %arg13[%add3A_26, %dma_start3A_188] : memref<10240x64xf32, #tpu.memory_space<vmem_shared>> -> memref<80x64xf32, #tpu.memory_space<vmem_shared>>
      %dma_start3A_190 = arith.constant 0 : i32
      %dma_start3A_191 = tpu.memref_slice %arg13[%add3A_26, %dma_start3A_190] : memref<10240x64xf32, #tpu.memory_space<vmem_shared>> -> memref<80x64xf32, #tpu.memory_space<vmem_shared>>
      tpu.enqueue_dma source(%arg8 : memref<80x64xf32, #tpu.memory_space<vmem>>) target(%dma_start3A_191 : memref<80x64xf32, #tpu.memory_space<vmem_shared>>) target_semaphore(%run_scoped3A : memref<!tpu.dma_semaphore, #tpu.memory_space<semaphore_mem>>)
      %dma_wait3A_192 = arith.constant 0 : i32
      %dma_wait3A_193 = tpu.memref_slice %arg13[%add3A_26, %dma_wait3A_192] : memref<10240x64xf32, #tpu.memory_space<vmem_shared>> -> memref<80x64xf32, #tpu.memory_space<vmem_shared>>
      %dma_wait3A_194 = arith.constant 0 : i32
      %dma_wait3A_195 = tpu.memref_slice %arg13[%add3A_26, %dma_wait3A_194] : memref<10240x64xf32, #tpu.memory_space<vmem_shared>> -> memref<80x64xf32, #tpu.memory_space<vmem_shared>>
      tpu.wait_dma2 semaphore(%run_scoped3A : memref<!tpu.dma_semaphore, #tpu.memory_space<semaphore_mem>>) src(%arg8 : memref<80x64xf32, #tpu.memory_space<vmem>>) dst(%dma_wait3A_195 : memref<80x64xf32, #tpu.memory_space<vmem_shared>>)
      tpu.yield
    }) : () -> ()
    %mul3A_27 = arith.constant 640 : i32
    %mul3A_28 = arith.muli %arg1, %mul3A_27 : i32
    %add3A_29 = arith.constant 400 : i32
    %add3A_30 = arith.addi %mul3A_28, %add3A_29 : i32
    "tpu.region"() ({
      %run_scoped3A = tpu.sem_alloc : memref<!tpu.dma_semaphore, #tpu.memory_space<semaphore_mem>>
      %dma_start3A_188 = arith.constant 0 : i32
      %dma_start3A_189 = tpu.memref_slice %arg13[%add3A_30, %dma_start3A_188] : memref<10240x64xf32, #tpu.memory_space<vmem_shared>> -> memref<80x64xf32, #tpu.memory_space<vmem_shared>>
      %dma_start3A_190 = arith.constant 0 : i32
      %dma_start3A_191 = tpu.memref_slice %arg13[%add3A_30, %dma_start3A_190] : memref<10240x64xf32, #tpu.memory_space<vmem_shared>> -> memref<80x64xf32, #tpu.memory_space<vmem_shared>>
      tpu.enqueue_dma source(%arg8 : memref<80x64xf32, #tpu.memory_space<vmem>>) target(%dma_start3A_191 : memref<80x64xf32, #tpu.memory_space<vmem_shared>>) target_semaphore(%run_scoped3A : memref<!tpu.dma_semaphore, #tpu.memory_space<semaphore_mem>>)
      %dma_wait3A_192 = arith.constant 0 : i32
      %dma_wait3A_193 = tpu.memref_slice %arg13[%add3A_30, %dma_wait3A_192] : memref<10240x64xf32, #tpu.memory_space<vmem_shared>> -> memref<80x64xf32, #tpu.memory_space<vmem_shared>>
      %dma_wait3A_194 = arith.constant 0 : i32
      %dma_wait3A_195 = tpu.memref_slice %arg13[%add3A_30, %dma_wait3A_194] : memref<10240x64xf32, #tpu.memory_space<vmem_shared>> -> memref<80x64xf32, #tpu.memory_space<vmem_shared>>
      tpu.wait_dma2 semaphore(%run_scoped3A : memref<!tpu.dma_semaphore, #tpu.memory_space<semaphore_mem>>) src(%arg8 : memref<80x64xf32, #tpu.memory_space<vmem>>) dst(%dma_wait3A_195 : memref<80x64xf32, #tpu.memory_space<vmem_shared>>)
      tpu.yield
    }) : () -> ()
    %mul3A_31 = arith.constant 640 : i32
    %mul3A_32 = arith.muli %arg1, %mul3A_31 : i32
    %add3A_33 = arith.constant 480 : i32
    %add3A_34 = arith.addi %mul3A_32, %add3A_33 : i32
    "tpu.region"() ({
      %run_scoped3A = tpu.sem_alloc : memref<!tpu.dma_semaphore, #tpu.memory_space<semaphore_mem>>
      %dma_start3A_188 = arith.constant 0 : i32
      %dma_start3A_189 = tpu.memref_slice %arg13[%add3A_34, %dma_start3A_188] : memref<10240x64xf32, #tpu.memory_space<vmem_shared>> -> memref<80x64xf32, #tpu.memory_space<vmem_shared>>
      %dma_start3A_190 = arith.constant 0 : i32
      %dma_start3A_191 = tpu.memref_slice %arg13[%add3A_34, %dma_start3A_190] : memref<10240x64xf32, #tpu.memory_space<vmem_shared>> -> memref<80x64xf32, #tpu.memory_space<vmem_shared>>
      tpu.enqueue_dma source(%arg8 : memref<80x64xf32, #tpu.memory_space<vmem>>) target(%dma_start3A_191 : memref<80x64xf32, #tpu.memory_space<vmem_shared>>) target_semaphore(%run_scoped3A : memref<!tpu.dma_semaphore, #tpu.memory_space<semaphore_mem>>)
      %dma_wait3A_192 = arith.constant 0 : i32
      %dma_wait3A_193 = tpu.memref_slice %arg13[%add3A_34, %dma_wait3A_192] : memref<10240x64xf32, #tpu.memory_space<vmem_shared>> -> memref<80x64xf32, #tpu.memory_space<vmem_shared>>
      %dma_wait3A_194 = arith.constant 0 : i32
      %dma_wait3A_195 = tpu.memref_slice %arg13[%add3A_34, %dma_wait3A_194] : memref<10240x64xf32, #tpu.memory_space<vmem_shared>> -> memref<80x64xf32, #tpu.memory_space<vmem_shared>>
      tpu.wait_dma2 semaphore(%run_scoped3A : memref<!tpu.dma_semaphore, #tpu.memory_space<semaphore_mem>>) src(%arg8 : memref<80x64xf32, #tpu.memory_space<vmem>>) dst(%dma_wait3A_195 : memref<80x64xf32, #tpu.memory_space<vmem_shared>>)
      tpu.yield
    }) : () -> ()
    %mul3A_35 = arith.constant 640 : i32
    %mul3A_36 = arith.muli %arg1, %mul3A_35 : i32
    %add3A_37 = arith.constant 560 : i32
    %add3A_38 = arith.addi %mul3A_36, %add3A_37 : i32
    "tpu.region"() ({
      %run_scoped3A = tpu.sem_alloc : memref<!tpu.dma_semaphore, #tpu.memory_space<semaphore_mem>>
      %dma_start3A_188 = arith.constant 0 : i32
      %dma_start3A_189 = tpu.memref_slice %arg13[%add3A_38, %dma_start3A_188] : memref<10240x64xf32, #tpu.memory_space<vmem_shared>> -> memref<80x64xf32, #tpu.memory_space<vmem_shared>>
      %dma_start3A_190 = arith.constant 0 : i32
      %dma_start3A_191 = tpu.memref_slice %arg13[%add3A_38, %dma_start3A_190] : memref<10240x64xf32, #tpu.memory_space<vmem_shared>> -> memref<80x64xf32, #tpu.memory_space<vmem_shared>>
      tpu.enqueue_dma source(%arg8 : memref<80x64xf32, #tpu.memory_space<vmem>>) target(%dma_start3A_191 : memref<80x64xf32, #tpu.memory_space<vmem_shared>>) target_semaphore(%run_scoped3A : memref<!tpu.dma_semaphore, #tpu.memory_space<semaphore_mem>>)
      %dma_wait3A_192 = arith.constant 0 : i32
      %dma_wait3A_193 = tpu.memref_slice %arg13[%add3A_38, %dma_wait3A_192] : memref<10240x64xf32, #tpu.memory_space<vmem_shared>> -> memref<80x64xf32, #tpu.memory_space<vmem_shared>>
      %dma_wait3A_194 = arith.constant 0 : i32
      %dma_wait3A_195 = tpu.memref_slice %arg13[%add3A_38, %dma_wait3A_194] : memref<10240x64xf32, #tpu.memory_space<vmem_shared>> -> memref<80x64xf32, #tpu.memory_space<vmem_shared>>
      tpu.wait_dma2 semaphore(%run_scoped3A : memref<!tpu.dma_semaphore, #tpu.memory_space<semaphore_mem>>) src(%arg8 : memref<80x64xf32, #tpu.memory_space<vmem>>) dst(%dma_wait3A_195 : memref<80x64xf32, #tpu.memory_space<vmem_shared>>)
      tpu.yield
    }) : () -> ()
    %barrier3A = arith.constant 0 : index
    tpu.barrier barrier_id(%barrier3A)
    %dma_start3A = arith.constant 0 : i32
    %dma_start3A_39 = arith.constant 0 : i32
    %dma_start3A_40 = tpu.memref_slice %arg6[%dma_start3A, %dma_start3A_39] : memref<125x80xi32, #tpu.memory_space<vmem>> -> memref<1x80xi32, #tpu.memory_space<vmem>>
    %dma_start3A_41 = tpu.memref_squeeze %dma_start3A_40 : memref<1x80xi32, #tpu.memory_space<vmem>> -> memref<80xi32, #tpu.memory_space<vmem>>
    %dma_start3A_42 = arith.constant 0 : i32
    %dma_start3A_43 = arith.constant 0 : i32
    %dma_start3A_44 = tpu.memref_slice %arg2[%dma_start3A_42, %dma_start3A_43] : memref<10240x64xf32, #tpu.memory_space<hbm>> -> memref<10240x64xf32, #tpu.memory_space<hbm>>
    tpu.enqueue_indirect_dma source(%dma_start3A_44 : memref<10240x64xf32, #tpu.memory_space<hbm>>) target(%arg8 : memref<80x64xf32, #tpu.memory_space<vmem>>) offsets(%dma_start3A_41 : memref<80xi32, #tpu.memory_space<vmem>>) semaphore(%arg14 : memref<!tpu.dma_semaphore, #tpu.memory_space<semaphore_mem>>)
    %dma_start3A_45 = arith.constant 1 : i32
    %dma_start3A_46 = arith.constant 0 : i32
    %dma_start3A_47 = tpu.memref_slice %arg6[%dma_start3A_45, %dma_start3A_46] : memref<125x80xi32, #tpu.memory_space<vmem>> -> memref<1x80xi32, #tpu.memory_space<vmem>>
    %dma_start3A_48 = tpu.memref_squeeze %dma_start3A_47 : memref<1x80xi32, #tpu.memory_space<vmem>> -> memref<80xi32, #tpu.memory_space<vmem>>
    %dma_start3A_49 = arith.constant 0 : i32
    %dma_start3A_50 = arith.constant 0 : i32
    %dma_start3A_51 = tpu.memref_slice %arg2[%dma_start3A_49, %dma_start3A_50] : memref<10240x64xf32, #tpu.memory_space<hbm>> -> memref<10240x64xf32, #tpu.memory_space<hbm>>
    tpu.enqueue_indirect_dma source(%dma_start3A_51 : memref<10240x64xf32, #tpu.memory_space<hbm>>) target(%arg9 : memref<80x64xf32, #tpu.memory_space<vmem>>) offsets(%dma_start3A_48 : memref<80xi32, #tpu.memory_space<vmem>>) semaphore(%arg15 : memref<!tpu.dma_semaphore, #tpu.memory_space<semaphore_mem>>)
    %dma_start3A_52 = arith.constant 2 : i32
    %dma_start3A_53 = arith.constant 0 : i32
    %dma_start3A_54 = tpu.memref_slice %arg6[%dma_start3A_52, %dma_start3A_53] : memref<125x80xi32, #tpu.memory_space<vmem>> -> memref<1x80xi32, #tpu.memory_space<vmem>>
    %dma_start3A_55 = tpu.memref_squeeze %dma_start3A_54 : memref<1x80xi32, #tpu.memory_space<vmem>> -> memref<80xi32, #tpu.memory_space<vmem>>
    %dma_start3A_56 = arith.constant 0 : i32
    %dma_start3A_57 = arith.constant 0 : i32
    %dma_start3A_58 = tpu.memref_slice %arg2[%dma_start3A_56, %dma_start3A_57] : memref<10240x64xf32, #tpu.memory_space<hbm>> -> memref<10240x64xf32, #tpu.memory_space<hbm>>
    tpu.enqueue_indirect_dma source(%dma_start3A_58 : memref<10240x64xf32, #tpu.memory_space<hbm>>) target(%arg10 : memref<80x64xf32, #tpu.memory_space<vmem>>) offsets(%dma_start3A_55 : memref<80xi32, #tpu.memory_space<vmem>>) semaphore(%arg16 : memref<!tpu.dma_semaphore, #tpu.memory_space<semaphore_mem>>)
    %dma_start3A_59 = arith.constant 3 : i32
    %dma_start3A_60 = arith.constant 0 : i32
    %dma_start3A_61 = tpu.memref_slice %arg6[%dma_start3A_59, %dma_start3A_60] : memref<125x80xi32, #tpu.memory_space<vmem>> -> memref<1x80xi32, #tpu.memory_space<vmem>>
    %dma_start3A_62 = tpu.memref_squeeze %dma_start3A_61 : memref<1x80xi32, #tpu.memory_space<vmem>> -> memref<80xi32, #tpu.memory_space<vmem>>
    %dma_start3A_63 = arith.constant 0 : i32
    %dma_start3A_64 = arith.constant 0 : i32
    %dma_start3A_65 = tpu.memref_slice %arg2[%dma_start3A_63, %dma_start3A_64] : memref<10240x64xf32, #tpu.memory_space<hbm>> -> memref<10240x64xf32, #tpu.memory_space<hbm>>
    tpu.enqueue_indirect_dma source(%dma_start3A_65 : memref<10240x64xf32, #tpu.memory_space<hbm>>) target(%arg11 : memref<80x64xf32, #tpu.memory_space<vmem>>) offsets(%dma_start3A_62 : memref<80xi32, #tpu.memory_space<vmem>>) semaphore(%arg17 : memref<!tpu.dma_semaphore, #tpu.memory_space<semaphore_mem>>)
    %dma_start3A_66 = arith.constant 4 : i32
    %dma_start3A_67 = arith.constant 0 : i32
    %dma_start3A_68 = tpu.memref_slice %arg6[%dma_start3A_66, %dma_start3A_67] : memref<125x80xi32, #tpu.memory_space<vmem>> -> memref<1x80xi32, #tpu.memory_space<vmem>>
    %dma_start3A_69 = tpu.memref_squeeze %dma_start3A_68 : memref<1x80xi32, #tpu.memory_space<vmem>> -> memref<80xi32, #tpu.memory_space<vmem>>
    %dma_start3A_70 = arith.constant 0 : i32
    %dma_start3A_71 = arith.constant 0 : i32
    %dma_start3A_72 = tpu.memref_slice %arg2[%dma_start3A_70, %dma_start3A_71] : memref<10240x64xf32, #tpu.memory_space<hbm>> -> memref<10240x64xf32, #tpu.memory_space<hbm>>
    tpu.enqueue_indirect_dma source(%dma_start3A_72 : memref<10240x64xf32, #tpu.memory_space<hbm>>) target(%arg12 : memref<80x64xf32, #tpu.memory_space<vmem>>) offsets(%dma_start3A_69 : memref<80xi32, #tpu.memory_space<vmem>>) semaphore(%arg18 : memref<!tpu.dma_semaphore, #tpu.memory_space<semaphore_mem>>)
    %scan3A_73 = arith.constant 0 : i32
    %scan3A_74 = arith.constant 0 : i32
    %scan3A_75 = arith.constant 24 : i32
    %scan3A_76 = arith.addi %scan3A_74, %scan3A_75 : i32
    %scan3A_77 = arith.constant 1 : i32
    scf.for %scan3A_188 = %scan3A_74 to %scan3A_76 step %scan3A_77  : i32 {
      %mul3A_189 = arith.constant 5 : i32
      %mul3A_190 = arith.muli %scan3A_188, %mul3A_189 : i32
      %add3A_191 = arith.constant 0 : i32
      %add3A_192 = arith.addi %mul3A_190, %add3A_191 : i32
      %dma_wait3A_193 = arith.constant 0 : i32
      %dma_wait3A_194 = tpu.memref_slice %arg6[%add3A_192, %dma_wait3A_193] : memref<125x80xi32, #tpu.memory_space<vmem>> -> memref<1x80xi32, #tpu.memory_space<vmem>>
      %dma_wait3A_195 = tpu.memref_squeeze %dma_wait3A_194 : memref<1x80xi32, #tpu.memory_space<vmem>> -> memref<80xi32, #tpu.memory_space<vmem>>
      %dma_wait3A_196 = arith.constant 0 : i32
      %dma_wait3A_197 = arith.constant 0 : i32
      %dma_wait3A_198 = tpu.memref_slice %arg2[%dma_wait3A_196, %dma_wait3A_197] : memref<10240x64xf32, #tpu.memory_space<hbm>> -> memref<10240x64xf32, #tpu.memory_space<hbm>>
      tpu.wait_indirect_dma semaphore(%arg14 : memref<!tpu.dma_semaphore, #tpu.memory_space<semaphore_mem>>) src(%dma_wait3A_198 : memref<10240x64xf32, #tpu.memory_space<hbm>>) dst(%arg8 : memref<80x64xf32, #tpu.memory_space<vmem>>)
      %add3A_199 = arith.constant 0 : i32
      %add3A_200 = arith.addi %mul3A_190, %add3A_199 : i32
      %dma_start3A_201 = arith.constant 0 : i32
      %dma_start3A_202 = tpu.memref_slice %arg7[%add3A_200, %dma_start3A_201] : memref<125x80xi32, #tpu.memory_space<vmem>> -> memref<1x80xi32, #tpu.memory_space<vmem>>
      %dma_start3A_203 = tpu.memref_squeeze %dma_start3A_202 : memref<1x80xi32, #tpu.memory_space<vmem>> -> memref<80xi32, #tpu.memory_space<vmem>>
      %dma_start3A_204 = arith.constant 0 : i32
      %dma_start3A_205 = arith.constant 0 : i32
      %dma_start3A_206 = tpu.memref_slice %arg13[%dma_start3A_204, %dma_start3A_205] : memref<10240x64xf32, #tpu.memory_space<vmem_shared>> -> memref<10240x64xf32, #tpu.memory_space<vmem_shared>>
      tpu.enqueue_indirect_dma source(%arg8 : memref<80x64xf32, #tpu.memory_space<vmem>>) target(%dma_start3A_206 : memref<10240x64xf32, #tpu.memory_space<vmem_shared>>) offsets(%dma_start3A_203 : memref<80xi32, #tpu.memory_space<vmem>>) semaphore(%arg19 : memref<!tpu.dma_semaphore, #tpu.memory_space<semaphore_mem>>) {add = true}
      %add3A_207 = arith.constant 1 : i32
      %add3A_208 = arith.addi %mul3A_190, %add3A_207 : i32
      %dma_wait3A_209 = arith.constant 0 : i32
      %dma_wait3A_210 = tpu.memref_slice %arg6[%add3A_208, %dma_wait3A_209] : memref<125x80xi32, #tpu.memory_space<vmem>> -> memref<1x80xi32, #tpu.memory_space<vmem>>
      %dma_wait3A_211 = tpu.memref_squeeze %dma_wait3A_210 : memref<1x80xi32, #tpu.memory_space<vmem>> -> memref<80xi32, #tpu.memory_space<vmem>>
      %dma_wait3A_212 = arith.constant 0 : i32
      %dma_wait3A_213 = arith.constant 0 : i32
      %dma_wait3A_214 = tpu.memref_slice %arg2[%dma_wait3A_212, %dma_wait3A_213] : memref<10240x64xf32, #tpu.memory_space<hbm>> -> memref<10240x64xf32, #tpu.memory_space<hbm>>
      tpu.wait_indirect_dma semaphore(%arg15 : memref<!tpu.dma_semaphore, #tpu.memory_space<semaphore_mem>>) src(%dma_wait3A_214 : memref<10240x64xf32, #tpu.memory_space<hbm>>) dst(%arg9 : memref<80x64xf32, #tpu.memory_space<vmem>>)
      %add3A_215 = arith.constant 1 : i32
      %add3A_216 = arith.addi %mul3A_190, %add3A_215 : i32
      %dma_start3A_217 = arith.constant 0 : i32
      %dma_start3A_218 = tpu.memref_slice %arg7[%add3A_216, %dma_start3A_217] : memref<125x80xi32, #tpu.memory_space<vmem>> -> memref<1x80xi32, #tpu.memory_space<vmem>>
      %dma_start3A_219 = tpu.memref_squeeze %dma_start3A_218 : memref<1x80xi32, #tpu.memory_space<vmem>> -> memref<80xi32, #tpu.memory_space<vmem>>
      %dma_start3A_220 = arith.constant 0 : i32
      %dma_start3A_221 = arith.constant 0 : i32
      %dma_start3A_222 = tpu.memref_slice %arg13[%dma_start3A_220, %dma_start3A_221] : memref<10240x64xf32, #tpu.memory_space<vmem_shared>> -> memref<10240x64xf32, #tpu.memory_space<vmem_shared>>
      tpu.enqueue_indirect_dma source(%arg9 : memref<80x64xf32, #tpu.memory_space<vmem>>) target(%dma_start3A_222 : memref<10240x64xf32, #tpu.memory_space<vmem_shared>>) offsets(%dma_start3A_219 : memref<80xi32, #tpu.memory_space<vmem>>) semaphore(%arg20 : memref<!tpu.dma_semaphore, #tpu.memory_space<semaphore_mem>>) {add = true}
      %add3A_223 = arith.constant 2 : i32
      %add3A_224 = arith.addi %mul3A_190, %add3A_223 : i32
      %dma_wait3A_225 = arith.constant 0 : i32
      %dma_wait3A_226 = tpu.memref_slice %arg6[%add3A_224, %dma_wait3A_225] : memref<125x80xi32, #tpu.memory_space<vmem>> -> memref<1x80xi32, #tpu.memory_space<vmem>>
      %dma_wait3A_227 = tpu.memref_squeeze %dma_wait3A_226 : memref<1x80xi32, #tpu.memory_space<vmem>> -> memref<80xi32, #tpu.memory_space<vmem>>
      %dma_wait3A_228 = arith.constant 0 : i32
      %dma_wait3A_229 = arith.constant 0 : i32
      %dma_wait3A_230 = tpu.memref_slice %arg2[%dma_wait3A_228, %dma_wait3A_229] : memref<10240x64xf32, #tpu.memory_space<hbm>> -> memref<10240x64xf32, #tpu.memory_space<hbm>>
      tpu.wait_indirect_dma semaphore(%arg16 : memref<!tpu.dma_semaphore, #tpu.memory_space<semaphore_mem>>) src(%dma_wait3A_230 : memref<10240x64xf32, #tpu.memory_space<hbm>>) dst(%arg10 : memref<80x64xf32, #tpu.memory_space<vmem>>)
      %add3A_231 = arith.constant 2 : i32
      %add3A_232 = arith.addi %mul3A_190, %add3A_231 : i32
      %dma_start3A_233 = arith.constant 0 : i32
      %dma_start3A_234 = tpu.memref_slice %arg7[%add3A_232, %dma_start3A_233] : memref<125x80xi32, #tpu.memory_space<vmem>> -> memref<1x80xi32, #tpu.memory_space<vmem>>
      %dma_start3A_235 = tpu.memref_squeeze %dma_start3A_234 : memref<1x80xi32, #tpu.memory_space<vmem>> -> memref<80xi32, #tpu.memory_space<vmem>>
      %dma_start3A_236 = arith.constant 0 : i32
      %dma_start3A_237 = arith.constant 0 : i32
      %dma_start3A_238 = tpu.memref_slice %arg13[%dma_start3A_236, %dma_start3A_237] : memref<10240x64xf32, #tpu.memory_space<vmem_shared>> -> memref<10240x64xf32, #tpu.memory_space<vmem_shared>>
      tpu.enqueue_indirect_dma source(%arg10 : memref<80x64xf32, #tpu.memory_space<vmem>>) target(%dma_start3A_238 : memref<10240x64xf32, #tpu.memory_space<vmem_shared>>) offsets(%dma_start3A_235 : memref<80xi32, #tpu.memory_space<vmem>>) semaphore(%arg21 : memref<!tpu.dma_semaphore, #tpu.memory_space<semaphore_mem>>) {add = true}
      %add3A_239 = arith.constant 3 : i32
      %add3A_240 = arith.addi %mul3A_190, %add3A_239 : i32
      %dma_wait3A_241 = arith.constant 0 : i32
      %dma_wait3A_242 = tpu.memref_slice %arg6[%add3A_240, %dma_wait3A_241] : memref<125x80xi32, #tpu.memory_space<vmem>> -> memref<1x80xi32, #tpu.memory_space<vmem>>
      %dma_wait3A_243 = tpu.memref_squeeze %dma_wait3A_242 : memref<1x80xi32, #tpu.memory_space<vmem>> -> memref<80xi32, #tpu.memory_space<vmem>>
      %dma_wait3A_244 = arith.constant 0 : i32
      %dma_wait3A_245 = arith.constant 0 : i32
      %dma_wait3A_246 = tpu.memref_slice %arg2[%dma_wait3A_244, %dma_wait3A_245] : memref<10240x64xf32, #tpu.memory_space<hbm>> -> memref<10240x64xf32, #tpu.memory_space<hbm>>
      tpu.wait_indirect_dma semaphore(%arg17 : memref<!tpu.dma_semaphore, #tpu.memory_space<semaphore_mem>>) src(%dma_wait3A_246 : memref<10240x64xf32, #tpu.memory_space<hbm>>) dst(%arg11 : memref<80x64xf32, #tpu.memory_space<vmem>>)
      %add3A_247 = arith.constant 3 : i32
      %add3A_248 = arith.addi %mul3A_190, %add3A_247 : i32
      %dma_start3A_249 = arith.constant 0 : i32
      %dma_start3A_250 = tpu.memref_slice %arg7[%add3A_248, %dma_start3A_249] : memref<125x80xi32, #tpu.memory_space<vmem>> -> memref<1x80xi32, #tpu.memory_space<vmem>>
      %dma_start3A_251 = tpu.memref_squeeze %dma_start3A_250 : memref<1x80xi32, #tpu.memory_space<vmem>> -> memref<80xi32, #tpu.memory_space<vmem>>
      %dma_start3A_252 = arith.constant 0 : i32
      %dma_start3A_253 = arith.constant 0 : i32
      %dma_start3A_254 = tpu.memref_slice %arg13[%dma_start3A_252, %dma_start3A_253] : memref<10240x64xf32, #tpu.memory_space<vmem_shared>> -> memref<10240x64xf32, #tpu.memory_space<vmem_shared>>
      tpu.enqueue_indirect_dma source(%arg11 : memref<80x64xf32, #tpu.memory_space<vmem>>) target(%dma_start3A_254 : memref<10240x64xf32, #tpu.memory_space<vmem_shared>>) offsets(%dma_start3A_251 : memref<80xi32, #tpu.memory_space<vmem>>) semaphore(%arg22 : memref<!tpu.dma_semaphore, #tpu.memory_space<semaphore_mem>>) {add = true}
      %add3A_255 = arith.constant 4 : i32
      %add3A_256 = arith.addi %mul3A_190, %add3A_255 : i32
      %dma_wait3A_257 = arith.constant 0 : i32
      %dma_wait3A_258 = tpu.memref_slice %arg6[%add3A_256, %dma_wait3A_257] : memref<125x80xi32, #tpu.memory_space<vmem>> -> memref<1x80xi32, #tpu.memory_space<vmem>>
      %dma_wait3A_259 = tpu.memref_squeeze %dma_wait3A_258 : memref<1x80xi32, #tpu.memory_space<vmem>> -> memref<80xi32, #tpu.memory_space<vmem>>
      %dma_wait3A_260 = arith.constant 0 : i32
      %dma_wait3A_261 = arith.constant 0 : i32
      %dma_wait3A_262 = tpu.memref_slice %arg2[%dma_wait3A_260, %dma_wait3A_261] : memref<10240x64xf32, #tpu.memory_space<hbm>> -> memref<10240x64xf32, #tpu.memory_space<hbm>>
      tpu.wait_indirect_dma semaphore(%arg18 : memref<!tpu.dma_semaphore, #tpu.memory_space<semaphore_mem>>) src(%dma_wait3A_262 : memref<10240x64xf32, #tpu.memory_space<hbm>>) dst(%arg12 : memref<80x64xf32, #tpu.memory_space<vmem>>)
      %add3A_263 = arith.constant 4 : i32
      %add3A_264 = arith.addi %mul3A_190, %add3A_263 : i32
      %dma_start3A_265 = arith.constant 0 : i32
      %dma_start3A_266 = tpu.memref_slice %arg7[%add3A_264, %dma_start3A_265] : memref<125x80xi32, #tpu.memory_space<vmem>> -> memref<1x80xi32, #tpu.memory_space<vmem>>
      %dma_start3A_267 = tpu.memref_squeeze %dma_start3A_266 : memref<1x80xi32, #tpu.memory_space<vmem>> -> memref<80xi32, #tpu.memory_space<vmem>>
      %dma_start3A_268 = arith.constant 0 : i32
      %dma_start3A_269 = arith.constant 0 : i32
      %dma_start3A_270 = tpu.memref_slice %arg13[%dma_start3A_268, %dma_start3A_269] : memref<10240x64xf32, #tpu.memory_space<vmem_shared>> -> memref<10240x64xf32, #tpu.memory_space<vmem_shared>>
      tpu.enqueue_indirect_dma source(%arg12 : memref<80x64xf32, #tpu.memory_space<vmem>>) target(%dma_start3A_270 : memref<10240x64xf32, #tpu.memory_space<vmem_shared>>) offsets(%dma_start3A_267 : memref<80xi32, #tpu.memory_space<vmem>>) semaphore(%arg23 : memref<!tpu.dma_semaphore, #tpu.memory_space<semaphore_mem>>) {add = true}
      %add3A_271 = arith.constant 0 : i32
      %add3A_272 = arith.addi %mul3A_190, %add3A_271 : i32
      %dma_wait3A_273 = arith.constant 0 : i32
      %dma_wait3A_274 = tpu.memref_slice %arg7[%add3A_272, %dma_wait3A_273] : memref<125x80xi32, #tpu.memory_space<vmem>> -> memref<1x80xi32, #tpu.memory_space<vmem>>
      %dma_wait3A_275 = tpu.memref_squeeze %dma_wait3A_274 : memref<1x80xi32, #tpu.memory_space<vmem>> -> memref<80xi32, #tpu.memory_space<vmem>>
      %dma_wait3A_276 = arith.constant 0 : i32
      %dma_wait3A_277 = arith.constant 0 : i32
      %dma_wait3A_278 = tpu.memref_slice %arg13[%dma_wait3A_276, %dma_wait3A_277] : memref<10240x64xf32, #tpu.memory_space<vmem_shared>> -> memref<10240x64xf32, #tpu.memory_space<vmem_shared>>
      tpu.wait_indirect_dma semaphore(%arg19 : memref<!tpu.dma_semaphore, #tpu.memory_space<semaphore_mem>>) src(%arg8 : memref<80x64xf32, #tpu.memory_space<vmem>>) dst(%dma_wait3A_278 : memref<10240x64xf32, #tpu.memory_space<vmem_shared>>)
      %add3A_279 = arith.constant 5 : i32
      %add3A_280 = arith.addi %mul3A_190, %add3A_279 : i32
      %add3A_281 = arith.constant 0 : i32
      %add3A_282 = arith.addi %add3A_280, %add3A_281 : i32
      %dma_start3A_283 = arith.constant 0 : i32
      %dma_start3A_284 = tpu.memref_slice %arg6[%add3A_282, %dma_start3A_283] : memref<125x80xi32, #tpu.memory_space<vmem>> -> memref<1x80xi32, #tpu.memory_space<vmem>>
      %dma_start3A_285 = tpu.memref_squeeze %dma_start3A_284 : memref<1x80xi32, #tpu.memory_space<vmem>> -> memref<80xi32, #tpu.memory_space<vmem>>
      %dma_start3A_286 = arith.constant 0 : i32
      %dma_start3A_287 = arith.constant 0 : i32
      %dma_start3A_288 = tpu.memref_slice %arg2[%dma_start3A_286, %dma_start3A_287] : memref<10240x64xf32, #tpu.memory_space<hbm>> -> memref<10240x64xf32, #tpu.memory_space<hbm>>
      tpu.enqueue_indirect_dma source(%dma_start3A_288 : memref<10240x64xf32, #tpu.memory_space<hbm>>) target(%arg8 : memref<80x64xf32, #tpu.memory_space<vmem>>) offsets(%dma_start3A_285 : memref<80xi32, #tpu.memory_space<vmem>>) semaphore(%arg14 : memref<!tpu.dma_semaphore, #tpu.memory_space<semaphore_mem>>)
      %add3A_289 = arith.constant 1 : i32
      %add3A_290 = arith.addi %mul3A_190, %add3A_289 : i32
      %dma_wait3A_291 = arith.constant 0 : i32
      %dma_wait3A_292 = tpu.memref_slice %arg7[%add3A_290, %dma_wait3A_291] : memref<125x80xi32, #tpu.memory_space<vmem>> -> memref<1x80xi32, #tpu.memory_space<vmem>>
      %dma_wait3A_293 = tpu.memref_squeeze %dma_wait3A_292 : memref<1x80xi32, #tpu.memory_space<vmem>> -> memref<80xi32, #tpu.memory_space<vmem>>
      %dma_wait3A_294 = arith.constant 0 : i32
      %dma_wait3A_295 = arith.constant 0 : i32
      %dma_wait3A_296 = tpu.memref_slice %arg13[%dma_wait3A_294, %dma_wait3A_295] : memref<10240x64xf32, #tpu.memory_space<vmem_shared>> -> memref<10240x64xf32, #tpu.memory_space<vmem_shared>>
      tpu.wait_indirect_dma semaphore(%arg20 : memref<!tpu.dma_semaphore, #tpu.memory_space<semaphore_mem>>) src(%arg9 : memref<80x64xf32, #tpu.memory_space<vmem>>) dst(%dma_wait3A_296 : memref<10240x64xf32, #tpu.memory_space<vmem_shared>>)
      %add3A_297 = arith.constant 5 : i32
      %add3A_298 = arith.addi %mul3A_190, %add3A_297 : i32
      %add3A_299 = arith.constant 1 : i32
      %add3A_300 = arith.addi %add3A_298, %add3A_299 : i32
      %dma_start3A_301 = arith.constant 0 : i32
      %dma_start3A_302 = tpu.memref_slice %arg6[%add3A_300, %dma_start3A_301] : memref<125x80xi32, #tpu.memory_space<vmem>> -> memref<1x80xi32, #tpu.memory_space<vmem>>
      %dma_start3A_303 = tpu.memref_squeeze %dma_start3A_302 : memref<1x80xi32, #tpu.memory_space<vmem>> -> memref<80xi32, #tpu.memory_space<vmem>>
      %dma_start3A_304 = arith.constant 0 : i32
      %dma_start3A_305 = arith.constant 0 : i32
      %dma_start3A_306 = tpu.memref_slice %arg2[%dma_start3A_304, %dma_start3A_305] : memref<10240x64xf32, #tpu.memory_space<hbm>> -> memref<10240x64xf32, #tpu.memory_space<hbm>>
      tpu.enqueue_indirect_dma source(%dma_start3A_306 : memref<10240x64xf32, #tpu.memory_space<hbm>>) target(%arg9 : memref<80x64xf32, #tpu.memory_space<vmem>>) offsets(%dma_start3A_303 : memref<80xi32, #tpu.memory_space<vmem>>) semaphore(%arg15 : memref<!tpu.dma_semaphore, #tpu.memory_space<semaphore_mem>>)
      %add3A_307 = arith.constant 2 : i32
      %add3A_308 = arith.addi %mul3A_190, %add3A_307 : i32
      %dma_wait3A_309 = arith.constant 0 : i32
      %dma_wait3A_310 = tpu.memref_slice %arg7[%add3A_308, %dma_wait3A_309] : memref<125x80xi32, #tpu.memory_space<vmem>> -> memref<1x80xi32, #tpu.memory_space<vmem>>
      %dma_wait3A_311 = tpu.memref_squeeze %dma_wait3A_310 : memref<1x80xi32, #tpu.memory_space<vmem>> -> memref<80xi32, #tpu.memory_space<vmem>>
      %dma_wait3A_312 = arith.constant 0 : i32
      %dma_wait3A_313 = arith.constant 0 : i32
      %dma_wait3A_314 = tpu.memref_slice %arg13[%dma_wait3A_312, %dma_wait3A_313] : memref<10240x64xf32, #tpu.memory_space<vmem_shared>> -> memref<10240x64xf32, #tpu.memory_space<vmem_shared>>
      tpu.wait_indirect_dma semaphore(%arg21 : memref<!tpu.dma_semaphore, #tpu.memory_space<semaphore_mem>>) src(%arg10 : memref<80x64xf32, #tpu.memory_space<vmem>>) dst(%dma_wait3A_314 : memref<10240x64xf32, #tpu.memory_space<vmem_shared>>)
      %add3A_315 = arith.constant 5 : i32
      %add3A_316 = arith.addi %mul3A_190, %add3A_315 : i32
      %add3A_317 = arith.constant 2 : i32
      %add3A_318 = arith.addi %add3A_316, %add3A_317 : i32
      %dma_start3A_319 = arith.constant 0 : i32
      %dma_start3A_320 = tpu.memref_slice %arg6[%add3A_318, %dma_start3A_319] : memref<125x80xi32, #tpu.memory_space<vmem>> -> memref<1x80xi32, #tpu.memory_space<vmem>>
      %dma_start3A_321 = tpu.memref_squeeze %dma_start3A_320 : memref<1x80xi32, #tpu.memory_space<vmem>> -> memref<80xi32, #tpu.memory_space<vmem>>
      %dma_start3A_322 = arith.constant 0 : i32
      %dma_start3A_323 = arith.constant 0 : i32
      %dma_start3A_324 = tpu.memref_slice %arg2[%dma_start3A_322, %dma_start3A_323] : memref<10240x64xf32, #tpu.memory_space<hbm>> -> memref<10240x64xf32, #tpu.memory_space<hbm>>
      tpu.enqueue_indirect_dma source(%dma_start3A_324 : memref<10240x64xf32, #tpu.memory_space<hbm>>) target(%arg10 : memref<80x64xf32, #tpu.memory_space<vmem>>) offsets(%dma_start3A_321 : memref<80xi32, #tpu.memory_space<vmem>>) semaphore(%arg16 : memref<!tpu.dma_semaphore, #tpu.memory_space<semaphore_mem>>)
      %add3A_325 = arith.constant 3 : i32
      %add3A_326 = arith.addi %mul3A_190, %add3A_325 : i32
      %dma_wait3A_327 = arith.constant 0 : i32
      %dma_wait3A_328 = tpu.memref_slice %arg7[%add3A_326, %dma_wait3A_327] : memref<125x80xi32, #tpu.memory_space<vmem>> -> memref<1x80xi32, #tpu.memory_space<vmem>>
      %dma_wait3A_329 = tpu.memref_squeeze %dma_wait3A_328 : memref<1x80xi32, #tpu.memory_space<vmem>> -> memref<80xi32, #tpu.memory_space<vmem>>
      %dma_wait3A_330 = arith.constant 0 : i32
      %dma_wait3A_331 = arith.constant 0 : i32
      %dma_wait3A_332 = tpu.memref_slice %arg13[%dma_wait3A_330, %dma_wait3A_331] : memref<10240x64xf32, #tpu.memory_space<vmem_shared>> -> memref<10240x64xf32, #tpu.memory_space<vmem_shared>>
      tpu.wait_indirect_dma semaphore(%arg22 : memref<!tpu.dma_semaphore, #tpu.memory_space<semaphore_mem>>) src(%arg11 : memref<80x64xf32, #tpu.memory_space<vmem>>) dst(%dma_wait3A_332 : memref<10240x64xf32, #tpu.memory_space<vmem_shared>>)
      %add3A_333 = arith.constant 5 : i32
      %add3A_334 = arith.addi %mul3A_190, %add3A_333 : i32
      %add3A_335 = arith.constant 3 : i32
      %add3A_336 = arith.addi %add3A_334, %add3A_335 : i32
      %dma_start3A_337 = arith.constant 0 : i32
      %dma_start3A_338 = tpu.memref_slice %arg6[%add3A_336, %dma_start3A_337] : memref<125x80xi32, #tpu.memory_space<vmem>> -> memref<1x80xi32, #tpu.memory_space<vmem>>
      %dma_start3A_339 = tpu.memref_squeeze %dma_start3A_338 : memref<1x80xi32, #tpu.memory_space<vmem>> -> memref<80xi32, #tpu.memory_space<vmem>>
      %dma_start3A_340 = arith.constant 0 : i32
      %dma_start3A_341 = arith.constant 0 : i32
      %dma_start3A_342 = tpu.memref_slice %arg2[%dma_start3A_340, %dma_start3A_341] : memref<10240x64xf32, #tpu.memory_space<hbm>> -> memref<10240x64xf32, #tpu.memory_space<hbm>>
      tpu.enqueue_indirect_dma source(%dma_start3A_342 : memref<10240x64xf32, #tpu.memory_space<hbm>>) target(%arg11 : memref<80x64xf32, #tpu.memory_space<vmem>>) offsets(%dma_start3A_339 : memref<80xi32, #tpu.memory_space<vmem>>) semaphore(%arg17 : memref<!tpu.dma_semaphore, #tpu.memory_space<semaphore_mem>>)
      %add3A_343 = arith.constant 4 : i32
      %add3A_344 = arith.addi %mul3A_190, %add3A_343 : i32
      %dma_wait3A_345 = arith.constant 0 : i32
      %dma_wait3A_346 = tpu.memref_slice %arg7[%add3A_344, %dma_wait3A_345] : memref<125x80xi32, #tpu.memory_space<vmem>> -> memref<1x80xi32, #tpu.memory_space<vmem>>
      %dma_wait3A_347 = tpu.memref_squeeze %dma_wait3A_346 : memref<1x80xi32, #tpu.memory_space<vmem>> -> memref<80xi32, #tpu.memory_space<vmem>>
      %dma_wait3A_348 = arith.constant 0 : i32
      %dma_wait3A_349 = arith.constant 0 : i32
      %dma_wait3A_350 = tpu.memref_slice %arg13[%dma_wait3A_348, %dma_wait3A_349] : memref<10240x64xf32, #tpu.memory_space<vmem_shared>> -> memref<10240x64xf32, #tpu.memory_space<vmem_shared>>
      tpu.wait_indirect_dma semaphore(%arg23 : memref<!tpu.dma_semaphore, #tpu.memory_space<semaphore_mem>>) src(%arg12 : memref<80x64xf32, #tpu.memory_space<vmem>>) dst(%dma_wait3A_350 : memref<10240x64xf32, #tpu.memory_space<vmem_shared>>)
      %add3A_351 = arith.constant 5 : i32
      %add3A_352 = arith.addi %mul3A_190, %add3A_351 : i32
      %add3A_353 = arith.constant 4 : i32
      %add3A_354 = arith.addi %add3A_352, %add3A_353 : i32
      %dma_start3A_355 = arith.constant 0 : i32
      %dma_start3A_356 = tpu.memref_slice %arg6[%add3A_354, %dma_start3A_355] : memref<125x80xi32, #tpu.memory_space<vmem>> -> memref<1x80xi32, #tpu.memory_space<vmem>>
      %dma_start3A_357 = tpu.memref_squeeze %dma_start3A_356 : memref<1x80xi32, #tpu.memory_space<vmem>> -> memref<80xi32, #tpu.memory_space<vmem>>
      %dma_start3A_358 = arith.constant 0 : i32
      %dma_start3A_359 = arith.constant 0 : i32
      %dma_start3A_360 = tpu.memref_slice %arg2[%dma_start3A_358, %dma_start3A_359] : memref<10240x64xf32, #tpu.memory_space<hbm>> -> memref<10240x64xf32, #tpu.memory_space<hbm>>
      tpu.enqueue_indirect_dma source(%dma_start3A_360 : memref<10240x64xf32, #tpu.memory_space<hbm>>) target(%arg12 : memref<80x64xf32, #tpu.memory_space<vmem>>) offsets(%dma_start3A_357 : memref<80xi32, #tpu.memory_space<vmem>>) semaphore(%arg18 : memref<!tpu.dma_semaphore, #tpu.memory_space<semaphore_mem>>)
    }
    %scan3A_78 = arith.constant 24 : i32
    %dma_wait3A = arith.constant 120 : i32
    %dma_wait3A_79 = arith.constant 0 : i32
    %dma_wait3A_80 = tpu.memref_slice %arg6[%dma_wait3A, %dma_wait3A_79] : memref<125x80xi32, #tpu.memory_space<vmem>> -> memref<1x80xi32, #tpu.memory_space<vmem>>
    %dma_wait3A_81 = tpu.memref_squeeze %dma_wait3A_80 : memref<1x80xi32, #tpu.memory_space<vmem>> -> memref<80xi32, #tpu.memory_space<vmem>>
    %dma_wait3A_82 = arith.constant 0 : i32
    %dma_wait3A_83 = arith.constant 0 : i32
    %dma_wait3A_84 = tpu.memref_slice %arg2[%dma_wait3A_82, %dma_wait3A_83] : memref<10240x64xf32, #tpu.memory_space<hbm>> -> memref<10240x64xf32, #tpu.memory_space<hbm>>
    tpu.wait_indirect_dma semaphore(%arg14 : memref<!tpu.dma_semaphore, #tpu.memory_space<semaphore_mem>>) src(%dma_wait3A_84 : memref<10240x64xf32, #tpu.memory_space<hbm>>) dst(%arg8 : memref<80x64xf32, #tpu.memory_space<vmem>>)
    %dma_start3A_85 = arith.constant 120 : i32
    %dma_start3A_86 = arith.constant 0 : i32
    %dma_start3A_87 = tpu.memref_slice %arg7[%dma_start3A_85, %dma_start3A_86] : memref<125x80xi32, #tpu.memory_space<vmem>> -> memref<1x80xi32, #tpu.memory_space<vmem>>
    %dma_start3A_88 = tpu.memref_squeeze %dma_start3A_87 : memref<1x80xi32, #tpu.memory_space<vmem>> -> memref<80xi32, #tpu.memory_space<vmem>>
    %dma_start3A_89 = arith.constant 0 : i32
    %dma_start3A_90 = arith.constant 0 : i32
    %dma_start3A_91 = tpu.memref_slice %arg13[%dma_start3A_89, %dma_start3A_90] : memref<10240x64xf32, #tpu.memory_space<vmem_shared>> -> memref<10240x64xf32, #tpu.memory_space<vmem_shared>>
    tpu.enqueue_indirect_dma source(%arg8 : memref<80x64xf32, #tpu.memory_space<vmem>>) target(%dma_start3A_91 : memref<10240x64xf32, #tpu.memory_space<vmem_shared>>) offsets(%dma_start3A_88 : memref<80xi32, #tpu.memory_space<vmem>>) semaphore(%arg19 : memref<!tpu.dma_semaphore, #tpu.memory_space<semaphore_mem>>) {add = true}
    %dma_wait3A_92 = arith.constant 121 : i32
    %dma_wait3A_93 = arith.constant 0 : i32
    %dma_wait3A_94 = tpu.memref_slice %arg6[%dma_wait3A_92, %dma_wait3A_93] : memref<125x80xi32, #tpu.memory_space<vmem>> -> memref<1x80xi32, #tpu.memory_space<vmem>>
    %dma_wait3A_95 = tpu.memref_squeeze %dma_wait3A_94 : memref<1x80xi32, #tpu.memory_space<vmem>> -> memref<80xi32, #tpu.memory_space<vmem>>
    %dma_wait3A_96 = arith.constant 0 : i32
    %dma_wait3A_97 = arith.constant 0 : i32
    %dma_wait3A_98 = tpu.memref_slice %arg2[%dma_wait3A_96, %dma_wait3A_97] : memref<10240x64xf32, #tpu.memory_space<hbm>> -> memref<10240x64xf32, #tpu.memory_space<hbm>>
    tpu.wait_indirect_dma semaphore(%arg15 : memref<!tpu.dma_semaphore, #tpu.memory_space<semaphore_mem>>) src(%dma_wait3A_98 : memref<10240x64xf32, #tpu.memory_space<hbm>>) dst(%arg9 : memref<80x64xf32, #tpu.memory_space<vmem>>)
    %dma_start3A_99 = arith.constant 121 : i32
    %dma_start3A_100 = arith.constant 0 : i32
    %dma_start3A_101 = tpu.memref_slice %arg7[%dma_start3A_99, %dma_start3A_100] : memref<125x80xi32, #tpu.memory_space<vmem>> -> memref<1x80xi32, #tpu.memory_space<vmem>>
    %dma_start3A_102 = tpu.memref_squeeze %dma_start3A_101 : memref<1x80xi32, #tpu.memory_space<vmem>> -> memref<80xi32, #tpu.memory_space<vmem>>
    %dma_start3A_103 = arith.constant 0 : i32
    %dma_start3A_104 = arith.constant 0 : i32
    %dma_start3A_105 = tpu.memref_slice %arg13[%dma_start3A_103, %dma_start3A_104] : memref<10240x64xf32, #tpu.memory_space<vmem_shared>> -> memref<10240x64xf32, #tpu.memory_space<vmem_shared>>
    tpu.enqueue_indirect_dma source(%arg9 : memref<80x64xf32, #tpu.memory_space<vmem>>) target(%dma_start3A_105 : memref<10240x64xf32, #tpu.memory_space<vmem_shared>>) offsets(%dma_start3A_102 : memref<80xi32, #tpu.memory_space<vmem>>) semaphore(%arg20 : memref<!tpu.dma_semaphore, #tpu.memory_space<semaphore_mem>>) {add = true}
    %dma_wait3A_106 = arith.constant 122 : i32
    %dma_wait3A_107 = arith.constant 0 : i32
    %dma_wait3A_108 = tpu.memref_slice %arg6[%dma_wait3A_106, %dma_wait3A_107] : memref<125x80xi32, #tpu.memory_space<vmem>> -> memref<1x80xi32, #tpu.memory_space<vmem>>
    %dma_wait3A_109 = tpu.memref_squeeze %dma_wait3A_108 : memref<1x80xi32, #tpu.memory_space<vmem>> -> memref<80xi32, #tpu.memory_space<vmem>>
    %dma_wait3A_110 = arith.constant 0 : i32
    %dma_wait3A_111 = arith.constant 0 : i32
    %dma_wait3A_112 = tpu.memref_slice %arg2[%dma_wait3A_110, %dma_wait3A_111] : memref<10240x64xf32, #tpu.memory_space<hbm>> -> memref<10240x64xf32, #tpu.memory_space<hbm>>
    tpu.wait_indirect_dma semaphore(%arg16 : memref<!tpu.dma_semaphore, #tpu.memory_space<semaphore_mem>>) src(%dma_wait3A_112 : memref<10240x64xf32, #tpu.memory_space<hbm>>) dst(%arg10 : memref<80x64xf32, #tpu.memory_space<vmem>>)
    %dma_start3A_113 = arith.constant 122 : i32
    %dma_start3A_114 = arith.constant 0 : i32
    %dma_start3A_115 = tpu.memref_slice %arg7[%dma_start3A_113, %dma_start3A_114] : memref<125x80xi32, #tpu.memory_space<vmem>> -> memref<1x80xi32, #tpu.memory_space<vmem>>
    %dma_start3A_116 = tpu.memref_squeeze %dma_start3A_115 : memref<1x80xi32, #tpu.memory_space<vmem>> -> memref<80xi32, #tpu.memory_space<vmem>>
    %dma_start3A_117 = arith.constant 0 : i32
    %dma_start3A_118 = arith.constant 0 : i32
    %dma_start3A_119 = tpu.memref_slice %arg13[%dma_start3A_117, %dma_start3A_118] : memref<10240x64xf32, #tpu.memory_space<vmem_shared>> -> memref<10240x64xf32, #tpu.memory_space<vmem_shared>>
    tpu.enqueue_indirect_dma source(%arg10 : memref<80x64xf32, #tpu.memory_space<vmem>>) target(%dma_start3A_119 : memref<10240x64xf32, #tpu.memory_space<vmem_shared>>) offsets(%dma_start3A_116 : memref<80xi32, #tpu.memory_space<vmem>>) semaphore(%arg21 : memref<!tpu.dma_semaphore, #tpu.memory_space<semaphore_mem>>) {add = true}
    %dma_wait3A_120 = arith.constant 123 : i32
    %dma_wait3A_121 = arith.constant 0 : i32
    %dma_wait3A_122 = tpu.memref_slice %arg6[%dma_wait3A_120, %dma_wait3A_121] : memref<125x80xi32, #tpu.memory_space<vmem>> -> memref<1x80xi32, #tpu.memory_space<vmem>>
    %dma_wait3A_123 = tpu.memref_squeeze %dma_wait3A_122 : memref<1x80xi32, #tpu.memory_space<vmem>> -> memref<80xi32, #tpu.memory_space<vmem>>
    %dma_wait3A_124 = arith.constant 0 : i32
    %dma_wait3A_125 = arith.constant 0 : i32
    %dma_wait3A_126 = tpu.memref_slice %arg2[%dma_wait3A_124, %dma_wait3A_125] : memref<10240x64xf32, #tpu.memory_space<hbm>> -> memref<10240x64xf32, #tpu.memory_space<hbm>>
    tpu.wait_indirect_dma semaphore(%arg17 : memref<!tpu.dma_semaphore, #tpu.memory_space<semaphore_mem>>) src(%dma_wait3A_126 : memref<10240x64xf32, #tpu.memory_space<hbm>>) dst(%arg11 : memref<80x64xf32, #tpu.memory_space<vmem>>)
    %dma_start3A_127 = arith.constant 123 : i32
    %dma_start3A_128 = arith.constant 0 : i32
    %dma_start3A_129 = tpu.memref_slice %arg7[%dma_start3A_127, %dma_start3A_128] : memref<125x80xi32, #tpu.memory_space<vmem>> -> memref<1x80xi32, #tpu.memory_space<vmem>>
    %dma_start3A_130 = tpu.memref_squeeze %dma_start3A_129 : memref<1x80xi32, #tpu.memory_space<vmem>> -> memref<80xi32, #tpu.memory_space<vmem>>
    %dma_start3A_131 = arith.constant 0 : i32
    %dma_start3A_132 = arith.constant 0 : i32
    %dma_start3A_133 = tpu.memref_slice %arg13[%dma_start3A_131, %dma_start3A_132] : memref<10240x64xf32, #tpu.memory_space<vmem_shared>> -> memref<10240x64xf32, #tpu.memory_space<vmem_shared>>
    tpu.enqueue_indirect_dma source(%arg11 : memref<80x64xf32, #tpu.memory_space<vmem>>) target(%dma_start3A_133 : memref<10240x64xf32, #tpu.memory_space<vmem_shared>>) offsets(%dma_start3A_130 : memref<80xi32, #tpu.memory_space<vmem>>) semaphore(%arg22 : memref<!tpu.dma_semaphore, #tpu.memory_space<semaphore_mem>>) {add = true}
    %dma_wait3A_134 = arith.constant 124 : i32
    %dma_wait3A_135 = arith.constant 0 : i32
    %dma_wait3A_136 = tpu.memref_slice %arg6[%dma_wait3A_134, %dma_wait3A_135] : memref<125x80xi32, #tpu.memory_space<vmem>> -> memref<1x80xi32, #tpu.memory_space<vmem>>
    %dma_wait3A_137 = tpu.memref_squeeze %dma_wait3A_136 : memref<1x80xi32, #tpu.memory_space<vmem>> -> memref<80xi32, #tpu.memory_space<vmem>>
    %dma_wait3A_138 = arith.constant 0 : i32
    %dma_wait3A_139 = arith.constant 0 : i32
    %dma_wait3A_140 = tpu.memref_slice %arg2[%dma_wait3A_138, %dma_wait3A_139] : memref<10240x64xf32, #tpu.memory_space<hbm>> -> memref<10240x64xf32, #tpu.memory_space<hbm>>
    tpu.wait_indirect_dma semaphore(%arg18 : memref<!tpu.dma_semaphore, #tpu.memory_space<semaphore_mem>>) src(%dma_wait3A_140 : memref<10240x64xf32, #tpu.memory_space<hbm>>) dst(%arg12 : memref<80x64xf32, #tpu.memory_space<vmem>>)
    %dma_start3A_141 = arith.constant 124 : i32
    %dma_start3A_142 = arith.constant 0 : i32
    %dma_start3A_143 = tpu.memref_slice %arg7[%dma_start3A_141, %dma_start3A_142] : memref<125x80xi32, #tpu.memory_space<vmem>> -> memref<1x80xi32, #tpu.memory_space<vmem>>
    %dma_start3A_144 = tpu.memref_squeeze %dma_start3A_143 : memref<1x80xi32, #tpu.memory_space<vmem>> -> memref<80xi32, #tpu.memory_space<vmem>>
    %dma_start3A_145 = arith.constant 0 : i32
    %dma_start3A_146 = arith.constant 0 : i32
    %dma_start3A_147 = tpu.memref_slice %arg13[%dma_start3A_145, %dma_start3A_146] : memref<10240x64xf32, #tpu.memory_space<vmem_shared>> -> memref<10240x64xf32, #tpu.memory_space<vmem_shared>>
    tpu.enqueue_indirect_dma source(%arg12 : memref<80x64xf32, #tpu.memory_space<vmem>>) target(%dma_start3A_147 : memref<10240x64xf32, #tpu.memory_space<vmem_shared>>) offsets(%dma_start3A_144 : memref<80xi32, #tpu.memory_space<vmem>>) semaphore(%arg23 : memref<!tpu.dma_semaphore, #tpu.memory_space<semaphore_mem>>) {add = true}
    %dma_wait3A_148 = arith.constant 120 : i32
    %dma_wait3A_149 = arith.constant 0 : i32
    %dma_wait3A_150 = tpu.memref_slice %arg7[%dma_wait3A_148, %dma_wait3A_149] : memref<125x80xi32, #tpu.memory_space<vmem>> -> memref<1x80xi32, #tpu.memory_space<vmem>>
    %dma_wait3A_151 = tpu.memref_squeeze %dma_wait3A_150 : memref<1x80xi32, #tpu.memory_space<vmem>> -> memref<80xi32, #tpu.memory_space<vmem>>
    %dma_wait3A_152 = arith.constant 0 : i32
    %dma_wait3A_153 = arith.constant 0 : i32
    %dma_wait3A_154 = tpu.memref_slice %arg13[%dma_wait3A_152, %dma_wait3A_153] : memref<10240x64xf32, #tpu.memory_space<vmem_shared>> -> memref<10240x64xf32, #tpu.memory_space<vmem_shared>>
    tpu.wait_indirect_dma semaphore(%arg19 : memref<!tpu.dma_semaphore, #tpu.memory_space<semaphore_mem>>) src(%arg8 : memref<80x64xf32, #tpu.memory_space<vmem>>) dst(%dma_wait3A_154 : memref<10240x64xf32, #tpu.memory_space<vmem_shared>>)
    %dma_wait3A_155 = arith.constant 121 : i32
    %dma_wait3A_156 = arith.constant 0 : i32
    %dma_wait3A_157 = tpu.memref_slice %arg7[%dma_wait3A_155, %dma_wait3A_156] : memref<125x80xi32, #tpu.memory_space<vmem>> -> memref<1x80xi32, #tpu.memory_space<vmem>>
    %dma_wait3A_158 = tpu.memref_squeeze %dma_wait3A_157 : memref<1x80xi32, #tpu.memory_space<vmem>> -> memref<80xi32, #tpu.memory_space<vmem>>
    %dma_wait3A_159 = arith.constant 0 : i32
    %dma_wait3A_160 = arith.constant 0 : i32
    %dma_wait3A_161 = tpu.memref_slice %arg13[%dma_wait3A_159, %dma_wait3A_160] : memref<10240x64xf32, #tpu.memory_space<vmem_shared>> -> memref<10240x64xf32, #tpu.memory_space<vmem_shared>>
    tpu.wait_indirect_dma semaphore(%arg20 : memref<!tpu.dma_semaphore, #tpu.memory_space<semaphore_mem>>) src(%arg9 : memref<80x64xf32, #tpu.memory_space<vmem>>) dst(%dma_wait3A_161 : memref<10240x64xf32, #tpu.memory_space<vmem_shared>>)
    %dma_wait3A_162 = arith.constant 122 : i32
    %dma_wait3A_163 = arith.constant 0 : i32
    %dma_wait3A_164 = tpu.memref_slice %arg7[%dma_wait3A_162, %dma_wait3A_163] : memref<125x80xi32, #tpu.memory_space<vmem>> -> memref<1x80xi32, #tpu.memory_space<vmem>>
    %dma_wait3A_165 = tpu.memref_squeeze %dma_wait3A_164 : memref<1x80xi32, #tpu.memory_space<vmem>> -> memref<80xi32, #tpu.memory_space<vmem>>
    %dma_wait3A_166 = arith.constant 0 : i32
    %dma_wait3A_167 = arith.constant 0 : i32
    %dma_wait3A_168 = tpu.memref_slice %arg13[%dma_wait3A_166, %dma_wait3A_167] : memref<10240x64xf32, #tpu.memory_space<vmem_shared>> -> memref<10240x64xf32, #tpu.memory_space<vmem_shared>>
    tpu.wait_indirect_dma semaphore(%arg21 : memref<!tpu.dma_semaphore, #tpu.memory_space<semaphore_mem>>) src(%arg10 : memref<80x64xf32, #tpu.memory_space<vmem>>) dst(%dma_wait3A_168 : memref<10240x64xf32, #tpu.memory_space<vmem_shared>>)
    %dma_wait3A_169 = arith.constant 123 : i32
    %dma_wait3A_170 = arith.constant 0 : i32
    %dma_wait3A_171 = tpu.memref_slice %arg7[%dma_wait3A_169, %dma_wait3A_170] : memref<125x80xi32, #tpu.memory_space<vmem>> -> memref<1x80xi32, #tpu.memory_space<vmem>>
    %dma_wait3A_172 = tpu.memref_squeeze %dma_wait3A_171 : memref<1x80xi32, #tpu.memory_space<vmem>> -> memref<80xi32, #tpu.memory_space<vmem>>
    %dma_wait3A_173 = arith.constant 0 : i32
    %dma_wait3A_174 = arith.constant 0 : i32
    %dma_wait3A_175 = tpu.memref_slice %arg13[%dma_wait3A_173, %dma_wait3A_174] : memref<10240x64xf32, #tpu.memory_space<vmem_shared>> -> memref<10240x64xf32, #tpu.memory_space<vmem_shared>>
    tpu.wait_indirect_dma semaphore(%arg22 : memref<!tpu.dma_semaphore, #tpu.memory_space<semaphore_mem>>) src(%arg11 : memref<80x64xf32, #tpu.memory_space<vmem>>) dst(%dma_wait3A_175 : memref<10240x64xf32, #tpu.memory_space<vmem_shared>>)
    %dma_wait3A_176 = arith.constant 124 : i32
    %dma_wait3A_177 = arith.constant 0 : i32
    %dma_wait3A_178 = tpu.memref_slice %arg7[%dma_wait3A_176, %dma_wait3A_177] : memref<125x80xi32, #tpu.memory_space<vmem>> -> memref<1x80xi32, #tpu.memory_space<vmem>>
    %dma_wait3A_179 = tpu.memref_squeeze %dma_wait3A_178 : memref<1x80xi32, #tpu.memory_space<vmem>> -> memref<80xi32, #tpu.memory_space<vmem>>
    %dma_wait3A_180 = arith.constant 0 : i32
    %dma_wait3A_181 = arith.constant 0 : i32
    %dma_wait3A_182 = tpu.memref_slice %arg13[%dma_wait3A_180, %dma_wait3A_181] : memref<10240x64xf32, #tpu.memory_space<vmem_shared>> -> memref<10240x64xf32, #tpu.memory_space<vmem_shared>>
    tpu.wait_indirect_dma semaphore(%arg23 : memref<!tpu.dma_semaphore, #tpu.memory_space<semaphore_mem>>) src(%arg12 : memref<80x64xf32, #tpu.memory_space<vmem>>) dst(%dma_wait3A_182 : memref<10240x64xf32, #tpu.memory_space<vmem_shared>>)
    %barrier3A_183 = arith.constant 0 : index
    tpu.barrier barrier_id(%barrier3A_183)
    %mul3A_184 = arith.constant 640 : i32
    %mul3A_185 = arith.muli %arg1, %mul3A_184 : i32
    %mul3A_186 = arith.constant 640 : i32
    %mul3A_187 = arith.muli %arg1, %mul3A_186 : i32
    "tpu.region"() ({
      %run_scoped3A = tpu.sem_alloc : memref<!tpu.dma_semaphore, #tpu.memory_space<semaphore_mem>>
      %dma_start3A_188 = arith.constant 0 : i32
      %dma_start3A_189 = tpu.memref_slice %arg5[%arg0, %mul3A_187, %dma_start3A_188] : memref<2x10240x64xf32, #tpu.memory_space<hbm>> -> memref<1x640x64xf32, #tpu.memory_space<hbm>>
      %dma_start3A_190 = tpu.memref_squeeze %dma_start3A_189 : memref<1x640x64xf32, #tpu.memory_space<hbm>> -> memref<640x64xf32, #tpu.memory_space<hbm>>
      %dma_start3A_191 = arith.constant 0 : i32
      %dma_start3A_192 = tpu.memref_slice %arg13[%mul3A_185, %dma_start3A_191] : memref<10240x64xf32, #tpu.memory_space<vmem_shared>> -> memref<640x64xf32, #tpu.memory_space<vmem_shared>>
      tpu.enqueue_dma source(%dma_start3A_192 : memref<640x64xf32, #tpu.memory_space<vmem_shared>>) target(%dma_start3A_190 : memref<640x64xf32, #tpu.memory_space<hbm>>) target_semaphore(%run_scoped3A : memref<!tpu.dma_semaphore, #tpu.memory_space<semaphore_mem>>)
      %dma_wait3A_193 = arith.constant 0 : i32
      %dma_wait3A_194 = tpu.memref_slice %arg5[%arg0, %mul3A_187, %dma_wait3A_193] : memref<2x10240x64xf32, #tpu.memory_space<hbm>> -> memref<1x640x64xf32, #tpu.memory_space<hbm>>
      %dma_wait3A_195 = tpu.memref_squeeze %dma_wait3A_194 : memref<1x640x64xf32, #tpu.memory_space<hbm>> -> memref<640x64xf32, #tpu.memory_space<hbm>>
      %dma_wait3A_196 = arith.constant 0 : i32
      %dma_wait3A_197 = tpu.memref_slice %arg13[%mul3A_185, %dma_wait3A_196] : memref<10240x64xf32, #tpu.memory_space<vmem_shared>> -> memref<640x64xf32, #tpu.memory_space<vmem_shared>>
      tpu.wait_dma2 semaphore(%run_scoped3A : memref<!tpu.dma_semaphore, #tpu.memory_space<semaphore_mem>>) src(%dma_wait3A_197 : memref<640x64xf32, #tpu.memory_space<vmem_shared>>) dst(%dma_wait3A_195 : memref<640x64xf32, #tpu.memory_space<hbm>>)
      tpu.yield
    }) : () -> ()
    return
  }
}

module attributes {stable_mosaic.version = 14 : i64} {
  func.func @body(%arg0: i32, %arg1: memref<131072xbf16, #tpu.memory_space<vmem>>, %arg2: memref<131072xbf16, #tpu.memory_space<vmem>>, %arg3: memref<131072xbf16, #tpu.memory_space<vmem>>) attributes {dimension_semantics = [#tpu.dimension_semantics<arbitrary>], iteration_bounds = array<i64: 10>, scalar_prefetch = 0 : i64, scratch_operands = 0 : i64, tpu.core_type = #tpu.core_type<tc>, window_params = [{transform_indices = @transform_0, window_bounds = array<i64: 131072>}, {transform_indices = @transform_1, window_bounds = array<i64: 131072>}, {transform_indices = @transform_2, window_bounds = array<i64: 131072>}]} {
    %get3A = arith.constant 0 : index
    %get3A_0 = vector.load %arg1[%get3A] : memref<131072xbf16, #tpu.memory_space<vmem>>, vector<131072xbf16>
    %convert_element_type3A = arith.extf %get3A_0 : vector<131072xbf16> to vector<131072xf32>
    %get3A_1 = arith.constant 0 : index
    %get3A_2 = vector.load %arg2[%get3A_1] : memref<131072xbf16, #tpu.memory_space<vmem>>, vector<131072xbf16>
    %convert_element_type3A_3 = arith.extf %get3A_2 : vector<131072xbf16> to vector<131072xf32>
    %add3A = arith.addf %convert_element_type3A, %convert_element_type3A_3 : vector<131072xf32>
    %convert_element_type3A_4 = arith.truncf %add3A : vector<131072xf32> to vector<131072xbf16>
    %swap3A = arith.constant 0 : index
    %swap3A_5 = vector.load %arg3[%swap3A] : memref<131072xbf16, #tpu.memory_space<vmem>>, vector<131072xbf16>
    tpu.vector_store %arg3[%swap3A], %convert_element_type3A_4 {strides = array<i32>} : memref<131072xbf16, #tpu.memory_space<vmem>>, vector<131072xbf16>,
    return
  }
  func.func @transform_0(%arg0: i32) -> i32 {
    %c0_i32 = arith.constant 0 : i32
    return %arg0 : i32
  }
  func.func @transform_1(%arg0: i32) -> i32 {
    %add3A = arith.constant 10 : i32
    %add3A_0 = arith.addi %arg0, %add3A : i32
    %c0_i32 = arith.constant 0 : i32
    return %add3A_0 : i32
  }
  func.func @transform_2(%arg0: i32) -> i32 {
    %c0_i32 = arith.constant 0 : i32
    return %arg0 : i32
  }
}

module attributes {stable_mosaic.version = 14 : i64} {
  func.func @body(%arg0: i32, %arg1: memref<131072xbf16, #tpu.memory_space<vmem>>, %arg2: memref<131072xbf16, #tpu.memory_space<vmem>>, %arg3: memref<256x256xf32, #tpu.memory_space<vmem>>, %arg4: memref<1x256xf32, #tpu.memory_space<vmem>>, %arg5: memref<256x128xf32, #tpu.memory_space<vmem>>, %arg6: memref<512x128xf32, #tpu.memory_space<vmem>>) attributes {dimension_semantics = [#tpu.dimension_semantics<arbitrary>], iteration_bounds = array<i64: 10>, scalar_prefetch = 0 : i64, scratch_operands = 0 : i64, tpu.core_type = #tpu.core_type<tc>, window_params = [{transform_indices = @transform_0, window_bounds = array<i64: 131072>}, {transform_indices = @transform_1, window_bounds = array<i64: 131072>}, {pipeline_mode = #tpu.pipeline_mode<synchronous>, transform_indices = @transform_2, window_bounds = array<i64: 256, 256>}, {pipeline_mode = #tpu.pipeline_mode<synchronous>, transform_indices = @transform_3, window_bounds = array<i64: 1, 256>}, {pipeline_mode = #tpu.pipeline_mode<synchronous>, transform_indices = @transform_4, window_bounds = array<i64: 256, 128>}, {transform_indices = @transform_5, window_bounds = array<i64: 512, 128>}]} {
    %get3A = arith.constant 0 : index
    %get3A_0 = vector.load %arg1[%get3A] : memref<131072xbf16, #tpu.memory_space<vmem>>, vector<131072xbf16>
    %convert_element_type3A = arith.extf %get3A_0 : vector<131072xbf16> to vector<131072xf32>
    %get3A_1 = arith.constant 0 : index
    %get3A_2 = vector.load %arg2[%get3A_1] : memref<131072xbf16, #tpu.memory_space<vmem>>, vector<131072xbf16>
    %convert_element_type3A_3 = arith.extf %get3A_2 : vector<131072xbf16> to vector<131072xf32>
    %add3A = arith.addf %convert_element_type3A, %convert_element_type3A_3 : vector<131072xf32>
    %reshape3A = vector.shape_cast %add3A : vector<131072xf32> to vector<512x256xf32>
    %get3A_4 = arith.constant 0 : index
    %get3A_5 = arith.constant 0 : index
    %get3A_6 = vector.load %arg3[%get3A_4, %get3A_5] : memref<256x256xf32, #tpu.memory_space<vmem>>, vector<256x256xf32>
    %dot_general3A = arith.constant dense<0.000000e+00> : vector<512x256xf32>
    %dot_general3A_7 = tpu.matmul %reshape3A, %get3A_6, %dot_general3A {dimension_numbers = #tpu.dot_dimension_numbers<[1], [0], [0], [1], [0, 0, 1, 1], [], []>, transpose_lhs_hint = false} : vector<512x256xf32>, vector<256x256xf32>, vector<512x256xf32> -> vector<512x256xf32>
    %get3A_8 = arith.constant 0 : index
    %get3A_9 = arith.constant 0 : index
    %get3A_10 = vector.load %arg4[%get3A_8, %get3A_9] : memref<1x256xf32, #tpu.memory_space<vmem>>, vector<1x256xf32>
    %add3A_11 = vector.broadcast %get3A_10 : vector<1x256xf32> to vector<512x256xf32>
    %add3A_12 = arith.addf %dot_general3A_7, %add3A_11 : vector<512x256xf32>
    %gt3A = arith.constant 0.000000e+00 : f32
    %gt3A_13 = vector.broadcast %gt3A : f32 to vector<512x256xf32>
    %gt3A_14 = arith.cmpf ogt, %add3A_12, %gt3A_13 : vector<512x256xf32>
    %exp3A = math.exp %add3A_12 : vector<512x256xf32>
    %sub3A = arith.constant 1.000000e+00 : f32
    %sub3A_15 = vector.broadcast %sub3A : f32 to vector<512x256xf32>
    %sub3A_16 = arith.subf %exp3A, %sub3A_15 : vector<512x256xf32>
    %mul3A = arith.constant 1.67326319 : f32
    %mul3A_17 = vector.broadcast %mul3A : f32 to vector<512x256xf32>
    %mul3A_18 = arith.mulf %mul3A_17, %sub3A_16 : vector<512x256xf32>
    %select_n3A = arith.select %gt3A_14, %add3A_12, %mul3A_18 : vector<512x256xi1>, vector<512x256xf32>
    %mul3A_19 = arith.constant 1.05070102 : f32
    %mul3A_20 = vector.broadcast %mul3A_19 : f32 to vector<512x256xf32>
    %mul3A_21 = arith.mulf %mul3A_20, %select_n3A : vector<512x256xf32>
    %get3A_22 = arith.constant 0 : index
    %get3A_23 = arith.constant 0 : index
    %get3A_24 = vector.load %arg5[%get3A_22, %get3A_23] : memref<256x128xf32, #tpu.memory_space<vmem>>, vector<256x128xf32>
    %dot_general3A_25 = arith.constant dense<0.000000e+00> : vector<512x128xf32>
    %dot_general3A_26 = tpu.matmul %mul3A_21, %get3A_24, %dot_general3A_25 {dimension_numbers = #tpu.dot_dimension_numbers<[1], [0], [0], [1], [0, 0, 1, 1], [], []>, transpose_lhs_hint = false} : vector<512x256xf32>, vector<256x128xf32>, vector<512x128xf32> -> vector<512x128xf32>
    %swap3A = arith.constant 0 : index
    %swap3A_27 = arith.constant 0 : index
    %swap3A_28 = vector.load %arg6[%swap3A, %swap3A_27] : memref<512x128xf32, #tpu.memory_space<vmem>>, vector<512x128xf32>
    tpu.vector_store %arg6[%swap3A, %swap3A_27], %dot_general3A_26 {strides = array<i32>} : memref<512x128xf32, #tpu.memory_space<vmem>>, vector<512x128xf32>,
    return
  }
  func.func @transform_0(%arg0: i32) -> i32 {
    %c0_i32 = arith.constant 0 : i32
    return %arg0 : i32
  }
  func.func @transform_1(%arg0: i32) -> i32 {
    %add3A = arith.constant 10 : i32
    %add3A_0 = arith.addi %arg0, %add3A : i32
    %c0_i32 = arith.constant 0 : i32
    return %add3A_0 : i32
  }
  func.func @transform_2(%arg0: i32) -> (i32, i32) {
    %c0_i32 = arith.constant 0 : i32
    %c0_i32_0 = arith.constant 0 : i32
    %c0_i32_1 = arith.constant 0 : i32
    return %c0_i32, %c0_i32_0 : i32, i32
  }
  func.func @transform_3(%arg0: i32) -> (i32, i32) {
    %c0_i32 = arith.constant 0 : i32
    %c0_i32_0 = arith.constant 0 : i32
    %c0_i32_1 = arith.constant 0 : i32
    return %c0_i32, %c0_i32_0 : i32, i32
  }
  func.func @transform_4(%arg0: i32) -> (i32, i32) {
    %c0_i32 = arith.constant 0 : i32
    %c0_i32_0 = arith.constant 0 : i32
    %c0_i32_1 = arith.constant 0 : i32
    return %c0_i32, %c0_i32_0 : i32, i32
  }
  func.func @transform_5(%arg0: i32) -> (i32, i32) {
    %c0_i32 = arith.constant 0 : i32
    %c0_i32_0 = arith.constant 0 : i32
    return %arg0, %c0_i32 : i32, i32
  }
}

module attributes {stable_mosaic.version = 14 : i64} {
  func.func @body(%arg0: i32, %arg1: memref<1x512x128xf32, #tpu.memory_space<vmem>>, %arg2: memref<1x512x128xf32, #tpu.memory_space<vmem>>, %arg3: memref<512x128xf32, #tpu.memory_space<vmem>>, %arg4: memref<1x128xf32, #tpu.memory_space<vmem>>, %arg5: memref<1024x64xf32, #tpu.memory_space<vmem>>) attributes {dimension_semantics = [#tpu.dimension_semantics<arbitrary>], iteration_bounds = array<i64: 10>, scalar_prefetch = 0 : i64, scratch_operands = 0 : i64, tpu.core_type = #tpu.core_type<tc>, window_params = [{transform_indices = @transform_0, window_bounds = array<i64: 1, 512, 128>}, {transform_indices = @transform_1, window_bounds = array<i64: 1, 512, 128>}, {transform_indices = @transform_2, window_bounds = array<i64: 512, 128>}, {pipeline_mode = #tpu.pipeline_mode<synchronous>, transform_indices = @transform_3, window_bounds = array<i64: 1, 128>}, {transform_indices = @transform_4, window_bounds = array<i64: 1024, 64>}]} {
    %get3A = arith.constant 0 : index
    %get3A_0 = arith.constant 0 : index
    %get3A_1 = arith.constant 0 : index
    %get3A_2 = vector.load %arg1[%get3A, %get3A_0, %get3A_1] : memref<1x512x128xf32, #tpu.memory_space<vmem>>, vector<1x512x128xf32>
    %get3A_3 = vector.shape_cast %get3A_2 : vector<1x512x128xf32> to vector<512x128xf32>
    %get3A_4 = arith.constant 0 : index
    %get3A_5 = arith.constant 0 : index
    %get3A_6 = arith.constant 0 : index
    %get3A_7 = vector.load %arg2[%get3A_4, %get3A_5, %get3A_6] : memref<1x512x128xf32, #tpu.memory_space<vmem>>, vector<1x512x128xf32>
    %get3A_8 = vector.shape_cast %get3A_7 : vector<1x512x128xf32> to vector<512x128xf32>
    %add3A = arith.addf %get3A_3, %get3A_8 : vector<512x128xf32>
    %get3A_9 = arith.constant 0 : index
    %get3A_10 = arith.constant 0 : index
    %get3A_11 = vector.load %arg3[%get3A_9, %get3A_10] : memref<512x128xf32, #tpu.memory_space<vmem>>, vector<512x128xf32>
    %add3A_12 = arith.addf %add3A, %get3A_11 : vector<512x128xf32>
    %get3A_13 = arith.constant 0 : index
    %get3A_14 = arith.constant 0 : index
    %get3A_15 = vector.load %arg4[%get3A_13, %get3A_14] : memref<1x128xf32, #tpu.memory_space<vmem>>, vector<1x128xf32>
    %add3A_16 = vector.broadcast %get3A_15 : vector<1x128xf32> to vector<512x128xf32>
    %add3A_17 = arith.addf %add3A_12, %add3A_16 : vector<512x128xf32>
    %slice3A = vector.extract_strided_slice %add3A_17 {offsets = [0, 0], sizes = [512, 64], strides = [1, 1]} : vector<512x128xf32> to vector<512x64xf32>
    %slice3A_18 = vector.extract_strided_slice %add3A_17 {offsets = [0, 64], sizes = [512, 64], strides = [1, 1]} : vector<512x128xf32> to vector<512x64xf32>
    %reduce_max3A = arith.constant dense<0xFF800000> : vector<512xf32>
    %reduce_max3A_19 = vector.multi_reduction <maximumf>, %slice3A, %reduce_max3A [1] : vector<512x64xf32> to vector<512xf32>
    %broadcast_in_dim3A = vector.shape_cast %reduce_max3A_19 : vector<512xf32> to vector<512x1xf32>
    %sub3A = vector.broadcast %broadcast_in_dim3A : vector<512x1xf32> to vector<512x64xf32>
    %sub3A_20 = arith.subf %slice3A, %sub3A : vector<512x64xf32>
    %exp3A = math.exp %sub3A_20 : vector<512x64xf32>
    %reduce_sum3A = arith.constant dense<0.000000e+00> : vector<512xf32>
    %reduce_sum3A_21 = vector.multi_reduction <add>, %exp3A, %reduce_sum3A [1] : vector<512x64xf32> to vector<512xf32>
    %broadcast_in_dim3A_22 = vector.shape_cast %reduce_sum3A_21 : vector<512xf32> to vector<512x1xf32>
    %log3A = math.log %broadcast_in_dim3A_22 : vector<512x1xf32>
    %sub3A_23 = vector.broadcast %log3A : vector<512x1xf32> to vector<512x64xf32>
    %sub3A_24 = arith.subf %sub3A_20, %sub3A_23 : vector<512x64xf32>
    %reduce_max3A_25 = arith.constant dense<0xFF800000> : vector<512xf32>
    %reduce_max3A_26 = vector.multi_reduction <maximumf>, %slice3A_18, %reduce_max3A_25 [1] : vector<512x64xf32> to vector<512xf32>
    %broadcast_in_dim3A_27 = vector.shape_cast %reduce_max3A_26 : vector<512xf32> to vector<512x1xf32>
    %sub3A_28 = vector.broadcast %broadcast_in_dim3A_27 : vector<512x1xf32> to vector<512x64xf32>
    %sub3A_29 = arith.subf %slice3A_18, %sub3A_28 : vector<512x64xf32>
    %exp3A_30 = math.exp %sub3A_29 : vector<512x64xf32>
    %reduce_sum3A_31 = arith.constant dense<0.000000e+00> : vector<512xf32>
    %reduce_sum3A_32 = vector.multi_reduction <add>, %exp3A_30, %reduce_sum3A_31 [1] : vector<512x64xf32> to vector<512xf32>
    %broadcast_in_dim3A_33 = vector.shape_cast %reduce_sum3A_32 : vector<512xf32> to vector<512x1xf32>
    %log3A_34 = math.log %broadcast_in_dim3A_33 : vector<512x1xf32>
    %sub3A_35 = vector.broadcast %log3A_34 : vector<512x1xf32> to vector<512x64xf32>
    %sub3A_36 = arith.subf %sub3A_29, %sub3A_35 : vector<512x64xf32>
    %stack3A = vector.shape_cast %sub3A_24 : vector<512x64xf32> to vector<512x1x64xf32>
    %stack3A_37 = vector.shape_cast %sub3A_36 : vector<512x64xf32> to vector<512x1x64xf32>
    %stack3A_38 = tpu.concatenate %stack3A, %stack3A_37 in 1 : vector<512x1x64xf32>, vector<512x1x64xf32> -> vector<512x2x64xf32>
    %reshape3A = vector.shape_cast %stack3A_38 : vector<512x2x64xf32> to vector<1024x64xf32>
    %swap3A = arith.constant 0 : index
    %swap3A_39 = arith.constant 0 : index
    %swap3A_40 = vector.load %arg5[%swap3A, %swap3A_39] : memref<1024x64xf32, #tpu.memory_space<vmem>>, vector<1024x64xf32>
    tpu.vector_store %arg5[%swap3A, %swap3A_39], %reshape3A {strides = array<i32>} : memref<1024x64xf32, #tpu.memory_space<vmem>>, vector<1024x64xf32>,
    return
  }
  func.func @transform_0(%arg0: i32) -> (i32, i32, i32) {
    %c0_i32 = arith.constant 0 : i32
    %c0_i32_0 = arith.constant 0 : i32
    %c0_i32_1 = arith.constant 0 : i32
    return %c0_i32, %arg0, %c0_i32_0 : i32, i32, i32
  }
  func.func @transform_1(%arg0: i32) -> (i32, i32, i32) {
    %c1_i32 = arith.constant 1 : i32
    %c0_i32 = arith.constant 0 : i32
    %c0_i32_0 = arith.constant 0 : i32
    return %c1_i32, %arg0, %c0_i32 : i32, i32, i32
  }
  func.func @transform_2(%arg0: i32) -> (i32, i32) {
    %c0_i32 = arith.constant 0 : i32
    %c0_i32_0 = arith.constant 0 : i32
    return %arg0, %c0_i32 : i32, i32
  }
  func.func @transform_3(%arg0: i32) -> (i32, i32) {
    %c0_i32 = arith.constant 0 : i32
    %c0_i32_0 = arith.constant 0 : i32
    %c0_i32_1 = arith.constant 0 : i32
    return %c0_i32, %c0_i32_0 : i32, i32
  }
  func.func @transform_4(%arg0: i32) -> (i32, i32) {
    %c0_i32 = arith.constant 0 : i32
    %c0_i32_0 = arith.constant 0 : i32
    return %arg0, %c0_i32 : i32, i32
  }
}

</mosaic_0001>

<sc_bundles>
// kernel: kernel.11.cloned.1.call-start
scs
__scs_entry_jumppad:
0x0: {  	(pc) =	sbr.rel $0x88, $3  }
0x1: {  	(tag) =	ssettag $0x0;
	lr =	simm.s32 $0x1  }
0x2: {  	[smem:$0x3F9B] =	sst lr;
	_ =	strace $0xD0000000  }
0x3: {  	_ = 	snop  }
0x4: {  	_ = 	snop  }
0x5: {  	_ = 	snop  }
0x6: {  	_ = 	snop  }
0x7: {  	_ = 	snop  }
__scs_overlays_trampoline_lowered:
0x8: {  	[smem:$0x3FAA] =	sst s0  }
0x9: {  	[smem:$0x3FAB] =	sst s1  }
0xa: {  	[smem:$0x3FAC] =	sst s2  }
0xb: {  	[smem:$0x3FAD] =	sst s3  }
0xc: {  	[smem:$0x3FAE] =	sst s4  }
0xd: {  	[smem:$0x3FAF] =	sst s5  }
0xe: {  	[smem:$0x3FB0] =	sst s6  }
0xf: {  	[smem:$0x3FB1] =	sst s7  }
0x10: {  	[smem:$0x3FB2] =	sst s8  }
0x11: {  	[smem:$0x3FB3] =	sst s9;
	s0 =	simm.s32 @!p0 $0x0  }
0x12: {  	s1 =	sld [smem:$0x3F99];
	s0 =	simm.s32 @p0 $0x1  }
0x13: {  	[smem:$0x3FB4] =	sst s0;
	s0 =	simm.s32 @!p1 $0x0  }
0x14: {  	s2 =	sld [smem:$0x3F98];
	s0 =	simm.s32 @p1 $0x1  }
0x15: {  	[smem:$0x3FB5] =	sst s0;
	s0 =	simm.s32 @!p2 $0x0  }
0x16: {  	s3 =	sld [smem:$0x3FDB];
	s0 =	simm.s32 @p2 $0x1  }
0x17: {  	s4 =	simm.s32 $0x1BF5;
	[smem:$0x3FB7] =	sst s0  }
0x18: {  	s0 =	sld [smem:$0x3F9A];
	_ =	swait.ge [sflag:s4], $0x0  }
0x19: {  	s7 =	sld [smem:$0x3F9B]  }
0x1a: {  	s8 =	sadd.s32 $0xFFFFE003, lr  }
0x1b: {  	s9 =	sadd.s32 $0xFFFFFEF7, lr;
	s5 =	simm.s32 $0xFFFFFFFF;
	p2 =	slt.u32 s8, $0xFFFFF086  }
0x1c: {  	p1 =	slt.u32 s9, $0xF7A;
	s5 =	simm.s32 @!p2 $0x0  }
0x1d: {  	s5 =	simm.s32 @p1 $0x1;
	p0 =	seq.s32 s7, s2  }
0x1e: {  	s7 =	smul.u32 @!p0 $0xF7A, s2;
	p2 =	seq.s32 @!p0 s5, $0x0  }
0x1f: {  	s9 =	smul.u32 $0xF7A, s1;
	s8 =	simm.s32 @!p0 $0x1BF5;
	p2 =	por !p2, p0  }
0x20: {  	[sflag:s8] =	ssyncset.s32 @!p0 $0xFFFFF086;
	s6 =	sadd.s32 @!p0 s3, s7;
	s7 =	simm.s32 @!p0 $0x108  }
0x21: {  	s3 =	sadd.s32 s3, s9;
	s6 =	sadd.s32 @!p0 $0x88, s6;
	s7 =	simm.s32 @p2 $0x1082  }
0x22: {  	[simem:s7], [sflag:s8] =	dma.local @!p0 [hbm:s6], $0xF7A  }
0x23: {  	s9 =	sor.u32 $0xD0000000, s2;
	s6 =	simm.s32 $0x108;
	_ =	swait.ge @!p0 [sflag:s8], $0x0  }
0x24: {  	s3 =	sadd.s32 $0x88, s3;
	s6 =	simm.s32 @!p1 $0x1082;
	[sflag:s4] =	ssyncset.s32 $0xFFFFF086  }
0x25: {  	[simem:s6], [sflag:s4] =	dma.local [hbm:s3], $0xF7A  }
0x26: {  	[smem:$0x3F9B] =	sst s1;
	(tag) =	ssettag s2;
	_ =	strace s9  }
0x27: {  	s1 =	sld [smem:$0x3FAB]  }
0x28: {  	s2 =	sld [smem:$0x3FAC]  }
0x29: {  	s4 =	sld [smem:$0x3FAE]  }
0x2a: {  	p0 =	seq.s32 s5, $0x0;
	s5 =	sld [smem:$0x3FAF]  }
0x2b: {  	s6 =	sld [smem:$0x3FB0]  }
0x2c: {  	s7 =	sld [smem:$0x3FB1]  }
0x2d: {  	s3 =	simm.s32 $0x108;
	s8 =	sld [smem:$0x3FB2]  }
0x2e: {  	s3 =	simm.s32 @!p0 $0x1082;
	s9 =	sld [smem:$0x3FB3]  }
0x2f: {  	lr =	sadd.s32 s0, s3;
	s0 =	sld [smem:$0x3FAA]  }
0x30: {  	s3 =	sld [smem:$0x3FAD]  }
0x31: {  	[smem:$0x3FB6] =	sst s10  }
0x32: {  	s10 =	sld [smem:$0x3FB4];
	_ =	sdelay $0x3  }
0x33: {  	p0 =	seq.s32 s10, $0x1;
	s10 =	sld [smem:$0x3FB6];
	_ =	sdelay $0x3  }
0x34: {  	[smem:$0x3FB6] =	sst s10  }
0x35: {  	s10 =	sld [smem:$0x3FB5];
	_ =	sdelay $0x3  }
0x36: {  	p1 =	seq.s32 s10, $0x1;
	s10 =	sld [smem:$0x3FB6];
	_ =	sdelay $0x3  }
0x37: {  	[smem:$0x3FB6] =	sst s10  }
0x38: {  	s10 =	sld [smem:$0x3FB7]  }
0x39: {  	_ = 	snop;
	(pc) =	sbr.ind lr, $3  }
0x3a: {  	_ = 	snop  }
0x3b: {  	_ = 	snop  }
0x3c: {  	p2 =	seq.s32 s10, $0x1;
	s10 =	sld [smem:$0x3FB6]  }
0x3d: {  	_ =	shalt  }
0x3e: {  	_ =	shalt  }
0x3f: {  	_ =	shalt  }
0x40: {  	_ =	shalt  }
0x41: {  	_ =	shalt  }
0x42: {  	_ =	shalt  }
0x43: {  	_ =	shalt  }
0x44: {  	_ =	shalt  }
0x45: {  	_ =	shalt  }
0x46: {  	_ =	shalt  }
0x47: {  	_ =	shalt  }
0x48: {  	_ =	shalt  }
0x49: {  	_ =	shalt  }
0x4a: {  	_ =	shalt  }
0x4b: {  	_ =	shalt  }
0x4c: {  	_ =	shalt  }
0x4d: {  	_ =	shalt  }
0x4e: {  	_ =	shalt  }
0x4f: {  	_ =	shalt  }
0x50: {  	_ =	shalt  }
0x51: {  	_ =	shalt  }
0x52: {  	_ =	shalt  }
0x53: {  	_ =	shalt  }
0x54: {  	_ =	shalt  }
0x55: {  	_ =	shalt  }
0x56: {  	_ =	shalt  }
0x57: {  	_ =	shalt  }
0x58: {  	_ =	shalt  }
0x59: {  	_ =	shalt  }
0x5a: {  	_ =	shalt  }
0x5b: {  	_ =	shalt  }
0x5c: {  	_ =	shalt  }
0x5d: {  	_ =	shalt  }
0x5e: {  	_ =	shalt  }
0x5f: {  	_ =	shalt  }
0x60: {  	_ =	shalt  }
0x61: {  	_ =	shalt  }
0x62: {  	_ =	shalt  }
0x63: {  	_ =	shalt  }
0x64: {  	_ =	shalt  }
0x65: {  	_ =	shalt  }
0x66: {  	_ =	shalt  }
0x67: {  	_ =	shalt  }
0x68: {  	_ =	shalt  }
0x69: {  	_ =	shalt  }
0x6a: {  	_ =	shalt  }
0x6b: {  	_ =	shalt  }
0x6c: {  	_ =	shalt  }
0x6d: {  	_ =	shalt  }
0x6e: {  	_ =	shalt  }
0x6f: {  	_ =	shalt  }
0x70: {  	_ =	shalt  }
0x71: {  	_ =	shalt  }
0x72: {  	_ =	shalt  }
0x73: {  	_ =	shalt  }
0x74: {  	_ =	shalt  }
0x75: {  	_ =	shalt  }
0x76: {  	_ =	shalt  }
0x77: {  	_ =	shalt  }
0x78: {  	_ =	shalt  }
0x79: {  	_ =	shalt  }
0x7a: {  	_ =	shalt  }
0x7b: {  	_ =	shalt  }
0x7c: {  	_ =	shalt  }
0x7d: {  	_ =	shalt  }
0x7e: {  	_ =	shalt  }
0x7f: {  	_ =	shalt  }
0x80: {  	_ =	shalt  }
0x81: {  	_ =	shalt  }
0x82: {  	_ =	shalt  }
0x83: {  	_ =	shalt  }
0x84: {  	_ =	shalt  }
0x85: {  	_ =	shalt  }
0x86: {  	_ =	shalt  }
0x87: {  	_ =	shalt  }
.Lfunc_end0:
.L_simem_size_0:
called_computation.1_lowered:
.L_overlay_start_0:
0x88: {  	s2 =	sld [smem:$0x3FD9]  }
0x89: {  	s3 =	sld [smem:$0x3FFE];
	_ =	sdelay $0x1  }
0x8a: {  	s1 =	srdreg.scid  }
0x8b: {  	s0 =	sand.u32 $0x1, s1  }
0x8c: {  	s16 =	sshll.u32 s0, $0xA;
	s2 =	sadd.s32 s3, s2  }
0x8d: {  	s2 =	sadd.s32 s2, s16  }
0x8e: {  	[smem:$0x3FC2] =	sst s2  }
0x8f: {  	_ = 	snop  }
0x90: {  	(tm) =	ssettm $0x1  }
0x91: {  	s17 =	sld [smem:$0x3FFB];
	_ =	sdelay $0x3  }
0x92: {  	_ =	strace s17  }
0x93: {  	s2 =	sld [smem:$0x3FFC];
	_ =	sdelay $0x3  }
0x94: {  	_ =	strace s2  }
0x95: {  	s2 =	sld [smem:$0x3FFD];
	_ =	sdelay $0x3  }
0x96: {  	_ =	strace s2  }
0x97: {  	_ =	strace $0x8FFFFFFF  }
0x98: {  	s18 =	sld [smem:$0x3FDB];
	_ =	sdelay $0x1  }
0x99: {  	s19 =	simm.s32 $_scs_section_size  }
0x9a: {  	s4 =	simm.s32 $_size__tile_overlayer_lowered;
	s5 =	simm.s32 $_tile_overlayer_lowered  }
0x9b: {  	s22 =	simm.s32 $0x1BFF;
	s21 =	sshll.u32 s5, $0x1;
	s2 =	sadd.s32 s19, s18  }
0x9c: {  	s6 =	simm.s32 $0x0;
	s20 =	sshll.u32 s4, $0x1;
	s4 =	sadd.s32 s21, s2  }
0x9d: {  	[timem:s6], [sflag:s22] =	dma.local [hbm:s4], s20  }
0x9e: {  	_ =	swait.ge [sflag:s22], s20  }
0x9f: {  	s3 =	ssub.s32 $0x0, s20;
	[sflag:s22] =	ssyncset.done $0x0  }
0xa0: {  	[sflag:s22] =	ssyncadd.s32 s3;
	_ =	sdelay $0x1  }
0xa1: {  	s23 =	simm.s32 $0x1B8B  }
0xa2: {  	_ =	swait.ge [sflag:s23], $0x1  }
0xa3: {  	[sflag:s23] =	ssyncset.done $0x0  }
0xa4: {  	s25 =	simm.s32 $0x1B8E;
	s24 =	sld [smem:$0x3FFE];
	[sflag:s23] =	ssyncadd.s32 $0xFFFFFFFF  }
0xa5: {  	s26 =	simm.s32 $execute0_lowered;
	[smem:$0x3FD2] =	sst s25  }
0xa6: {  	s4 =	sshll.u32 s26, $0x1;
	_ =	strace $0x80000049;
	[dreg:$0x1] =	wrdreg $0xFFFFFFFF  }
0xa7: {  	s28 =	simm.s32 $_size_execute0_lowered;
	s2 =	sadd.s32 s2, s4;
	[dreg:$0x0] =	wrdreg $0x0  }
0xa8: {  	s4 =	sshll.u32 s28, $0x1;
	[dreg:$0x2] =	wrdreg s2  }
0xa9: {  	[dreg:$0x3] =	wrdreg s4  }
0xaa: {  	[dreg:$0x4] =	wrdreg $0xC0  }
0xab: {  	_ =	task [dreg:s6], $0x5FFFF  }
0xac: {  	[dreg:$0x1] =	wrdreg $0xFFFFFFFF  }
0xad: {  	[dreg:$0x0] =	wrdreg $0x60  }
0xae: {  	[dreg:$0x2] =	wrdreg s24  }
0xaf: {  	[dreg:$0x3] =	wrdreg $0xB2200  }
0xb0: {  	[dreg:$0x4] =	wrdreg $0x9  }
0xb1: {  	_ =	task.clear_ibuf [dreg:s6], $0x5FFFF;
	_ =	strace $0x90000049  }
0xb2: {  	s29 =	simm.s32 $0x9;
	_ =	strace $0x8000004B  }
0xb3: {  	_ =	swait.ge [sflag:s29], $0x1  }
0xb4: {  	[sflag:s29] =	ssyncadd.s32 $0xFFFFFFFF  }
0xb5: {  	_ =	strace $0x9000004B  }
0xb6: {  	_ =	sfence  }
0xb7: {  	s30 =	sld [smem:$0x0];
	_ =	sdelay $0x2  }
0xb8: {  	s31 =	sshll.u32 s1, $0xD;
	s1 =	sshrl.u32 s1, $0x2  }
0xb9: {  	s3 =	sand.u32 $0x4000, s31;
	s1 =	sadd.s32 s1, s30  }
0xba: {  	s0 =	sor.u32 s3, s0;
	s1 =	sshll.u32 s1, $0x11  }
0xbb: {  	s0 =	sor.u32 s1, s0  }
0xbc: {  	s0 =	sadd.s32 $0x8F2B, s0  }
0xbd: {  	[sflag:s0] =	ssyncadd.remote.s32 $0x1  }
0xbe: {  	_ =	sfence.sel $0xFFFF  }
0xbf: {  	[dreg:$0x0] =	wrdreg $0xFFFFFFFF;
	(pc) =	sbr.abs _section_cstart, $3  }
0xc0: {  	[dreg:$0x1] =	wrdreg $0xFFFFFFFF  }
0xc1: {  	_ =	task.clear_ibuf [dreg:s6], $0x2FFFF;
	_ =	strace $0x9FFFFFFF  }
0xc2: {  	(tm) =	ssettm $0x7FFFFFFF  }
0xc3: {  	_ =	shalt  }
tec
execute0_lowered:
.L_overlay_start_1:
0x0: {  	(tag) =	ssettag $0x1  }
0x1: {  	s0 =	rddreg [dreg:$0x0]  }
0x2: {  	s2 =	rddreg [dreg:$0x1]  }
0x3: {  	s1 =	srdreg.scid;
	s8 =	stileid.u32;
	s4 =	simm.s32 $0x0  }
0x4: {  	s17 =	simm.s32 $0xB;
	s19 =	simm.s32 $0x4E20;
	s20 =	simm.s32 $0x50  }
0x5: {  	s21 =	simm.s32 $0x6220;
	s28 =	simm.s32 $0x9E20;
	s29 =	simm.s32 $0x1  }
0x6: {  	s30 =	simm.s32 $0x2;
	s31 =	simm.s32 $0x3;
	s18 =	simm.s32 $0x6  }
0x7: {  	s1 =	sand.u32 $0x1, s1;
	s3 =	smul.u32 $0x14000, s8;
	[smem:$0x7FF] =	sst s4  }
0x8: {  	s4 =	sadd.s32 $0x15000, s0;
	s5 =	sshll.u32 s1, $0x4;
	s6 =	smul.u32 $0x140000, s1  }
0x9: {  	s1 =	ssub.s32 $0x2, s1;
	s5 =	sor.u32 s8, s5;
	s8 =	smul.u32 $0x28000, s8  }
0xa: {  	_ =	strace $0x8000004A;
	s7 =	sshrl.u32 s1, $0x1;
	s5 =	smul.u32 $0x4E2, s5  }
0xb: {  	s6 =	sadd.s32 s3, s6;
	s1 =	ssub.s32 s1, s7;
	s3 =	sshrl.u32 s3, $0x1  }
0xc: {  	s6 =	sshrl.u32 s6, $0x4;
	s23 =	sshrl.u32 s8, $0x2;
	s7 =	sadd.s32 s3, s2  }
0xd: {  	s16 =	smax.u32 s1, $0x1;
	s1 =	simm.s32 $0x5;
	s3 =	simm.s32 $0xA  }
0xe: {  	s5 =	sadd.s32 s5, s0;
	s0 =	sadd.s32 s6, s0;
	s24 =	sadd.s32 s23, s2  }
0xf: {  	s23 =	simm.s32 $0x7620;
	s22 =	sadd.s32 $0xB200, s5;
	s5 =	sadd.s32 $0x1400, s5  }
0x10: {  	s25 =	sadd.s32 $0x1400, s24;
	s26 =	sadd.s32 $0x2800, s24;
	s10 =	sadd.s32 $0x3C00, s24  }
0x11: {  	s11 =	sadd.s32 $0x5000, s24;
	s12 =	sadd.s32 $0x6400, s24;
	[dreg:$0x3] =	wrdreg s22  }
0x12: {  	s13 =	sadd.s32 $0x7800, s24;
	s14 =	sadd.s32 $0x8C00, s24;
	[dreg:$0x4] =	wrdreg s5  }
0x13: {  	s15 =	sadd.s32 $0x29000, s0;
	s0 =	simm.s32 $0x4;
	[dreg:$0x5] =	wrdreg s25  }
0x14: {  	s24 =	simm.s32 $0x8;
	[dreg:$0x6] =	wrdreg s26;
	s25 =	simm.s32 $0x8A20  }
0x15: {  	v0 =	vimm.bf16 $0.0e+00;
	s22 =	simm.s32 $0x7;
	s26 =	simm.s32 $0x9;
	s5 =	simm.s32 $0x0  }
.LBB2_1:
0x16: {  	s6 =	simm.s32 $0x0;
	s8 =	rddreg [dreg:$0x3]  }
0x17: {  	[tilespmem:s6], [sflag:$0xB] =	stream.linear.gather [hbm4b:s8+s6], $0x2710, $0x38;
	[tilespmem:$0x15220] =	vst v63  }
0x18: {  	_ =	swait.ge [sflag:s17], $0x2710  }
0x19: {  	[sflag:s17] =	ssyncset.done $0x0  }
0x1a: {  	s9 =	simm.s32 $0x2710;
	s8 =	rddreg [dreg:$0x4];
	[sflag:s17] =	ssyncadd.s32 $0xFFFFD8F0  }
0x1b: {  	[tilespmem:s9], [sflag:$0xB] =	stream.linear.gather [hbm4b:s8+s6], $0x2710, $0x38;
	[tilespmem:$0x15220] =	vst v63  }
0x1c: {  	_ =	swait.ge [sflag:s17], $0x2710  }
0x1d: {  	[sflag:s17] =	ssyncset.done $0x0  }
0x1e: {  	s8 =	simm.s32 $0x100;
	s6 =	simm.s32 $0x0;
	[sflag:s17] =	ssyncadd.s32 $0xFFFFD8F0  }
.LBB2_2:
0x1f: {  	p0 =	sne.s32 s8, $0x4F00;
	[tilespmem:s6+$0x4E50] =	vst v0;
	s9 =	smov.u32 s8;
	s8 =	sadd.s32 $0x100, s8  }
.Ltmp0:
0x20: {  	[tilespmem:s6+$0x4E40] =	vst v0;
	(pc) =	sbr.rel @p0 .LBB2_2-.Ltmp0, $3  }
0x21: {  	[tilespmem:s6+$0x4E20] =	vst v0  }
0x22: {  	[tilespmem:s6+$0x4E30] =	vst v0;
	_ =	sdelay $0x1  }
0x23: {  	s6 =	sshra.s32 s9, $0x2  }
0x24: {  	[tilespmem:s6+$0x4E50] =	vst v0  }
0x25: {  	[tilespmem:s6+$0x4E40] =	vst v0  }
0x26: {  	[tilespmem:s6+$0x4E20] =	vst v0  }
0x27: {  	[tilespmem:s6+$0x4E30] =	vst v0  }
0x28: {  	[spmem:s7] =	stream.linear.scatter [tilespmem:s19], [sflag:$0xB], $0x1400, $0x38;
	[tilespmem:$0x15220] =	vst v63  }
0x29: {  	_ =	swait.ge [sflag:s17], $0x1400  }
0x2a: {  	[sflag:s17] =	ssyncset.done $0x0  }
0x2b: {  	s9 =	rddreg [dreg:$0x5];
	[sflag:s17] =	ssyncadd.s32 $0xFFFFEC00  }
0x2c: {  	[spmem:s9] =	stream.linear.scatter [tilespmem:s19], [sflag:$0xB], $0x1400, $0x38;
	[tilespmem:$0x15220] =	vst v63  }
0x2d: {  	_ =	swait.ge [sflag:s17], $0x1400  }
0x2e: {  	[sflag:s17] =	ssyncset.done $0x0  }
0x2f: {  	s8 =	rddreg [dreg:$0x6];
	[sflag:s17] =	ssyncadd.s32 $0xFFFFEC00  }
0x30: {  	[spmem:s8] =	stream.linear.scatter [tilespmem:s19], [sflag:$0xB], $0x1400, $0x38;
	[tilespmem:$0x15220] =	vst v63  }
0x31: {  	_ =	swait.ge [sflag:s17], $0x1400  }
0x32: {  	[sflag:s17] =	ssyncset.done $0x0  }
0x33: {  	[sflag:s17] =	ssyncadd.s32 $0xFFFFEC00  }
0x34: {  	[spmem:s10] =	stream.linear.scatter [tilespmem:s19], [sflag:$0xB], $0x1400, $0x38;
	[tilespmem:$0x15220] =	vst v63  }
0x35: {  	_ =	swait.ge [sflag:s17], $0x1400  }
0x36: {  	[sflag:s17] =	ssyncset.done $0x0  }
0x37: {  	[sflag:s17] =	ssyncadd.s32 $0xFFFFEC00  }
0x38: {  	[spmem:s11] =	stream.linear.scatter [tilespmem:s19], [sflag:$0xB], $0x1400, $0x38;
	[tilespmem:$0x15220] =	vst v63  }
0x39: {  	_ =	swait.ge [sflag:s17], $0x1400  }
0x3a: {  	[sflag:s17] =	ssyncset.done $0x0  }
0x3b: {  	[sflag:s17] =	ssyncadd.s32 $0xFFFFEC00  }
0x3c: {  	[spmem:s12] =	stream.linear.scatter [tilespmem:s19], [sflag:$0xB], $0x1400, $0x38;
	[tilespmem:$0x15220] =	vst v63  }
0x3d: {  	_ =	swait.ge [sflag:s17], $0x1400  }
0x3e: {  	[sflag:s17] =	ssyncset.done $0x0  }
0x3f: {  	[sflag:s17] =	ssyncadd.s32 $0xFFFFEC00  }
0x40: {  	[spmem:s13] =	stream.linear.scatter [tilespmem:s19], [sflag:$0xB], $0x1400, $0x38;
	[tilespmem:$0x15220] =	vst v63  }
0x41: {  	_ =	swait.ge [sflag:s17], $0x1400  }
0x42: {  	[sflag:s17] =	ssyncset.done $0x0  }
0x43: {  	[sflag:s17] =	ssyncadd.s32 $0xFFFFEC00  }
0x44: {  	[spmem:s14] =	stream.linear.scatter [tilespmem:s19], [sflag:$0xB], $0x1400, $0x38;
	[tilespmem:$0x15220] =	vst v63  }
0x45: {  	_ =	swait.ge [sflag:s17], $0x1400  }
0x46: {  	[sflag:s17] =	ssyncset.done $0x0  }
0x47: {  	[sflag:s17] =	ssyncadd.s32 $0xFFFFEC00  }
0x48: {  	s9 =	simm.s32 $0x0;
	[bflag:$0x0] =	sbarrier.arrive $0xFFFF  }
0x49: {  	[tilespmem:s19], [sflag:$0x1] =	stream.indirect.gather [hbm4b:s4+s20], $0x40, s9, s20, $0xb8;
	[tilespmem:$0x15220] =	vst v63  }
0x4a: {  	_ = 	snop  }
0x4b: {  	[tilespmem:s21], [sflag:$0x2] =	stream.indirect.gather [hbm4b:s4+s20], $0x40, s20, s20, $0xb8;
	[tilespmem:$0x15220] =	vst v63  }
0x4c: {  	s8 =	simm.s32 $0xA0  }
0x4d: {  	[tilespmem:s23], [sflag:$0x3] =	stream.indirect.gather [hbm4b:s4+s20], $0x40, s8, s20, $0xb8;
	[tilespmem:$0x15220] =	vst v63  }
0x4e: {  	s9 =	simm.s32 $0xF0  }
0x4f: {  	[tilespmem:s25], [sflag:$0x4] =	stream.indirect.gather [hbm4b:s4+s20], $0x40, s9, s20, $0xb8;
	[tilespmem:$0x15220] =	vst v63  }
0x50: {  	s8 =	simm.s32 $0x140  }
0x51: {  	[tilespmem:s28], [sflag:$0x5] =	stream.indirect.gather [hbm4b:s4+s20], $0x40, s8, s20, $0xb8;
	[tilespmem:$0x15220] =	vst v63  }
0x52: {  	_ =	swait.ge [sflag:s29], $0x1400  }
0x53: {  	[sflag:s29] =	ssyncset.done $0x0  }
0x54: {  	s9 =	simm.s32 $0x2710;
	[sflag:s29] =	ssyncadd.s32 $0xFFFFEC00  }
0x55: {  	[spmem:s2] =	stream.indirect.scatter.add.bf16 [tilespmem:s19], [sflag:$0x6], $0x40, s9, s20, $0xb8;
	[tilespmem:$0x15220] =	vst v63  }
0x56: {  	_ =	swait.ge [sflag:s30], $0x1400  }
0x57: {  	[sflag:s30] =	ssyncset.done $0x0  }
0x58: {  	s8 =	simm.s32 $0x2760;
	[sflag:s30] =	ssyncadd.s32 $0xFFFFEC00  }
0x59: {  	[spmem:s2] =	stream.indirect.scatter.add.bf16 [tilespmem:s21], [sflag:$0x7], $0x40, s8, s20, $0xb8;
	[tilespmem:$0x15220] =	vst v63  }
0x5a: {  	_ =	swait.ge [sflag:s31], $0x1400  }
0x5b: {  	[sflag:s31] =	ssyncset.done $0x0  }
0x5c: {  	s9 =	simm.s32 $0x27B0;
	[sflag:s31] =	ssyncadd.s32 $0xFFFFEC00  }
0x5d: {  	[spmem:s2] =	stream.indirect.scatter.add.bf16 [tilespmem:s23], [sflag:$0x8], $0x40, s9, s20, $0xb8;
	[tilespmem:$0x15220] =	vst v63  }
0x5e: {  	_ =	swait.ge [sflag:s0], $0x1400  }
0x5f: {  	[sflag:s0] =	ssyncset.done $0x0  }
0x60: {  	s8 =	simm.s32 $0x2800;
	[sflag:s0] =	ssyncadd.s32 $0xFFFFEC00  }
0x61: {  	[spmem:s2] =	stream.indirect.scatter.add.bf16 [tilespmem:s25], [sflag:$0x9], $0x40, s8, s20, $0xb8;
	[tilespmem:$0x15220] =	vst v63  }
0x62: {  	_ =	swait.ge [sflag:s1], $0x1400  }
0x63: {  	[sflag:s1] =	ssyncset.done $0x0  }
0x64: {  	s9 =	simm.s32 $0x2850;
	[sflag:s1] =	ssyncadd.s32 $0xFFFFEC00  }
0x65: {  	[spmem:s2] =	stream.indirect.scatter.add.bf16 [tilespmem:s28], [sflag:$0xA], $0x40, s9, s20, $0xb8;
	[tilespmem:$0x15220] =	vst v63  }
0x66: {  	_ =	swait.ge [sflag:s18], $0x1400  }
0x67: {  	[sflag:s18] =	ssyncset.done $0x0  }
0x68: {  	s8 =	simm.s32 $0x190;
	[sflag:s18] =	ssyncadd.s32 $0xFFFFEC00  }
0x69: {  	[tilespmem:s19], [sflag:$0x1] =	stream.indirect.gather [hbm4b:s4+s20], $0x40, s8, s20, $0xb8;
	[tilespmem:$0x15220] =	vst v63  }
0x6a: {  	_ =	swait.ge [sflag:s22], $0x1400  }
0x6b: {  	[sflag:s22] =	ssyncset.done $0x0  }
0x6c: {  	s9 =	simm.s32 $0x1E0;
	[sflag:s22] =	ssyncadd.s32 $0xFFFFEC00  }
0x6d: {  	[tilespmem:s21], [sflag:$0x2] =	stream.indirect.gather [hbm4b:s4+s20], $0x40, s9, s20, $0xb8;
	[tilespmem:$0x15220] =	vst v63  }
0x6e: {  	_ =	swait.ge [sflag:s24], $0x1400  }
0x6f: {  	[sflag:s24] =	ssyncset.done $0x0  }
0x70: {  	s8 =	simm.s32 $0x230;
	[sflag:s24] =	ssyncadd.s32 $0xFFFFEC00  }
0x71: {  	[tilespmem:s23], [sflag:$0x3] =	stream.indirect.gather [hbm4b:s4+s20], $0x40, s8, s20, $0xb8;
	[tilespmem:$0x15220] =	vst v63  }
0x72: {  	_ =	swait.ge [sflag:s26], $0x1400  }
0x73: {  	[sflag:s26] =	ssyncset.done $0x0  }
0x74: {  	s9 =	simm.s32 $0x280;
	[sflag:s26] =	ssyncadd.s32 $0xFFFFEC00  }
0x75: {  	[tilespmem:s25], [sflag:$0x4] =	stream.indirect.gather [hbm4b:s4+s20], $0x40, s9, s20, $0xb8;
	[tilespmem:$0x15220] =	vst v63  }
0x76: {  	_ =	swait.ge [sflag:s3], $0x1400  }
0x77: {  	[sflag:s3] =	ssyncset.done $0x0  }
0x78: {  	s6 =	simm.s32 $0x640;
	s8 =	simm.s32 $0x2D0;
	[sflag:s3] =	ssyncadd.s32 $0xFFFFEC00  }
.LBB2_4:
0x79: {  	[tilespmem:s28], [sflag:$0x5] =	stream.indirect.gather [hbm4b:s4+s20], $0x40, s8, s20, $0xb8;
	[tilespmem:$0x15220] =	vst v63  }
0x7a: {  	s8 =	smov.u32 s6  }
0x7b: {  	p0 =	sne.s32 s6, $0x8FC0;
	s6 =	sadd.s32 $0x640, s6;
	_ =	swait.ge [sflag:s29], $0x1400  }
0x7c: {  	s8 =	sshra.s32 s8, $0x2;
	[sflag:s29] =	ssyncset.done $0x0  }
0x7d: {  	s9 =	sadd.s32 $0x2710, s8;
	[sflag:s29] =	ssyncadd.s32 $0xFFFFEC00  }
0x7e: {  	[spmem:s2] =	stream.indirect.scatter.add.bf16 [tilespmem:s19], [sflag:$0x6], $0x40, s9, s20, $0xb8;
	[tilespmem:$0x15220] =	vst v63  }
0x7f: {  	_ =	swait.ge [sflag:s30], $0x1400  }
0x80: {  	[sflag:s30] =	ssyncset.done $0x0  }
0x81: {  	s9 =	sadd.s32 $0x2760, s8;
	[sflag:s30] =	ssyncadd.s32 $0xFFFFEC00  }
0x82: {  	[spmem:s2] =	stream.indirect.scatter.add.bf16 [tilespmem:s21], [sflag:$0x7], $0x40, s9, s20, $0xb8;
	[tilespmem:$0x15220] =	vst v63  }
0x83: {  	_ =	swait.ge [sflag:s31], $0x1400  }
0x84: {  	[sflag:s31] =	ssyncset.done $0x0  }
0x85: {  	s9 =	sadd.s32 $0x27B0, s8;
	[sflag:s31] =	ssyncadd.s32 $0xFFFFEC00  }
0x86: {  	[spmem:s2] =	stream.indirect.scatter.add.bf16 [tilespmem:s23], [sflag:$0x8], $0x40, s9, s20, $0xb8;
	[tilespmem:$0x15220] =	vst v63  }
0x87: {  	_ =	swait.ge [sflag:s0], $0x1400  }
0x88: {  	[sflag:s0] =	ssyncset.done $0x0  }
0x89: {  	s9 =	sadd.s32 $0x2800, s8;
	[sflag:s0] =	ssyncadd.s32 $0xFFFFEC00  }
0x8a: {  	[spmem:s2] =	stream.indirect.scatter.add.bf16 [tilespmem:s25], [sflag:$0x9], $0x40, s9, s20, $0xb8;
	[tilespmem:$0x15220] =	vst v63  }
0x8b: {  	_ =	swait.ge [sflag:s1], $0x1400  }
0x8c: {  	[sflag:s1] =	ssyncset.done $0x0  }
0x8d: {  	s9 =	sadd.s32 $0x2850, s8;
	[sflag:s1] =	ssyncadd.s32 $0xFFFFEC00  }
0x8e: {  	[spmem:s2] =	stream.indirect.scatter.add.bf16 [tilespmem:s28], [sflag:$0xA], $0x40, s9, s20, $0xb8;
	[tilespmem:$0x15220] =	vst v63  }
0x8f: {  	_ =	swait.ge [sflag:s18], $0x1400  }
0x90: {  	[sflag:s18] =	ssyncset.done $0x0  }
0x91: {  	s9 =	sadd.s32 $0x190, s8;
	[sflag:s18] =	ssyncadd.s32 $0xFFFFEC00  }
0x92: {  	[tilespmem:s19], [sflag:$0x1] =	stream.indirect.gather [hbm4b:s4+s20], $0x40, s9, s20, $0xb8;
	[tilespmem:$0x15220] =	vst v63  }
0x93: {  	_ =	swait.ge [sflag:s22], $0x1400  }
0x94: {  	[sflag:s22] =	ssyncset.done $0x0  }
0x95: {  	s9 =	sadd.s32 $0x1E0, s8;
	[sflag:s22] =	ssyncadd.s32 $0xFFFFEC00  }
0x96: {  	[tilespmem:s21], [sflag:$0x2] =	stream.indirect.gather [hbm4b:s4+s20], $0x40, s9, s20, $0xb8;
	[tilespmem:$0x15220] =	vst v63  }
0x97: {  	_ =	swait.ge [sflag:s24], $0x1400  }
0x98: {  	[sflag:s24] =	ssyncset.done $0x0  }
0x99: {  	s9 =	sadd.s32 $0x230, s8;
	[sflag:s24] =	ssyncadd.s32 $0xFFFFEC00  }
0x9a: {  	[tilespmem:s23], [sflag:$0x3] =	stream.indirect.gather [hbm4b:s4+s20], $0x40, s9, s20, $0xb8;
	[tilespmem:$0x15220] =	vst v63  }
0x9b: {  	_ =	swait.ge [sflag:s26], $0x1400  }
0x9c: {  	[sflag:s26] =	ssyncset.done $0x0  }
.Ltmp1:
0x9d: {  	s9 =	sadd.s32 $0x280, s8;
	[sflag:s26] =	ssyncadd.s32 $0xFFFFEC00;
	(pc) =	sbr.rel @p0 .LBB2_4-.Ltmp1, $4  }
0x9e: {  	[tilespmem:s25], [sflag:$0x4] =	stream.indirect.gather [hbm4b:s4+s20], $0x40, s9, s20, $0xb8;
	[tilespmem:$0x15220] =	vst v63  }
0x9f: {  	_ =	swait.ge [sflag:s3], $0x1400  }
0xa0: {  	[sflag:s3] =	ssyncset.done $0x0  }
0xa1: {  	s8 =	sadd.s32 $0x2D0, s8;
	[sflag:s3] =	ssyncadd.s32 $0xFFFFEC00  }
0xa2: {  	[tilespmem:s28], [sflag:$0x5] =	stream.indirect.gather [hbm4b:s4+s20], $0x40, s8, s20, $0xb8;
	[tilespmem:$0x15220] =	vst v63  }
0xa3: {  	_ =	swait.ge [sflag:s29], $0x1400  }
0xa4: {  	[sflag:s29] =	ssyncset.done $0x0  }
0xa5: {  	s6 =	simm.s32 $0x4C90;
	[sflag:s29] =	ssyncadd.s32 $0xFFFFEC00  }
0xa6: {  	[spmem:s2] =	stream.indirect.scatter.add.bf16 [tilespmem:s19], [sflag:$0x6], $0x40, s6, s20, $0xb8;
	[tilespmem:$0x15220] =	vst v63  }
0xa7: {  	_ =	swait.ge [sflag:s30], $0x1400  }
0xa8: {  	[sflag:s30] =	ssyncset.done $0x0  }
0xa9: {  	s8 =	simm.s32 $0x4CE0;
	[sflag:s30] =	ssyncadd.s32 $0xFFFFEC00  }
0xaa: {  	[spmem:s2] =	stream.indirect.scatter.add.bf16 [tilespmem:s21], [sflag:$0x7], $0x40, s8, s20, $0xb8;
	[tilespmem:$0x15220] =	vst v63  }
0xab: {  	_ =	swait.ge [sflag:s31], $0x1400  }
0xac: {  	[sflag:s31] =	ssyncset.done $0x0  }
0xad: {  	s9 =	simm.s32 $0x4D30;
	[sflag:s31] =	ssyncadd.s32 $0xFFFFEC00  }
0xae: {  	[spmem:s2] =	stream.indirect.scatter.add.bf16 [tilespmem:s23], [sflag:$0x8], $0x40, s9, s20, $0xb8;
	[tilespmem:$0x15220] =	vst v63  }
0xaf: {  	_ =	swait.ge [sflag:s0], $0x1400  }
0xb0: {  	[sflag:s0] =	ssyncset.done $0x0  }
0xb1: {  	s8 =	simm.s32 $0x4D80;
	[sflag:s0] =	ssyncadd.s32 $0xFFFFEC00  }
0xb2: {  	[spmem:s2] =	stream.indirect.scatter.add.bf16 [tilespmem:s25], [sflag:$0x9], $0x40, s8, s20, $0xb8;
	[tilespmem:$0x15220] =	vst v63  }
0xb3: {  	_ =	swait.ge [sflag:s1], $0x1400  }
0xb4: {  	[sflag:s1] =	ssyncset.done $0x0  }
0xb5: {  	s9 =	simm.s32 $0x4DD0;
	[sflag:s1] =	ssyncadd.s32 $0xFFFFEC00  }
0xb6: {  	[spmem:s2] =	stream.indirect.scatter.add.bf16 [tilespmem:s28], [sflag:$0xA], $0x40, s9, s20, $0xb8;
	[tilespmem:$0x15220] =	vst v63  }
0xb7: {  	_ =	swait.ge [sflag:s18], $0x1400  }
0xb8: {  	[sflag:s18] =	ssyncset.done $0x0  }
0xb9: {  	[sflag:s18] =	ssyncadd.s32 $0xFFFFEC00  }
0xba: {  	_ =	swait.ge [sflag:s22], $0x1400  }
0xbb: {  	[sflag:s22] =	ssyncset.done $0x0  }
0xbc: {  	[sflag:s22] =	ssyncadd.s32 $0xFFFFEC00  }
0xbd: {  	_ =	swait.ge [sflag:s24], $0x1400  }
0xbe: {  	[sflag:s24] =	ssyncset.done $0x0  }
0xbf: {  	[sflag:s24] =	ssyncadd.s32 $0xFFFFEC00  }
0xc0: {  	_ =	swait.ge [sflag:s26], $0x1400  }
0xc1: {  	[sflag:s26] =	ssyncset.done $0x0  }
0xc2: {  	[sflag:s26] =	ssyncadd.s32 $0xFFFFEC00  }
0xc3: {  	s8 =	stileid.u32;
	_ =	swait.ge [sflag:s3], $0x1400  }
0xc4: {  	s5 =	sadd.s32 $0x1, s5;
	s6 =	sshll.u32 s8, $0x6;
	[sflag:s3] =	ssyncset.done $0x0  }
0xc5: {  	p0 =	sne.s32 s5, s16;
	s6 =	sor.u32 $0x1C0B, s6;
	[sflag:s3] =	ssyncadd.s32 $0xFFFFEC00  }
.Ltmp2:
0xc6: {  	s9 =	sshrl.u32 s7, $0x3;
	[bflag:$0x0] =	sbarrier.arrive $0xFFFF;
	(pc) =	sbr.rel @p0 .LBB2_1-.Ltmp2, $4  }
0xc7: {  	[hbm:s15], [sflag:s6] =	dma.local [spmem:s9], $0x1400  }
0xc8: {  	_ =	swait.ge [sflag:s17], $0x1400  }
0xc9: {  	[sflag:s17] =	ssyncset.done $0x0  }
0xca: {  	[sflag:s17] =	ssyncadd.s32 $0xFFFFEC00  }
0xcb: {  	_ =	sfence.sel $0x180000  }
0xcc: {  	[bflag:$0x0] =	sbarrier.arrive $0xFFFF  }
0xcd: {  	_ =	strace $0x9000004A  }
0xce: {  	s0 =	stileid.u32;
	[bflag:$0x2] =	sbarrier.arrive $0xFFFF  }
0xcf: {  	p0 =	sne.s32 s0, $0x0;
	s0 =	rddreg [dreg:$0x2]  }
0xd0: {  	s0 =	sadd.s32 @!p0 $0x100000, s0  }
0xd1: {  	[sflag:s0] =	ssyncadd.tile.s32 @!p0 $0x1;
	_ =	shalt  }
.Lfunc_end2:
_tile_overlayer_lowered:
.L_overlay_start_2:
0xd2: {  	(tag) =	ssettag $0x2  }
0xd3: {  	s0 =	rddreg [dreg:$0x0];
	s2 =	stileid.u32  }
0xd4: {  	s1 =	rddreg [dreg:$0x1];
	p0 =	sne.s32 s2, $0x0  }
0xd5: {  	s3 =	rddreg [dreg:$0x2];
	[bflag:$0x3] =	sbarrier.arrive $0xFFFF;
	s2 =	simm.s32 @!p0 $0x1C0B  }
0xd6: {  	[timem:s3], [sflag:s2] =	dma.local @!p0 [hbm:s0], s1  }
0xd7: {  	s0 =	simm.s32 @!p0 $0xB  }
0xd8: {  	_ =	swait.ge @!p0 [sflag:s0], s1  }
0xd9: {  	s1 =	ssub.s32 @!p0 $0x0, s1;
	[sflag:s0] =	ssyncset.done @!p0 $0x0  }
0xda: {  	[sflag:s0] =	ssyncadd.s32 @!p0 s1  }
0xdb: {  	[bflag:$0x3] =	sbarrier.arrive $0xFFFF  }
0xdc: {  	_ =	shalt  }

// kernel: kernel.14.cloned.1.call-start
scs
__scs_entry_jumppad:
0x0: {  	(pc) =	sbr.rel $0x88, $3  }
0x1: {  	(tag) =	ssettag $0x0;
	lr =	simm.s32 $0x1  }
0x2: {  	[smem:$0x3F9B] =	sst lr;
	_ =	strace $0xD0000000  }
0x3: {  	_ = 	snop  }
0x4: {  	_ = 	snop  }
0x5: {  	_ = 	snop  }
0x6: {  	_ = 	snop  }
0x7: {  	_ = 	snop  }
__scs_overlays_trampoline_lowered:
0x8: {  	[smem:$0x3FAA] =	sst s0  }
0x9: {  	[smem:$0x3FAB] =	sst s1  }
0xa: {  	[smem:$0x3FAC] =	sst s2  }
0xb: {  	[smem:$0x3FAD] =	sst s3  }
0xc: {  	[smem:$0x3FAE] =	sst s4  }
0xd: {  	[smem:$0x3FAF] =	sst s5  }
0xe: {  	[smem:$0x3FB0] =	sst s6  }
0xf: {  	[smem:$0x3FB1] =	sst s7  }
0x10: {  	[smem:$0x3FB2] =	sst s8  }
0x11: {  	[smem:$0x3FB3] =	sst s9;
	s0 =	simm.s32 @!p0 $0x0  }
0x12: {  	s1 =	sld [smem:$0x3F99];
	s0 =	simm.s32 @p0 $0x1  }
0x13: {  	[smem:$0x3FB4] =	sst s0;
	s0 =	simm.s32 @!p1 $0x0  }
0x14: {  	s2 =	sld [smem:$0x3F98];
	s0 =	simm.s32 @p1 $0x1  }
0x15: {  	[smem:$0x3FB5] =	sst s0;
	s0 =	simm.s32 @!p2 $0x0  }
0x16: {  	s3 =	sld [smem:$0x3FDB];
	s0 =	simm.s32 @p2 $0x1  }
0x17: {  	s4 =	simm.s32 $0x1BF5;
	[smem:$0x3FB7] =	sst s0  }
0x18: {  	s0 =	sld [smem:$0x3F9A];
	_ =	swait.ge [sflag:s4], $0x0  }
0x19: {  	s7 =	sld [smem:$0x3F9B]  }
0x1a: {  	s8 =	sadd.s32 $0xFFFFE003, lr  }
0x1b: {  	s9 =	sadd.s32 $0xFFFFFEF7, lr;
	s5 =	simm.s32 $0xFFFFFFFF;
	p2 =	slt.u32 s8, $0xFFFFF086  }
0x1c: {  	p1 =	slt.u32 s9, $0xF7A;
	s5 =	simm.s32 @!p2 $0x0  }
0x1d: {  	s5 =	simm.s32 @p1 $0x1;
	p0 =	seq.s32 s7, s2  }
0x1e: {  	s7 =	smul.u32 @!p0 $0xF7A, s2;
	p2 =	seq.s32 @!p0 s5, $0x0  }
0x1f: {  	s9 =	smul.u32 $0xF7A, s1;
	s8 =	simm.s32 @!p0 $0x1BF5;
	p2 =	por !p2, p0  }
0x20: {  	[sflag:s8] =	ssyncset.s32 @!p0 $0xFFFFF086;
	s6 =	sadd.s32 @!p0 s3, s7;
	s7 =	simm.s32 @!p0 $0x108  }
0x21: {  	s3 =	sadd.s32 s3, s9;
	s6 =	sadd.s32 @!p0 $0x88, s6;
	s7 =	simm.s32 @p2 $0x1082  }
0x22: {  	[simem:s7], [sflag:s8] =	dma.local @!p0 [hbm:s6], $0xF7A  }
0x23: {  	s9 =	sor.u32 $0xD0000000, s2;
	s6 =	simm.s32 $0x108;
	_ =	swait.ge @!p0 [sflag:s8], $0x0  }
0x24: {  	s3 =	sadd.s32 $0x88, s3;
	s6 =	simm.s32 @!p1 $0x1082;
	[sflag:s4] =	ssyncset.s32 $0xFFFFF086  }
0x25: {  	[simem:s6], [sflag:s4] =	dma.local [hbm:s3], $0xF7A  }
0x26: {  	[smem:$0x3F9B] =	sst s1;
	(tag) =	ssettag s2;
	_ =	strace s9  }
0x27: {  	s1 =	sld [smem:$0x3FAB]  }
0x28: {  	s2 =	sld [smem:$0x3FAC]  }
0x29: {  	s4 =	sld [smem:$0x3FAE]  }
0x2a: {  	p0 =	seq.s32 s5, $0x0;
	s5 =	sld [smem:$0x3FAF]  }
0x2b: {  	s6 =	sld [smem:$0x3FB0]  }
0x2c: {  	s7 =	sld [smem:$0x3FB1]  }
0x2d: {  	s3 =	simm.s32 $0x108;
	s8 =	sld [smem:$0x3FB2]  }
0x2e: {  	s3 =	simm.s32 @!p0 $0x1082;
	s9 =	sld [smem:$0x3FB3]  }
0x2f: {  	lr =	sadd.s32 s0, s3;
	s0 =	sld [smem:$0x3FAA]  }
0x30: {  	s3 =	sld [smem:$0x3FAD]  }
0x31: {  	[smem:$0x3FB6] =	sst s10  }
0x32: {  	s10 =	sld [smem:$0x3FB4];
	_ =	sdelay $0x3  }
0x33: {  	p0 =	seq.s32 s10, $0x1;
	s10 =	sld [smem:$0x3FB6];
	_ =	sdelay $0x3  }
0x34: {  	[smem:$0x3FB6] =	sst s10  }
0x35: {  	s10 =	sld [smem:$0x3FB5];
	_ =	sdelay $0x3  }
0x36: {  	p1 =	seq.s32 s10, $0x1;
	s10 =	sld [smem:$0x3FB6];
	_ =	sdelay $0x3  }
0x37: {  	[smem:$0x3FB6] =	sst s10  }
0x38: {  	s10 =	sld [smem:$0x3FB7]  }
0x39: {  	_ = 	snop;
	(pc) =	sbr.ind lr, $3  }
0x3a: {  	_ = 	snop  }
0x3b: {  	_ = 	snop  }
0x3c: {  	p2 =	seq.s32 s10, $0x1;
	s10 =	sld [smem:$0x3FB6]  }
0x3d: {  	_ =	shalt  }
0x3e: {  	_ =	shalt  }
0x3f: {  	_ =	shalt  }
0x40: {  	_ =	shalt  }
0x41: {  	_ =	shalt  }
0x42: {  	_ =	shalt  }
0x43: {  	_ =	shalt  }
0x44: {  	_ =	shalt  }
0x45: {  	_ =	shalt  }
0x46: {  	_ =	shalt  }
0x47: {  	_ =	shalt  }
0x48: {  	_ =	shalt  }
0x49: {  	_ =	shalt  }
0x4a: {  	_ =	shalt  }
0x4b: {  	_ =	shalt  }
0x4c: {  	_ =	shalt  }
0x4d: {  	_ =	shalt  }
0x4e: {  	_ =	shalt  }
0x4f: {  	_ =	shalt  }
0x50: {  	_ =	shalt  }
0x51: {  	_ =	shalt  }
0x52: {  	_ =	shalt  }
0x53: {  	_ =	shalt  }
0x54: {  	_ =	shalt  }
0x55: {  	_ =	shalt  }
0x56: {  	_ =	shalt  }
0x57: {  	_ =	shalt  }
0x58: {  	_ =	shalt  }
0x59: {  	_ =	shalt  }
0x5a: {  	_ =	shalt  }
0x5b: {  	_ =	shalt  }
0x5c: {  	_ =	shalt  }
0x5d: {  	_ =	shalt  }
0x5e: {  	_ =	shalt  }
0x5f: {  	_ =	shalt  }
0x60: {  	_ =	shalt  }
0x61: {  	_ =	shalt  }
0x62: {  	_ =	shalt  }
0x63: {  	_ =	shalt  }
0x64: {  	_ =	shalt  }
0x65: {  	_ =	shalt  }
0x66: {  	_ =	shalt  }
0x67: {  	_ =	shalt  }
0x68: {  	_ =	shalt  }
0x69: {  	_ =	shalt  }
0x6a: {  	_ =	shalt  }
0x6b: {  	_ =	shalt  }
0x6c: {  	_ =	shalt  }
0x6d: {  	_ =	shalt  }
0x6e: {  	_ =	shalt  }
0x6f: {  	_ =	shalt  }
0x70: {  	_ =	shalt  }
0x71: {  	_ =	shalt  }
0x72: {  	_ =	shalt  }
0x73: {  	_ =	shalt  }
0x74: {  	_ =	shalt  }
0x75: {  	_ =	shalt  }
0x76: {  	_ =	shalt  }
0x77: {  	_ =	shalt  }
0x78: {  	_ =	shalt  }
0x79: {  	_ =	shalt  }
0x7a: {  	_ =	shalt  }
0x7b: {  	_ =	shalt  }
0x7c: {  	_ =	shalt  }
0x7d: {  	_ =	shalt  }
0x7e: {  	_ =	shalt  }
0x7f: {  	_ =	shalt  }
0x80: {  	_ =	shalt  }
0x81: {  	_ =	shalt  }
0x82: {  	_ =	shalt  }
0x83: {  	_ =	shalt  }
0x84: {  	_ =	shalt  }
0x85: {  	_ =	shalt  }
0x86: {  	_ =	shalt  }
0x87: {  	_ =	shalt  }
.Lfunc_end0:
.L_simem_size_0:
called_computation.2_lowered:
.L_overlay_start_0:
0x88: {  	s2 =	sld [smem:$0x3FD9]  }
0x89: {  	s3 =	sld [smem:$0x3FFE];
	_ =	sdelay $0x1  }
0x8a: {  	s1 =	srdreg.scid  }
0x8b: {  	s0 =	sand.u32 $0x1, s1  }
0x8c: {  	s16 =	sshll.u32 s0, $0xA;
	s2 =	sadd.s32 s3, s2  }
0x8d: {  	s2 =	sadd.s32 s2, s16  }
0x8e: {  	[smem:$0x3FC2] =	sst s2  }
0x8f: {  	_ = 	snop  }
0x90: {  	(tm) =	ssettm $0x1  }
0x91: {  	s17 =	sld [smem:$0x3FFB];
	_ =	sdelay $0x3  }
0x92: {  	_ =	strace s17  }
0x93: {  	s2 =	sld [smem:$0x3FFC];
	_ =	sdelay $0x3  }
0x94: {  	_ =	strace s2  }
0x95: {  	s2 =	sld [smem:$0x3FFD];
	_ =	sdelay $0x3  }
0x96: {  	_ =	strace s2  }
0x97: {  	_ =	strace $0x8FFFFFFF  }
0x98: {  	s18 =	sld [smem:$0x3FDB];
	_ =	sdelay $0x1  }
0x99: {  	s19 =	simm.s32 $_scs_section_size  }
0x9a: {  	s4 =	simm.s32 $_size__tile_overlayer_lowered;
	s5 =	simm.s32 $_tile_overlayer_lowered  }
0x9b: {  	s22 =	simm.s32 $0x1BFF;
	s21 =	sshll.u32 s5, $0x1;
	s2 =	sadd.s32 s19, s18  }
0x9c: {  	s6 =	simm.s32 $0x0;
	s20 =	sshll.u32 s4, $0x1;
	s4 =	sadd.s32 s21, s2  }
0x9d: {  	[timem:s6], [sflag:s22] =	dma.local [hbm:s4], s20  }
0x9e: {  	_ =	swait.ge [sflag:s22], s20  }
0x9f: {  	s3 =	ssub.s32 $0x0, s20;
	[sflag:s22] =	ssyncset.done $0x0  }
0xa0: {  	[sflag:s22] =	ssyncadd.s32 s3;
	_ =	sdelay $0x1  }
0xa1: {  	s23 =	simm.s32 $0x1B8B  }
0xa2: {  	_ =	swait.ge [sflag:s23], $0x1  }
0xa3: {  	[sflag:s23] =	ssyncset.done $0x0  }
0xa4: {  	s25 =	simm.s32 $0x1B8E;
	s24 =	sld [smem:$0x3FFE];
	[sflag:s23] =	ssyncadd.s32 $0xFFFFFFFF  }
0xa5: {  	s26 =	simm.s32 $execute0_lowered;
	[smem:$0x3FD2] =	sst s25  }
0xa6: {  	s4 =	sshll.u32 s26, $0x1;
	_ =	strace $0x8000004C;
	[dreg:$0x1] =	wrdreg $0xFFFFFFFF  }
0xa7: {  	s28 =	simm.s32 $_size_execute0_lowered;
	s2 =	sadd.s32 s2, s4;
	[dreg:$0x0] =	wrdreg $0x0  }
0xa8: {  	s4 =	sshll.u32 s28, $0x1;
	[dreg:$0x2] =	wrdreg s2  }
0xa9: {  	[dreg:$0x3] =	wrdreg s4  }
0xaa: {  	[dreg:$0x4] =	wrdreg $0xC0  }
0xab: {  	_ =	task [dreg:s6], $0x5FFFF  }
0xac: {  	[dreg:$0x1] =	wrdreg $0xFFFFFFFF  }
0xad: {  	[dreg:$0x0] =	wrdreg $0x60  }
0xae: {  	[dreg:$0x2] =	wrdreg s24  }
0xaf: {  	[dreg:$0x3] =	wrdreg $0xB2200  }
0xb0: {  	[dreg:$0x4] =	wrdreg $0x9  }
0xb1: {  	_ =	task.clear_ibuf [dreg:s6], $0x5FFFF;
	_ =	strace $0x9000004C  }
0xb2: {  	s29 =	simm.s32 $0x9;
	_ =	strace $0x8000004E  }
0xb3: {  	_ =	swait.ge [sflag:s29], $0x1  }
0xb4: {  	[sflag:s29] =	ssyncadd.s32 $0xFFFFFFFF  }
0xb5: {  	_ =	strace $0x9000004E  }
0xb6: {  	_ =	sfence  }
0xb7: {  	s30 =	sld [smem:$0x0];
	_ =	sdelay $0x2  }
0xb8: {  	s31 =	sshll.u32 s1, $0xD;
	s1 =	sshrl.u32 s1, $0x2  }
0xb9: {  	s3 =	sand.u32 $0x4000, s31;
	s1 =	sadd.s32 s1, s30  }
0xba: {  	s0 =	sor.u32 s3, s0;
	s1 =	sshll.u32 s1, $0x11  }
0xbb: {  	s0 =	sor.u32 s1, s0  }
0xbc: {  	s0 =	sadd.s32 $0x8F2B, s0  }
0xbd: {  	[sflag:s0] =	ssyncadd.remote.s32 $0x1  }
0xbe: {  	_ =	sfence.sel $0xFFFF  }
0xbf: {  	[dreg:$0x0] =	wrdreg $0xFFFFFFFF;
	(pc) =	sbr.abs _section_cstart, $3  }
0xc0: {  	[dreg:$0x1] =	wrdreg $0xFFFFFFFF  }
0xc1: {  	_ =	task.clear_ibuf [dreg:s6], $0x2FFFF;
	_ =	strace $0x9FFFFFFF  }
0xc2: {  	(tm) =	ssettm $0x7FFFFFFF  }
0xc3: {  	_ =	shalt  }
tec
execute0_lowered:
.L_overlay_start_1:
0x0: {  	(tag) =	ssettag $0x1  }
0x1: {  	s0 =	rddreg [dreg:$0x0]  }
0x2: {  	s2 =	rddreg [dreg:$0x1]  }
0x3: {  	s1 =	srdreg.scid;
	s7 =	stileid.u32  }
0x4: {  	s4 =	simm.s32 $0x0;
	s17 =	simm.s32 $0xB;
	s19 =	simm.s32 $0x4E20  }
0x5: {  	s20 =	simm.s32 $0x50;
	s28 =	simm.s32 $0x9E20;
	s29 =	simm.s32 $0x1  }
0x6: {  	s30 =	simm.s32 $0x2;
	s31 =	simm.s32 $0x3;
	s18 =	simm.s32 $0x5  }
0x7: {  	s1 =	sand.u32 $0x1, s1;
	s3 =	smul.u32 $0xA000, s7;
	[smem:$0x7FF] =	sst s4  }
0x8: {  	s4 =	sadd.s32 $0x15000, s0;
	s21 =	sshll.u32 s1, $0x4;
	s5 =	smul.u32 $0xA0000, s1  }
0x9: {  	_ =	strace $0x8000004D;
	s1 =	ssub.s32 $0x2, s1;
	s6 =	sor.u32 s7, s21  }
0xa: {  	s7 =	smul.u32 $0x28000, s7;
	s22 =	sshrl.u32 s1, $0x1;
	s21 =	simm.s32 $0x6220  }
0xb: {  	s6 =	smul.u32 $0x4E2, s6;
	s5 =	sadd.s32 s3, s5;
	s1 =	ssub.s32 s1, s22  }
0xc: {  	s22 =	simm.s32 $0x7;
	s5 =	sshrl.u32 s5, $0x3;
	s24 =	sshrl.u32 s7, $0x2  }
0xd: {  	s7 =	sadd.s32 s3, s2;
	s16 =	smax.u32 s1, $0x1;
	s1 =	simm.s32 $0x6  }
0xe: {  	s3 =	simm.s32 $0xA;
	s6 =	sadd.s32 s6, s0;
	s0 =	sadd.s32 s5, s0  }
0xf: {  	s25 =	sadd.s32 s24, s2;
	s24 =	simm.s32 $0x8;
	s23 =	sadd.s32 $0xB200, s6  }
0x10: {  	s6 =	sadd.s32 $0x1400, s6;
	s5 =	sadd.s32 $0x1400, s25;
	s26 =	sadd.s32 $0x2800, s25  }
0x11: {  	s10 =	sadd.s32 $0x3C00, s25;
	s11 =	sadd.s32 $0x5000, s25;
	[dreg:$0x3] =	wrdreg s23  }
0x12: {  	s12 =	sadd.s32 $0x6400, s25;
	s13 =	sadd.s32 $0x7800, s25;
	[dreg:$0x4] =	wrdreg s6  }
0x13: {  	s14 =	sadd.s32 $0x8C00, s25;
	s15 =	sadd.s32 $0x29000, s0;
	[dreg:$0x5] =	wrdreg s5  }
0x14: {  	s25 =	simm.s32 $0x8A20;
	s0 =	simm.s32 $0x4;
	[dreg:$0x6] =	wrdreg s26  }
0x15: {  	v0 =	vimm.f32 $0.0e+00;
	s23 =	simm.s32 $0x7620;
	s26 =	simm.s32 $0x9;
	s5 =	simm.s32 $0x0  }
.LBB2_1:
0x16: {  	s6 =	simm.s32 $0x0;
	s8 =	rddreg [dreg:$0x3]  }
0x17: {  	[tilespmem:s6], [sflag:$0xB] =	stream.linear.gather [hbm4b:s8+s6], $0x2710, $0x38;
	[tilespmem:$0x15220] =	vst v63  }
0x18: {  	_ =	swait.ge [sflag:s17], $0x2710  }
0x19: {  	[sflag:s17] =	ssyncset.done $0x0  }
0x1a: {  	s9 =	simm.s32 $0x2710;
	s8 =	rddreg [dreg:$0x4];
	[sflag:s17] =	ssyncadd.s32 $0xFFFFD8F0  }
0x1b: {  	[tilespmem:s9], [sflag:$0xB] =	stream.linear.gather [hbm4b:s8+s6], $0x2710, $0x38;
	[tilespmem:$0x15220] =	vst v63  }
0x1c: {  	_ =	swait.ge [sflag:s17], $0x2710  }
0x1d: {  	[sflag:s17] =	ssyncset.done $0x0  }
0x1e: {  	s8 =	simm.s32 $0x100;
	s6 =	simm.s32 $0x0;
	[sflag:s17] =	ssyncadd.s32 $0xFFFFD8F0  }
.LBB2_2:
0x1f: {  	p0 =	sne.s32 s8, $0x4F00;
	[tilespmem:s6+$0x4E50] =	vst v0;
	s9 =	smov.u32 s8;
	s8 =	sadd.s32 $0x100, s8  }
.Ltmp0:
0x20: {  	[tilespmem:s6+$0x4E40] =	vst v0;
	(pc) =	sbr.rel @p0 .LBB2_2-.Ltmp0, $3  }
0x21: {  	[tilespmem:s6+$0x4E20] =	vst v0  }
0x22: {  	[tilespmem:s6+$0x4E30] =	vst v0;
	_ =	sdelay $0x1  }
0x23: {  	s6 =	sshra.s32 s9, $0x2  }
0x24: {  	[tilespmem:s6+$0x4E50] =	vst v0  }
0x25: {  	[tilespmem:s6+$0x4E40] =	vst v0  }
0x26: {  	[tilespmem:s6+$0x4E20] =	vst v0  }
0x27: {  	[tilespmem:s6+$0x4E30] =	vst v0  }
0x28: {  	[spmem:s7] =	stream.linear.scatter [tilespmem:s19], [sflag:$0xB], $0x1400, $0x38;
	[tilespmem:$0x15220] =	vst v63  }
0x29: {  	_ =	swait.ge [sflag:s17], $0x1400  }
0x2a: {  	[sflag:s17] =	ssyncset.done $0x0  }
0x2b: {  	s9 =	rddreg [dreg:$0x5];
	[sflag:s17] =	ssyncadd.s32 $0xFFFFEC00  }
0x2c: {  	[spmem:s9] =	stream.linear.scatter [tilespmem:s19], [sflag:$0xB], $0x1400, $0x38;
	[tilespmem:$0x15220] =	vst v63  }
0x2d: {  	_ =	swait.ge [sflag:s17], $0x1400  }
0x2e: {  	[sflag:s17] =	ssyncset.done $0x0  }
0x2f: {  	s8 =	rddreg [dreg:$0x6];
	[sflag:s17] =	ssyncadd.s32 $0xFFFFEC00  }
0x30: {  	[spmem:s8] =	stream.linear.scatter [tilespmem:s19], [sflag:$0xB], $0x1400, $0x38;
	[tilespmem:$0x15220] =	vst v63  }
0x31: {  	_ =	swait.ge [sflag:s17], $0x1400  }
0x32: {  	[sflag:s17] =	ssyncset.done $0x0  }
0x33: {  	[sflag:s17] =	ssyncadd.s32 $0xFFFFEC00  }
0x34: {  	[spmem:s10] =	stream.linear.scatter [tilespmem:s19], [sflag:$0xB], $0x1400, $0x38;
	[tilespmem:$0x15220] =	vst v63  }
0x35: {  	_ =	swait.ge [sflag:s17], $0x1400  }
0x36: {  	[sflag:s17] =	ssyncset.done $0x0  }
0x37: {  	[sflag:s17] =	ssyncadd.s32 $0xFFFFEC00  }
0x38: {  	[spmem:s11] =	stream.linear.scatter [tilespmem:s19], [sflag:$0xB], $0x1400, $0x38;
	[tilespmem:$0x15220] =	vst v63  }
0x39: {  	_ =	swait.ge [sflag:s17], $0x1400  }
0x3a: {  	[sflag:s17] =	ssyncset.done $0x0  }
0x3b: {  	[sflag:s17] =	ssyncadd.s32 $0xFFFFEC00  }
0x3c: {  	[spmem:s12] =	stream.linear.scatter [tilespmem:s19], [sflag:$0xB], $0x1400, $0x38;
	[tilespmem:$0x15220] =	vst v63  }
0x3d: {  	_ =	swait.ge [sflag:s17], $0x1400  }
0x3e: {  	[sflag:s17] =	ssyncset.done $0x0  }
0x3f: {  	[sflag:s17] =	ssyncadd.s32 $0xFFFFEC00  }
0x40: {  	[spmem:s13] =	stream.linear.scatter [tilespmem:s19], [sflag:$0xB], $0x1400, $0x38;
	[tilespmem:$0x15220] =	vst v63  }
0x41: {  	_ =	swait.ge [sflag:s17], $0x1400  }
0x42: {  	[sflag:s17] =	ssyncset.done $0x0  }
0x43: {  	[sflag:s17] =	ssyncadd.s32 $0xFFFFEC00  }
0x44: {  	[spmem:s14] =	stream.linear.scatter [tilespmem:s19], [sflag:$0xB], $0x1400, $0x38;
	[tilespmem:$0x15220] =	vst v63  }
0x45: {  	_ =	swait.ge [sflag:s17], $0x1400  }
0x46: {  	[sflag:s17] =	ssyncset.done $0x0  }
0x47: {  	[sflag:s17] =	ssyncadd.s32 $0xFFFFEC00  }
0x48: {  	s9 =	simm.s32 $0x0;
	[bflag:$0x0] =	sbarrier.arrive $0xFFFF  }
0x49: {  	[tilespmem:s19], [sflag:$0x1] =	stream.indirect.gather [hbm4b:s4+s20], $0x40, s9, s20, $0xb8;
	[tilespmem:$0x15220] =	vst v63  }
0x4a: {  	_ = 	snop  }
0x4b: {  	[tilespmem:s21], [sflag:$0x2] =	stream.indirect.gather [hbm4b:s4+s20], $0x40, s20, s20, $0xb8;
	[tilespmem:$0x15220] =	vst v63  }
0x4c: {  	s8 =	simm.s32 $0xA0  }
0x4d: {  	[tilespmem:s23], [sflag:$0x3] =	stream.indirect.gather [hbm4b:s4+s20], $0x40, s8, s20, $0xb8;
	[tilespmem:$0x15220] =	vst v63  }
0x4e: {  	s9 =	simm.s32 $0xF0  }
0x4f: {  	[tilespmem:s25], [sflag:$0x4] =	stream.indirect.gather [hbm4b:s4+s20], $0x40, s9, s20, $0xb8;
	[tilespmem:$0x15220] =	vst v63  }
0x50: {  	s8 =	simm.s32 $0x140  }
0x51: {  	[tilespmem:s28], [sflag:$0x5] =	stream.indirect.gather [hbm4b:s4+s20], $0x40, s8, s20, $0xb8;
	[tilespmem:$0x15220] =	vst v63  }
0x52: {  	_ =	swait.ge [sflag:s29], $0x1400  }
0x53: {  	[sflag:s29] =	ssyncset.done $0x0  }
0x54: {  	s9 =	simm.s32 $0x2710;
	[sflag:s29] =	ssyncadd.s32 $0xFFFFEC00  }
0x55: {  	[spmem:s2] =	stream.indirect.scatter.add.f32 [tilespmem:s19], [sflag:$0x6], $0x40, s9, s20, $0xb8;
	[tilespmem:$0x15220] =	vst v63  }
0x56: {  	_ =	swait.ge [sflag:s30], $0x1400  }
0x57: {  	[sflag:s30] =	ssyncset.done $0x0  }
0x58: {  	s8 =	simm.s32 $0x2760;
	[sflag:s30] =	ssyncadd.s32 $0xFFFFEC00  }
0x59: {  	[spmem:s2] =	stream.indirect.scatter.add.f32 [tilespmem:s21], [sflag:$0x7], $0x40, s8, s20, $0xb8;
	[tilespmem:$0x15220] =	vst v63  }
0x5a: {  	_ =	swait.ge [sflag:s31], $0x1400  }
0x5b: {  	[sflag:s31] =	ssyncset.done $0x0  }
0x5c: {  	s9 =	simm.s32 $0x27B0;
	[sflag:s31] =	ssyncadd.s32 $0xFFFFEC00  }
0x5d: {  	[spmem:s2] =	stream.indirect.scatter.add.f32 [tilespmem:s23], [sflag:$0x8], $0x40, s9, s20, $0xb8;
	[tilespmem:$0x15220] =	vst v63  }
0x5e: {  	_ =	swait.ge [sflag:s0], $0x1400  }
0x5f: {  	[sflag:s0] =	ssyncset.done $0x0  }
0x60: {  	s8 =	simm.s32 $0x2800;
	[sflag:s0] =	ssyncadd.s32 $0xFFFFEC00  }
0x61: {  	[spmem:s2] =	stream.indirect.scatter.add.f32 [tilespmem:s25], [sflag:$0x9], $0x40, s8, s20, $0xb8;
	[tilespmem:$0x15220] =	vst v63  }
0x62: {  	_ =	swait.ge [sflag:s18], $0x1400  }
0x63: {  	[sflag:s18] =	ssyncset.done $0x0  }
0x64: {  	s9 =	simm.s32 $0x2850;
	[sflag:s18] =	ssyncadd.s32 $0xFFFFEC00  }
0x65: {  	[spmem:s2] =	stream.indirect.scatter.add.f32 [tilespmem:s28], [sflag:$0xA], $0x40, s9, s20, $0xb8;
	[tilespmem:$0x15220] =	vst v63  }
0x66: {  	_ =	swait.ge [sflag:s1], $0x1400  }
0x67: {  	[sflag:s1] =	ssyncset.done $0x0  }
0x68: {  	s8 =	simm.s32 $0x190;
	[sflag:s1] =	ssyncadd.s32 $0xFFFFEC00  }
0x69: {  	[tilespmem:s19], [sflag:$0x1] =	stream.indirect.gather [hbm4b:s4+s20], $0x40, s8, s20, $0xb8;
	[tilespmem:$0x15220] =	vst v63  }
0x6a: {  	_ =	swait.ge [sflag:s22], $0x1400  }
0x6b: {  	[sflag:s22] =	ssyncset.done $0x0  }
0x6c: {  	s9 =	simm.s32 $0x1E0;
	[sflag:s22] =	ssyncadd.s32 $0xFFFFEC00  }
0x6d: {  	[tilespmem:s21], [sflag:$0x2] =	stream.indirect.gather [hbm4b:s4+s20], $0x40, s9, s20, $0xb8;
	[tilespmem:$0x15220] =	vst v63  }
0x6e: {  	_ =	swait.ge [sflag:s24], $0x1400  }
0x6f: {  	[sflag:s24] =	ssyncset.done $0x0  }
0x70: {  	s8 =	simm.s32 $0x230;
	[sflag:s24] =	ssyncadd.s32 $0xFFFFEC00  }
0x71: {  	[tilespmem:s23], [sflag:$0x3] =	stream.indirect.gather [hbm4b:s4+s20], $0x40, s8, s20, $0xb8;
	[tilespmem:$0x15220] =	vst v63  }
0x72: {  	_ =	swait.ge [sflag:s26], $0x1400  }
0x73: {  	[sflag:s26] =	ssyncset.done $0x0  }
0x74: {  	s9 =	simm.s32 $0x280;
	[sflag:s26] =	ssyncadd.s32 $0xFFFFEC00  }
0x75: {  	[tilespmem:s25], [sflag:$0x4] =	stream.indirect.gather [hbm4b:s4+s20], $0x40, s9, s20, $0xb8;
	[tilespmem:$0x15220] =	vst v63  }
0x76: {  	_ =	swait.ge [sflag:s3], $0x1400  }
0x77: {  	[sflag:s3] =	ssyncset.done $0x0  }
0x78: {  	s6 =	simm.s32 $0x640;
	s8 =	simm.s32 $0x2D0;
	[sflag:s3] =	ssyncadd.s32 $0xFFFFEC00  }
.LBB2_4:
0x79: {  	[tilespmem:s28], [sflag:$0x5] =	stream.indirect.gather [hbm4b:s4+s20], $0x40, s8, s20, $0xb8;
	[tilespmem:$0x15220] =	vst v63  }
0x7a: {  	s8 =	smov.u32 s6  }
0x7b: {  	p0 =	sne.s32 s6, $0x8FC0;
	s6 =	sadd.s32 $0x640, s6;
	_ =	swait.ge [sflag:s29], $0x1400  }
0x7c: {  	s8 =	sshra.s32 s8, $0x2;
	[sflag:s29] =	ssyncset.done $0x0  }
0x7d: {  	s9 =	sadd.s32 $0x2710, s8;
	[sflag:s29] =	ssyncadd.s32 $0xFFFFEC00  }
0x7e: {  	[spmem:s2] =	stream.indirect.scatter.add.f32 [tilespmem:s19], [sflag:$0x6], $0x40, s9, s20, $0xb8;
	[tilespmem:$0x15220] =	vst v63  }
0x7f: {  	_ =	swait.ge [sflag:s30], $0x1400  }
0x80: {  	[sflag:s30] =	ssyncset.done $0x0  }
0x81: {  	s9 =	sadd.s32 $0x2760, s8;
	[sflag:s30] =	ssyncadd.s32 $0xFFFFEC00  }
0x82: {  	[spmem:s2] =	stream.indirect.scatter.add.f32 [tilespmem:s21], [sflag:$0x7], $0x40, s9, s20, $0xb8;
	[tilespmem:$0x15220] =	vst v63  }
0x83: {  	_ =	swait.ge [sflag:s31], $0x1400  }
0x84: {  	[sflag:s31] =	ssyncset.done $0x0  }
0x85: {  	s9 =	sadd.s32 $0x27B0, s8;
	[sflag:s31] =	ssyncadd.s32 $0xFFFFEC00  }
0x86: {  	[spmem:s2] =	stream.indirect.scatter.add.f32 [tilespmem:s23], [sflag:$0x8], $0x40, s9, s20, $0xb8;
	[tilespmem:$0x15220] =	vst v63  }
0x87: {  	_ =	swait.ge [sflag:s0], $0x1400  }
0x88: {  	[sflag:s0] =	ssyncset.done $0x0  }
0x89: {  	s9 =	sadd.s32 $0x2800, s8;
	[sflag:s0] =	ssyncadd.s32 $0xFFFFEC00  }
0x8a: {  	[spmem:s2] =	stream.indirect.scatter.add.f32 [tilespmem:s25], [sflag:$0x9], $0x40, s9, s20, $0xb8;
	[tilespmem:$0x15220] =	vst v63  }
0x8b: {  	_ =	swait.ge [sflag:s18], $0x1400  }
0x8c: {  	[sflag:s18] =	ssyncset.done $0x0  }
0x8d: {  	s9 =	sadd.s32 $0x2850, s8;
	[sflag:s18] =	ssyncadd.s32 $0xFFFFEC00  }
0x8e: {  	[spmem:s2] =	stream.indirect.scatter.add.f32 [tilespmem:s28], [sflag:$0xA], $0x40, s9, s20, $0xb8;
	[tilespmem:$0x15220] =	vst v63  }
0x8f: {  	_ =	swait.ge [sflag:s1], $0x1400  }
0x90: {  	[sflag:s1] =	ssyncset.done $0x0  }
0x91: {  	s9 =	sadd.s32 $0x190, s8;
	[sflag:s1] =	ssyncadd.s32 $0xFFFFEC00  }
0x92: {  	[tilespmem:s19], [sflag:$0x1] =	stream.indirect.gather [hbm4b:s4+s20], $0x40, s9, s20, $0xb8;
	[tilespmem:$0x15220] =	vst v63  }
0x93: {  	_ =	swait.ge [sflag:s22], $0x1400  }
0x94: {  	[sflag:s22] =	ssyncset.done $0x0  }
0x95: {  	s9 =	sadd.s32 $0x1E0, s8;
	[sflag:s22] =	ssyncadd.s32 $0xFFFFEC00  }
0x96: {  	[tilespmem:s21], [sflag:$0x2] =	stream.indirect.gather [hbm4b:s4+s20], $0x40, s9, s20, $0xb8;
	[tilespmem:$0x15220] =	vst v63  }
0x97: {  	_ =	swait.ge [sflag:s24], $0x1400  }
0x98: {  	[sflag:s24] =	ssyncset.done $0x0  }
0x99: {  	s9 =	sadd.s32 $0x230, s8;
	[sflag:s24] =	ssyncadd.s32 $0xFFFFEC00  }
0x9a: {  	[tilespmem:s23], [sflag:$0x3] =	stream.indirect.gather [hbm4b:s4+s20], $0x40, s9, s20, $0xb8;
	[tilespmem:$0x15220] =	vst v63  }
0x9b: {  	_ =	swait.ge [sflag:s26], $0x1400  }
0x9c: {  	[sflag:s26] =	ssyncset.done $0x0  }
.Ltmp1:
0x9d: {  	s9 =	sadd.s32 $0x280, s8;
	[sflag:s26] =	ssyncadd.s32 $0xFFFFEC00;
	(pc) =	sbr.rel @p0 .LBB2_4-.Ltmp1, $4  }
0x9e: {  	[tilespmem:s25], [sflag:$0x4] =	stream.indirect.gather [hbm4b:s4+s20], $0x40, s9, s20, $0xb8;
	[tilespmem:$0x15220] =	vst v63  }
0x9f: {  	_ =	swait.ge [sflag:s3], $0x1400  }
0xa0: {  	[sflag:s3] =	ssyncset.done $0x0  }
0xa1: {  	s8 =	sadd.s32 $0x2D0, s8;
	[sflag:s3] =	ssyncadd.s32 $0xFFFFEC00  }
0xa2: {  	[tilespmem:s28], [sflag:$0x5] =	stream.indirect.gather [hbm4b:s4+s20], $0x40, s8, s20, $0xb8;
	[tilespmem:$0x15220] =	vst v63  }
0xa3: {  	_ =	swait.ge [sflag:s29], $0x1400  }
0xa4: {  	[sflag:s29] =	ssyncset.done $0x0  }
0xa5: {  	s6 =	simm.s32 $0x4C90;
	[sflag:s29] =	ssyncadd.s32 $0xFFFFEC00  }
0xa6: {  	[spmem:s2] =	stream.indirect.scatter.add.f32 [tilespmem:s19], [sflag:$0x6], $0x40, s6, s20, $0xb8;
	[tilespmem:$0x15220] =	vst v63  }
0xa7: {  	_ =	swait.ge [sflag:s30], $0x1400  }
0xa8: {  	[sflag:s30] =	ssyncset.done $0x0  }
0xa9: {  	s8 =	simm.s32 $0x4CE0;
	[sflag:s30] =	ssyncadd.s32 $0xFFFFEC00  }
0xaa: {  	[spmem:s2] =	stream.indirect.scatter.add.f32 [tilespmem:s21], [sflag:$0x7], $0x40, s8, s20, $0xb8;
	[tilespmem:$0x15220] =	vst v63  }
0xab: {  	_ =	swait.ge [sflag:s31], $0x1400  }
0xac: {  	[sflag:s31] =	ssyncset.done $0x0  }
0xad: {  	s9 =	simm.s32 $0x4D30;
	[sflag:s31] =	ssyncadd.s32 $0xFFFFEC00  }
0xae: {  	[spmem:s2] =	stream.indirect.scatter.add.f32 [tilespmem:s23], [sflag:$0x8], $0x40, s9, s20, $0xb8;
	[tilespmem:$0x15220] =	vst v63  }
0xaf: {  	_ =	swait.ge [sflag:s0], $0x1400  }
0xb0: {  	[sflag:s0] =	ssyncset.done $0x0  }
0xb1: {  	s8 =	simm.s32 $0x4D80;
	[sflag:s0] =	ssyncadd.s32 $0xFFFFEC00  }
0xb2: {  	[spmem:s2] =	stream.indirect.scatter.add.f32 [tilespmem:s25], [sflag:$0x9], $0x40, s8, s20, $0xb8;
	[tilespmem:$0x15220] =	vst v63  }
0xb3: {  	_ =	swait.ge [sflag:s18], $0x1400  }
0xb4: {  	[sflag:s18] =	ssyncset.done $0x0  }
0xb5: {  	s9 =	simm.s32 $0x4DD0;
	[sflag:s18] =	ssyncadd.s32 $0xFFFFEC00  }
0xb6: {  	[spmem:s2] =	stream.indirect.scatter.add.f32 [tilespmem:s28], [sflag:$0xA], $0x40, s9, s20, $0xb8;
	[tilespmem:$0x15220] =	vst v63  }
0xb7: {  	_ =	swait.ge [sflag:s1], $0x1400  }
0xb8: {  	[sflag:s1] =	ssyncset.done $0x0  }
0xb9: {  	[sflag:s1] =	ssyncadd.s32 $0xFFFFEC00  }
0xba: {  	_ =	swait.ge [sflag:s22], $0x1400  }
0xbb: {  	[sflag:s22] =	ssyncset.done $0x0  }
0xbc: {  	[sflag:s22] =	ssyncadd.s32 $0xFFFFEC00  }
0xbd: {  	_ =	swait.ge [sflag:s24], $0x1400  }
0xbe: {  	[sflag:s24] =	ssyncset.done $0x0  }
0xbf: {  	[sflag:s24] =	ssyncadd.s32 $0xFFFFEC00  }
0xc0: {  	_ =	swait.ge [sflag:s26], $0x1400  }
0xc1: {  	[sflag:s26] =	ssyncset.done $0x0  }
0xc2: {  	[sflag:s26] =	ssyncadd.s32 $0xFFFFEC00  }
0xc3: {  	s8 =	stileid.u32;
	_ =	swait.ge [sflag:s3], $0x1400  }
0xc4: {  	s5 =	sadd.s32 $0x1, s5;
	s6 =	sshll.u32 s8, $0x6;
	[sflag:s3] =	ssyncset.done $0x0  }
0xc5: {  	p0 =	sne.s32 s5, s16;
	s6 =	sor.u32 $0x1C0B, s6;
	[sflag:s3] =	ssyncadd.s32 $0xFFFFEC00  }
.Ltmp2:
0xc6: {  	s9 =	sshrl.u32 s7, $0x3;
	[bflag:$0x0] =	sbarrier.arrive $0xFFFF;
	(pc) =	sbr.rel @p0 .LBB2_1-.Ltmp2, $4  }
0xc7: {  	[hbm:s15], [sflag:s6] =	dma.local [spmem:s9], $0x1400  }
0xc8: {  	_ =	swait.ge [sflag:s17], $0x1400  }
0xc9: {  	[sflag:s17] =	ssyncset.done $0x0  }
0xca: {  	[sflag:s17] =	ssyncadd.s32 $0xFFFFEC00  }
0xcb: {  	_ =	sfence.sel $0x180000  }
0xcc: {  	[bflag:$0x0] =	sbarrier.arrive $0xFFFF  }
0xcd: {  	_ =	strace $0x9000004D  }
0xce: {  	s0 =	stileid.u32;
	[bflag:$0x2] =	sbarrier.arrive $0xFFFF  }
0xcf: {  	p0 =	sne.s32 s0, $0x0;
	s0 =	rddreg [dreg:$0x2]  }
0xd0: {  	s0 =	sadd.s32 @!p0 $0x100000, s0  }
0xd1: {  	[sflag:s0] =	ssyncadd.tile.s32 @!p0 $0x1;
	_ =	shalt  }
.Lfunc_end2:
_tile_overlayer_lowered:
.L_overlay_start_2:
0xd2: {  	(tag) =	ssettag $0x2  }
0xd3: {  	s0 =	rddreg [dreg:$0x0];
	s2 =	stileid.u32  }
0xd4: {  	s1 =	rddreg [dreg:$0x1];
	p0 =	sne.s32 s2, $0x0  }
0xd5: {  	s3 =	rddreg [dreg:$0x2];
	[bflag:$0x3] =	sbarrier.arrive $0xFFFF;
	s2 =	simm.s32 @!p0 $0x1C0B  }
0xd6: {  	[timem:s3], [sflag:s2] =	dma.local @!p0 [hbm:s0], s1  }
0xd7: {  	s0 =	simm.s32 @!p0 $0xB  }
0xd8: {  	_ =	swait.ge @!p0 [sflag:s0], s1  }
0xd9: {  	s1 =	ssub.s32 @!p0 $0x0, s1;
	[sflag:s0] =	ssyncset.done @!p0 $0x0  }
0xda: {  	[sflag:s0] =	ssyncadd.s32 @!p0 s1  }
0xdb: {  	[bflag:$0x3] =	sbarrier.arrive $0xFFFF  }
0xdc: {  	_ =	shalt  }

// kernel: kernel.8.cloned.1.call-start
scs
__scs_entry_jumppad:
0x0: {  	(pc) =	sbr.rel $0x88, $3  }
0x1: {  	(tag) =	ssettag $0x0;
	lr =	simm.s32 $0x1  }
0x2: {  	[smem:$0x3F9B] =	sst lr;
	_ =	strace $0xD0000000  }
0x3: {  	_ = 	snop  }
0x4: {  	_ = 	snop  }
0x5: {  	_ = 	snop  }
0x6: {  	_ = 	snop  }
0x7: {  	_ = 	snop  }
__scs_overlays_trampoline_lowered:
0x8: {  	[smem:$0x3FAA] =	sst s0  }
0x9: {  	[smem:$0x3FAB] =	sst s1  }
0xa: {  	[smem:$0x3FAC] =	sst s2  }
0xb: {  	[smem:$0x3FAD] =	sst s3  }
0xc: {  	[smem:$0x3FAE] =	sst s4  }
0xd: {  	[smem:$0x3FAF] =	sst s5  }
0xe: {  	[smem:$0x3FB0] =	sst s6  }
0xf: {  	[smem:$0x3FB1] =	sst s7  }
0x10: {  	[smem:$0x3FB2] =	sst s8  }
0x11: {  	[smem:$0x3FB3] =	sst s9;
	s0 =	simm.s32 @!p0 $0x0  }
0x12: {  	s1 =	sld [smem:$0x3F99];
	s0 =	simm.s32 @p0 $0x1  }
0x13: {  	[smem:$0x3FB4] =	sst s0;
	s0 =	simm.s32 @!p1 $0x0  }
0x14: {  	s2 =	sld [smem:$0x3F98];
	s0 =	simm.s32 @p1 $0x1  }
0x15: {  	[smem:$0x3FB5] =	sst s0;
	s0 =	simm.s32 @!p2 $0x0  }
0x16: {  	s3 =	sld [smem:$0x3FDB];
	s0 =	simm.s32 @p2 $0x1  }
0x17: {  	s4 =	simm.s32 $0x1BF5;
	[smem:$0x3FB7] =	sst s0  }
0x18: {  	s0 =	sld [smem:$0x3F9A];
	_ =	swait.ge [sflag:s4], $0x0  }
0x19: {  	s7 =	sld [smem:$0x3F9B]  }
0x1a: {  	s8 =	sadd.s32 $0xFFFFE003, lr  }
0x1b: {  	s9 =	sadd.s32 $0xFFFFFEF7, lr;
	s5 =	simm.s32 $0xFFFFFFFF;
	p2 =	slt.u32 s8, $0xFFFFF086  }
0x1c: {  	p1 =	slt.u32 s9, $0xF7A;
	s5 =	simm.s32 @!p2 $0x0  }
0x1d: {  	s5 =	simm.s32 @p1 $0x1;
	p0 =	seq.s32 s7, s2  }
0x1e: {  	s7 =	smul.u32 @!p0 $0xF7A, s2;
	p2 =	seq.s32 @!p0 s5, $0x0  }
0x1f: {  	s9 =	smul.u32 $0xF7A, s1;
	s8 =	simm.s32 @!p0 $0x1BF5;
	p2 =	por !p2, p0  }
0x20: {  	[sflag:s8] =	ssyncset.s32 @!p0 $0xFFFFF086;
	s6 =	sadd.s32 @!p0 s3, s7;
	s7 =	simm.s32 @!p0 $0x108  }
0x21: {  	s3 =	sadd.s32 s3, s9;
	s6 =	sadd.s32 @!p0 $0x88, s6;
	s7 =	simm.s32 @p2 $0x1082  }
0x22: {  	[simem:s7], [sflag:s8] =	dma.local @!p0 [hbm:s6], $0xF7A  }
0x23: {  	s9 =	sor.u32 $0xD0000000, s2;
	s6 =	simm.s32 $0x108;
	_ =	swait.ge @!p0 [sflag:s8], $0x0  }
0x24: {  	s3 =	sadd.s32 $0x88, s3;
	s6 =	simm.s32 @!p1 $0x1082;
	[sflag:s4] =	ssyncset.s32 $0xFFFFF086  }
0x25: {  	[simem:s6], [sflag:s4] =	dma.local [hbm:s3], $0xF7A  }
0x26: {  	[smem:$0x3F9B] =	sst s1;
	(tag) =	ssettag s2;
	_ =	strace s9  }
0x27: {  	s1 =	sld [smem:$0x3FAB]  }
0x28: {  	s2 =	sld [smem:$0x3FAC]  }
0x29: {  	s4 =	sld [smem:$0x3FAE]  }
0x2a: {  	p0 =	seq.s32 s5, $0x0;
	s5 =	sld [smem:$0x3FAF]  }
0x2b: {  	s6 =	sld [smem:$0x3FB0]  }
0x2c: {  	s7 =	sld [smem:$0x3FB1]  }
0x2d: {  	s3 =	simm.s32 $0x108;
	s8 =	sld [smem:$0x3FB2]  }
0x2e: {  	s3 =	simm.s32 @!p0 $0x1082;
	s9 =	sld [smem:$0x3FB3]  }
0x2f: {  	lr =	sadd.s32 s0, s3;
	s0 =	sld [smem:$0x3FAA]  }
0x30: {  	s3 =	sld [smem:$0x3FAD]  }
0x31: {  	[smem:$0x3FB6] =	sst s10  }
0x32: {  	s10 =	sld [smem:$0x3FB4];
	_ =	sdelay $0x3  }
0x33: {  	p0 =	seq.s32 s10, $0x1;
	s10 =	sld [smem:$0x3FB6];
	_ =	sdelay $0x3  }
0x34: {  	[smem:$0x3FB6] =	sst s10  }
0x35: {  	s10 =	sld [smem:$0x3FB5];
	_ =	sdelay $0x3  }
0x36: {  	p1 =	seq.s32 s10, $0x1;
	s10 =	sld [smem:$0x3FB6];
	_ =	sdelay $0x3  }
0x37: {  	[smem:$0x3FB6] =	sst s10  }
0x38: {  	s10 =	sld [smem:$0x3FB7]  }
0x39: {  	_ = 	snop;
	(pc) =	sbr.ind lr, $3  }
0x3a: {  	_ = 	snop  }
0x3b: {  	_ = 	snop  }
0x3c: {  	p2 =	seq.s32 s10, $0x1;
	s10 =	sld [smem:$0x3FB6]  }
0x3d: {  	_ =	shalt  }
0x3e: {  	_ =	shalt  }
0x3f: {  	_ =	shalt  }
0x40: {  	_ =	shalt  }
0x41: {  	_ =	shalt  }
0x42: {  	_ =	shalt  }
0x43: {  	_ =	shalt  }
0x44: {  	_ =	shalt  }
0x45: {  	_ =	shalt  }
0x46: {  	_ =	shalt  }
0x47: {  	_ =	shalt  }
0x48: {  	_ =	shalt  }
0x49: {  	_ =	shalt  }
0x4a: {  	_ =	shalt  }
0x4b: {  	_ =	shalt  }
0x4c: {  	_ =	shalt  }
0x4d: {  	_ =	shalt  }
0x4e: {  	_ =	shalt  }
0x4f: {  	_ =	shalt  }
0x50: {  	_ =	shalt  }
0x51: {  	_ =	shalt  }
0x52: {  	_ =	shalt  }
0x53: {  	_ =	shalt  }
0x54: {  	_ =	shalt  }
0x55: {  	_ =	shalt  }
0x56: {  	_ =	shalt  }
0x57: {  	_ =	shalt  }
0x58: {  	_ =	shalt  }
0x59: {  	_ =	shalt  }
0x5a: {  	_ =	shalt  }
0x5b: {  	_ =	shalt  }
0x5c: {  	_ =	shalt  }
0x5d: {  	_ =	shalt  }
0x5e: {  	_ =	shalt  }
0x5f: {  	_ =	shalt  }
0x60: {  	_ =	shalt  }
0x61: {  	_ =	shalt  }
0x62: {  	_ =	shalt  }
0x63: {  	_ =	shalt  }
0x64: {  	_ =	shalt  }
0x65: {  	_ =	shalt  }
0x66: {  	_ =	shalt  }
0x67: {  	_ =	shalt  }
0x68: {  	_ =	shalt  }
0x69: {  	_ =	shalt  }
0x6a: {  	_ =	shalt  }
0x6b: {  	_ =	shalt  }
0x6c: {  	_ =	shalt  }
0x6d: {  	_ =	shalt  }
0x6e: {  	_ =	shalt  }
0x6f: {  	_ =	shalt  }
0x70: {  	_ =	shalt  }
0x71: {  	_ =	shalt  }
0x72: {  	_ =	shalt  }
0x73: {  	_ =	shalt  }
0x74: {  	_ =	shalt  }
0x75: {  	_ =	shalt  }
0x76: {  	_ =	shalt  }
0x77: {  	_ =	shalt  }
0x78: {  	_ =	shalt  }
0x79: {  	_ =	shalt  }
0x7a: {  	_ =	shalt  }
0x7b: {  	_ =	shalt  }
0x7c: {  	_ =	shalt  }
0x7d: {  	_ =	shalt  }
0x7e: {  	_ =	shalt  }
0x7f: {  	_ =	shalt  }
0x80: {  	_ =	shalt  }
0x81: {  	_ =	shalt  }
0x82: {  	_ =	shalt  }
0x83: {  	_ =	shalt  }
0x84: {  	_ =	shalt  }
0x85: {  	_ =	shalt  }
0x86: {  	_ =	shalt  }
0x87: {  	_ =	shalt  }
.Lfunc_end0:
.L_simem_size_0:
called_computation_lowered:
.L_overlay_start_0:
0x88: {  	s2 =	sld [smem:$0x3FD9]  }
0x89: {  	s3 =	sld [smem:$0x3FFE];
	_ =	sdelay $0x1  }
0x8a: {  	s1 =	srdreg.scid  }
0x8b: {  	s0 =	sand.u32 $0x1, s1  }
0x8c: {  	s17 =	sshll.u32 s0, $0xA;
	s2 =	sadd.s32 s3, s2  }
0x8d: {  	s2 =	sadd.s32 s2, s17  }
0x8e: {  	[smem:$0x3FC2] =	sst s2  }
0x8f: {  	_ = 	snop  }
0x90: {  	s2 =	sld [smem:$0x3FD0];
	(tm) =	ssettm $0x1  }
0x91: {  	s18 =	sld [smem:$0x3FFB];
	_ =	sdelay $0x3  }
0x92: {  	_ =	strace s18  }
0x93: {  	s3 =	sld [smem:$0x3FFC];
	_ =	sdelay $0x3  }
0x94: {  	_ =	strace s3  }
0x95: {  	s3 =	sld [smem:$0x3FFD];
	_ =	sdelay $0x3  }
0x96: {  	_ =	strace s3  }
0x97: {  	_ =	strace $0x8FFFFFFF  }
0x98: {  	s19 =	sld [smem:$0x3FDB];
	_ =	sdelay $0x1  }
0x99: {  	s4 =	simm.s32 $_scs_section_size  }
0x9a: {  	s5 =	simm.s32 $_size__tile_overlayer_lowered;
	s6 =	simm.s32 $_tile_overlayer_lowered  }
0x9b: {  	s22 =	simm.s32 $0x1BFF;
	s21 =	sshll.u32 s6, $0x1;
	s3 =	sadd.s32 s4, s19  }
0x9c: {  	s7 =	simm.s32 $0x0;
	s20 =	sshll.u32 s5, $0x1;
	s5 =	sadd.s32 s21, s3  }
0x9d: {  	[timem:s7], [sflag:s22] =	dma.local [hbm:s5], s20  }
0x9e: {  	_ =	swait.ge [sflag:s22], s20  }
0x9f: {  	s4 =	ssub.s32 $0x0, s20;
	[sflag:s22] =	ssyncset.done $0x0  }
0xa0: {  	[sflag:s22] =	ssyncadd.s32 s4;
	_ =	sdelay $0x1  }
0xa1: {  	s23 =	simm.s32 $0x1B8B  }
0xa2: {  	_ =	swait.ge [sflag:s23], $0x1  }
0xa3: {  	[sflag:s23] =	ssyncset.done $0x0  }
0xa4: {  	s25 =	simm.s32 $0x1B8E;
	s24 =	sld [smem:$0x3FFE];
	[sflag:s23] =	ssyncadd.s32 $0xFFFFFFFF  }
0xa5: {  	s26 =	simm.s32 $execute0_lowered;
	[smem:$0x3FD2] =	sst s25  }
0xa6: {  	s5 =	sshll.u32 s26, $0x1;
	_ =	strace $0x80000046;
	[dreg:$0x1] =	wrdreg $0xFFFFFFFF  }
0xa7: {  	s28 =	simm.s32 $_size_execute0_lowered;
	s3 =	sadd.s32 s3, s5;
	[dreg:$0x0] =	wrdreg $0x0  }
0xa8: {  	s5 =	sshll.u32 s28, $0x1;
	[dreg:$0x2] =	wrdreg s3  }
0xa9: {  	[dreg:$0x3] =	wrdreg s5  }
0xaa: {  	[dreg:$0x4] =	wrdreg $0xC0  }
0xab: {  	_ =	task [dreg:s7], $0x5FFFF  }
0xac: {  	[dreg:$0x1] =	wrdreg $0xFFFFFFFF  }
0xad: {  	[dreg:$0x0] =	wrdreg $0x60  }
0xae: {  	[dreg:$0x2] =	wrdreg s2  }
0xaf: {  	[dreg:$0x3] =	wrdreg s24  }
0xb0: {  	[dreg:$0x4] =	wrdreg $0xB2200  }
0xb1: {  	[dreg:$0x5] =	wrdreg $0x9  }
0xb2: {  	_ =	task.clear_ibuf [dreg:s7], $0x6FFFF;
	_ =	strace $0x90000046  }
0xb3: {  	s29 =	simm.s32 $0x9;
	_ =	strace $0x80000048  }
0xb4: {  	_ =	swait.ge [sflag:s29], $0x1  }
0xb5: {  	[sflag:s29] =	ssyncadd.s32 $0xFFFFFFFF  }
0xb6: {  	_ =	strace $0x90000048  }
0xb7: {  	_ =	sfence  }
0xb8: {  	s30 =	sld [smem:$0x0];
	_ =	sdelay $0x2  }
0xb9: {  	s31 =	sshll.u32 s1, $0xD;
	s1 =	sshrl.u32 s1, $0x2  }
0xba: {  	s3 =	sand.u32 $0x4000, s31;
	s1 =	sadd.s32 s1, s30  }
0xbb: {  	s0 =	sor.u32 s3, s0;
	s1 =	sshll.u32 s1, $0x11  }
0xbc: {  	s0 =	sor.u32 s1, s0  }
0xbd: {  	s0 =	sadd.s32 $0x8F2B, s0  }
0xbe: {  	[sflag:s0] =	ssyncadd.remote.s32 $0x1  }
0xbf: {  	_ =	sfence.sel $0xFFFF  }
0xc0: {  	[dreg:$0x0] =	wrdreg $0xFFFFFFFF;
	(pc) =	sbr.abs _section_cstart, $3  }
0xc1: {  	[dreg:$0x1] =	wrdreg $0xFFFFFFFF  }
0xc2: {  	_ =	task.clear_ibuf [dreg:s7], $0x2FFFF;
	_ =	strace $0x9FFFFFFF  }
0xc3: {  	(tm) =	ssettm $0x7FFFFFFF  }
tec
execute0_lowered:
.L_overlay_start_1:
0x0: {  	(tag) =	ssettag $0x1  }
0x1: {  	s1 =	rddreg [dreg:$0x0]  }
0x2: {  	s0 =	rddreg [dreg:$0x1]  }
0x3: {  	s3 =	rddreg [dreg:$0x2]  }
0x4: {  	s2 =	srdreg.scid;
	s8 =	stileid.u32  }
0x5: {  	s5 =	simm.s32 $0x0;
	s17 =	simm.s32 $0xB;
	s19 =	simm.s32 $0x4E20  }
0x6: {  	s20 =	simm.s32 $0x50;
	s28 =	simm.s32 $0x9E20;
	s29 =	simm.s32 $0x1  }
0x7: {  	s30 =	simm.s32 $0x2;
	s31 =	simm.s32 $0x3;
	s18 =	simm.s32 $0x5  }
0x8: {  	s2 =	sand.u32 $0x1, s2;
	s4 =	smul.u32 $0x14000, s8;
	[smem:$0x7FF] =	sst s5  }
0x9: {  	s21 =	sshll.u32 s2, $0x4;
	s6 =	smul.u32 $0x140000, s2;
	_ =	strace $0x80000047  }
0xa: {  	s2 =	ssub.s32 $0x2, s2;
	s5 =	sor.u32 s8, s21;
	s8 =	smul.u32 $0x28000, s8  }
0xb: {  	s7 =	sshrl.u32 s2, $0x1;
	s21 =	simm.s32 $0x6220;
	s5 =	smul.u32 $0x4E2, s5  }
0xc: {  	s6 =	sadd.s32 s4, s6;
	s2 =	ssub.s32 s2, s7;
	s4 =	sshrl.u32 s4, $0x1  }
0xd: {  	s6 =	sshrl.u32 s6, $0x4;
	s23 =	sshrl.u32 s8, $0x2;
	s7 =	sadd.s32 s4, s3  }
0xe: {  	s16 =	smax.u32 s2, $0x1;
	s2 =	simm.s32 $0x6;
	s4 =	simm.s32 $0xA  }
0xf: {  	s5 =	sadd.s32 s5, s0;
	s0 =	sadd.s32 s6, s0;
	s24 =	sadd.s32 s23, s3  }
0x10: {  	s23 =	simm.s32 $0x7620;
	s22 =	sadd.s32 $0xB200, s5;
	s5 =	sadd.s32 $0x1400, s5  }
0x11: {  	s25 =	sadd.s32 $0x1400, s24;
	s26 =	sadd.s32 $0x2800, s24;
	s10 =	sadd.s32 $0x3C00, s24  }
0x12: {  	s11 =	sadd.s32 $0x5000, s24;
	s12 =	sadd.s32 $0x6400, s24;
	[dreg:$0x4] =	wrdreg s22  }
0x13: {  	s13 =	sadd.s32 $0x7800, s24;
	s14 =	sadd.s32 $0x8C00, s24;
	[dreg:$0x5] =	wrdreg s5  }
0x14: {  	s15 =	sadd.s32 $0x15000, s0;
	s0 =	simm.s32 $0x4;
	[dreg:$0x6] =	wrdreg s25  }
0x15: {  	s24 =	simm.s32 $0x8;
	[dreg:$0x7] =	wrdreg s26;
	s25 =	simm.s32 $0x8A20  }
0x16: {  	v0 =	vimm.bf16 $0.0e+00;
	s22 =	simm.s32 $0x7;
	s26 =	simm.s32 $0x9;
	s5 =	simm.s32 $0x0  }
.LBB2_1:
0x17: {  	s6 =	simm.s32 $0x0;
	s8 =	rddreg [dreg:$0x4]  }
0x18: {  	[tilespmem:s6], [sflag:$0xB] =	stream.linear.gather [hbm4b:s8+s6], $0x2710, $0x38;
	[tilespmem:$0x15220] =	vst v63  }
0x19: {  	_ =	swait.ge [sflag:s17], $0x2710  }
0x1a: {  	[sflag:s17] =	ssyncset.done $0x0  }
0x1b: {  	s9 =	simm.s32 $0x2710;
	s8 =	rddreg [dreg:$0x5];
	[sflag:s17] =	ssyncadd.s32 $0xFFFFD8F0  }
0x1c: {  	[tilespmem:s9], [sflag:$0xB] =	stream.linear.gather [hbm4b:s8+s6], $0x2710, $0x38;
	[tilespmem:$0x15220] =	vst v63  }
0x1d: {  	_ =	swait.ge [sflag:s17], $0x2710  }
0x1e: {  	[sflag:s17] =	ssyncset.done $0x0  }
0x1f: {  	s8 =	simm.s32 $0x100;
	s6 =	simm.s32 $0x0;
	[sflag:s17] =	ssyncadd.s32 $0xFFFFD8F0  }
.LBB2_2:
0x20: {  	p0 =	sne.s32 s8, $0x4F00;
	[tilespmem:s6+$0x4E50] =	vst v0;
	s9 =	smov.u32 s8;
	s8 =	sadd.s32 $0x100, s8  }
.Ltmp0:
0x21: {  	[tilespmem:s6+$0x4E40] =	vst v0;
	(pc) =	sbr.rel @p0 .LBB2_2-.Ltmp0, $3  }
0x22: {  	[tilespmem:s6+$0x4E20] =	vst v0  }
0x23: {  	[tilespmem:s6+$0x4E30] =	vst v0;
	_ =	sdelay $0x1  }
0x24: {  	s6 =	sshra.s32 s9, $0x2  }
0x25: {  	[tilespmem:s6+$0x4E50] =	vst v0  }
0x26: {  	[tilespmem:s6+$0x4E40] =	vst v0  }
0x27: {  	[tilespmem:s6+$0x4E20] =	vst v0  }
0x28: {  	[tilespmem:s6+$0x4E30] =	vst v0  }
0x29: {  	[spmem:s7] =	stream.linear.scatter [tilespmem:s19], [sflag:$0xB], $0x1400, $0x38;
	[tilespmem:$0x15220] =	vst v63  }
0x2a: {  	_ =	swait.ge [sflag:s17], $0x1400  }
0x2b: {  	[sflag:s17] =	ssyncset.done $0x0  }
0x2c: {  	s9 =	rddreg [dreg:$0x6];
	[sflag:s17] =	ssyncadd.s32 $0xFFFFEC00  }
0x2d: {  	[spmem:s9] =	stream.linear.scatter [tilespmem:s19], [sflag:$0xB], $0x1400, $0x38;
	[tilespmem:$0x15220] =	vst v63  }
0x2e: {  	_ =	swait.ge [sflag:s17], $0x1400  }
0x2f: {  	[sflag:s17] =	ssyncset.done $0x0  }
0x30: {  	s8 =	rddreg [dreg:$0x7];
	[sflag:s17] =	ssyncadd.s32 $0xFFFFEC00  }
0x31: {  	[spmem:s8] =	stream.linear.scatter [tilespmem:s19], [sflag:$0xB], $0x1400, $0x38;
	[tilespmem:$0x15220] =	vst v63  }
0x32: {  	_ =	swait.ge [sflag:s17], $0x1400  }
0x33: {  	[sflag:s17] =	ssyncset.done $0x0  }
0x34: {  	[sflag:s17] =	ssyncadd.s32 $0xFFFFEC00  }
0x35: {  	[spmem:s10] =	stream.linear.scatter [tilespmem:s19], [sflag:$0xB], $0x1400, $0x38;
	[tilespmem:$0x15220] =	vst v63  }
0x36: {  	_ =	swait.ge [sflag:s17], $0x1400  }
0x37: {  	[sflag:s17] =	ssyncset.done $0x0  }
0x38: {  	[sflag:s17] =	ssyncadd.s32 $0xFFFFEC00  }
0x39: {  	[spmem:s11] =	stream.linear.scatter [tilespmem:s19], [sflag:$0xB], $0x1400, $0x38;
	[tilespmem:$0x15220] =	vst v63  }
0x3a: {  	_ =	swait.ge [sflag:s17], $0x1400  }
0x3b: {  	[sflag:s17] =	ssyncset.done $0x0  }
0x3c: {  	[sflag:s17] =	ssyncadd.s32 $0xFFFFEC00  }
0x3d: {  	[spmem:s12] =	stream.linear.scatter [tilespmem:s19], [sflag:$0xB], $0x1400, $0x38;
	[tilespmem:$0x15220] =	vst v63  }
0x3e: {  	_ =	swait.ge [sflag:s17], $0x1400  }
0x3f: {  	[sflag:s17] =	ssyncset.done $0x0  }
0x40: {  	[sflag:s17] =	ssyncadd.s32 $0xFFFFEC00  }
0x41: {  	[spmem:s13] =	stream.linear.scatter [tilespmem:s19], [sflag:$0xB], $0x1400, $0x38;
	[tilespmem:$0x15220] =	vst v63  }
0x42: {  	_ =	swait.ge [sflag:s17], $0x1400  }
0x43: {  	[sflag:s17] =	ssyncset.done $0x0  }
0x44: {  	[sflag:s17] =	ssyncadd.s32 $0xFFFFEC00  }
0x45: {  	[spmem:s14] =	stream.linear.scatter [tilespmem:s19], [sflag:$0xB], $0x1400, $0x38;
	[tilespmem:$0x15220] =	vst v63  }
0x46: {  	_ =	swait.ge [sflag:s17], $0x1400  }
0x47: {  	[sflag:s17] =	ssyncset.done $0x0  }
0x48: {  	[sflag:s17] =	ssyncadd.s32 $0xFFFFEC00  }
0x49: {  	s9 =	simm.s32 $0x0;
	[bflag:$0x0] =	sbarrier.arrive $0xFFFF  }
0x4a: {  	[tilespmem:s19], [sflag:$0x1] =	stream.indirect.gather [hbm4b:s1+s20], $0x40, s9, s20, $0xb8;
	[tilespmem:$0x15220] =	vst v63  }
0x4b: {  	_ = 	snop  }
0x4c: {  	[tilespmem:s21], [sflag:$0x2] =	stream.indirect.gather [hbm4b:s1+s20], $0x40, s20, s20, $0xb8;
	[tilespmem:$0x15220] =	vst v63  }
0x4d: {  	s8 =	simm.s32 $0xA0  }
0x4e: {  	[tilespmem:s23], [sflag:$0x3] =	stream.indirect.gather [hbm4b:s1+s20], $0x40, s8, s20, $0xb8;
	[tilespmem:$0x15220] =	vst v63  }
0x4f: {  	s9 =	simm.s32 $0xF0  }
0x50: {  	[tilespmem:s25], [sflag:$0x4] =	stream.indirect.gather [hbm4b:s1+s20], $0x40, s9, s20, $0xb8;
	[tilespmem:$0x15220] =	vst v63  }
0x51: {  	s8 =	simm.s32 $0x140  }
0x52: {  	[tilespmem:s28], [sflag:$0x5] =	stream.indirect.gather [hbm4b:s1+s20], $0x40, s8, s20, $0xb8;
	[tilespmem:$0x15220] =	vst v63  }
0x53: {  	_ =	swait.ge [sflag:s29], $0x1400  }
0x54: {  	[sflag:s29] =	ssyncset.done $0x0  }
0x55: {  	s9 =	simm.s32 $0x2710;
	[sflag:s29] =	ssyncadd.s32 $0xFFFFEC00  }
0x56: {  	[spmem:s3] =	stream.indirect.scatter.add.bf16 [tilespmem:s19], [sflag:$0x6], $0x40, s9, s20, $0xb8;
	[tilespmem:$0x15220] =	vst v63  }
0x57: {  	_ =	swait.ge [sflag:s30], $0x1400  }
0x58: {  	[sflag:s30] =	ssyncset.done $0x0  }
0x59: {  	s8 =	simm.s32 $0x2760;
	[sflag:s30] =	ssyncadd.s32 $0xFFFFEC00  }
0x5a: {  	[spmem:s3] =	stream.indirect.scatter.add.bf16 [tilespmem:s21], [sflag:$0x7], $0x40, s8, s20, $0xb8;
	[tilespmem:$0x15220] =	vst v63  }
0x5b: {  	_ =	swait.ge [sflag:s31], $0x1400  }
0x5c: {  	[sflag:s31] =	ssyncset.done $0x0  }
0x5d: {  	s9 =	simm.s32 $0x27B0;
	[sflag:s31] =	ssyncadd.s32 $0xFFFFEC00  }
0x5e: {  	[spmem:s3] =	stream.indirect.scatter.add.bf16 [tilespmem:s23], [sflag:$0x8], $0x40, s9, s20, $0xb8;
	[tilespmem:$0x15220] =	vst v63  }
0x5f: {  	_ =	swait.ge [sflag:s0], $0x1400  }
0x60: {  	[sflag:s0] =	ssyncset.done $0x0  }
0x61: {  	s8 =	simm.s32 $0x2800;
	[sflag:s0] =	ssyncadd.s32 $0xFFFFEC00  }
0x62: {  	[spmem:s3] =	stream.indirect.scatter.add.bf16 [tilespmem:s25], [sflag:$0x9], $0x40, s8, s20, $0xb8;
	[tilespmem:$0x15220] =	vst v63  }
0x63: {  	_ =	swait.ge [sflag:s18], $0x1400  }
0x64: {  	[sflag:s18] =	ssyncset.done $0x0  }
0x65: {  	s9 =	simm.s32 $0x2850;
	[sflag:s18] =	ssyncadd.s32 $0xFFFFEC00  }
0x66: {  	[spmem:s3] =	stream.indirect.scatter.add.bf16 [tilespmem:s28], [sflag:$0xA], $0x40, s9, s20, $0xb8;
	[tilespmem:$0x15220] =	vst v63  }
0x67: {  	_ =	swait.ge [sflag:s2], $0x1400  }
0x68: {  	[sflag:s2] =	ssyncset.done $0x0  }
0x69: {  	s8 =	simm.s32 $0x190;
	[sflag:s2] =	ssyncadd.s32 $0xFFFFEC00  }
0x6a: {  	[tilespmem:s19], [sflag:$0x1] =	stream.indirect.gather [hbm4b:s1+s20], $0x40, s8, s20, $0xb8;
	[tilespmem:$0x15220] =	vst v63  }
0x6b: {  	_ =	swait.ge [sflag:s22], $0x1400  }
0x6c: {  	[sflag:s22] =	ssyncset.done $0x0  }
0x6d: {  	s9 =	simm.s32 $0x1E0;
	[sflag:s22] =	ssyncadd.s32 $0xFFFFEC00  }
0x6e: {  	[tilespmem:s21], [sflag:$0x2] =	stream.indirect.gather [hbm4b:s1+s20], $0x40, s9, s20, $0xb8;
	[tilespmem:$0x15220] =	vst v63  }
0x6f: {  	_ =	swait.ge [sflag:s24], $0x1400  }
0x70: {  	[sflag:s24] =	ssyncset.done $0x0  }
0x71: {  	s8 =	simm.s32 $0x230;
	[sflag:s24] =	ssyncadd.s32 $0xFFFFEC00  }
0x72: {  	[tilespmem:s23], [sflag:$0x3] =	stream.indirect.gather [hbm4b:s1+s20], $0x40, s8, s20, $0xb8;
	[tilespmem:$0x15220] =	vst v63  }
0x73: {  	_ =	swait.ge [sflag:s26], $0x1400  }
0x74: {  	[sflag:s26] =	ssyncset.done $0x0  }
0x75: {  	s9 =	simm.s32 $0x280;
	[sflag:s26] =	ssyncadd.s32 $0xFFFFEC00  }
0x76: {  	[tilespmem:s25], [sflag:$0x4] =	stream.indirect.gather [hbm4b:s1+s20], $0x40, s9, s20, $0xb8;
	[tilespmem:$0x15220] =	vst v63  }
0x77: {  	_ =	swait.ge [sflag:s4], $0x1400  }
0x78: {  	[sflag:s4] =	ssyncset.done $0x0  }
0x79: {  	s6 =	simm.s32 $0x640;
	s8 =	simm.s32 $0x2D0;
	[sflag:s4] =	ssyncadd.s32 $0xFFFFEC00  }
.LBB2_4:
0x7a: {  	[tilespmem:s28], [sflag:$0x5] =	stream.indirect.gather [hbm4b:s1+s20], $0x40, s8, s20, $0xb8;
	[tilespmem:$0x15220] =	vst v63  }
0x7b: {  	s8 =	smov.u32 s6  }
0x7c: {  	p0 =	sne.s32 s6, $0x8FC0;
	s6 =	sadd.s32 $0x640, s6;
	_ =	swait.ge [sflag:s29], $0x1400  }
0x7d: {  	s8 =	sshra.s32 s8, $0x2;
	[sflag:s29] =	ssyncset.done $0x0  }
0x7e: {  	s9 =	sadd.s32 $0x2710, s8;
	[sflag:s29] =	ssyncadd.s32 $0xFFFFEC00  }
0x7f: {  	[spmem:s3] =	stream.indirect.scatter.add.bf16 [tilespmem:s19], [sflag:$0x6], $0x40, s9, s20, $0xb8;
	[tilespmem:$0x15220] =	vst v63  }
0x80: {  	_ =	swait.ge [sflag:s30], $0x1400  }
0x81: {  	[sflag:s30] =	ssyncset.done $0x0  }
0x82: {  	s9 =	sadd.s32 $0x2760, s8;
	[sflag:s30] =	ssyncadd.s32 $0xFFFFEC00  }
0x83: {  	[spmem:s3] =	stream.indirect.scatter.add.bf16 [tilespmem:s21], [sflag:$0x7], $0x40, s9, s20, $0xb8;
	[tilespmem:$0x15220] =	vst v63  }
0x84: {  	_ =	swait.ge [sflag:s31], $0x1400  }
0x85: {  	[sflag:s31] =	ssyncset.done $0x0  }
0x86: {  	s9 =	sadd.s32 $0x27B0, s8;
	[sflag:s31] =	ssyncadd.s32 $0xFFFFEC00  }
0x87: {  	[spmem:s3] =	stream.indirect.scatter.add.bf16 [tilespmem:s23], [sflag:$0x8], $0x40, s9, s20, $0xb8;
	[tilespmem:$0x15220] =	vst v63  }
0x88: {  	_ =	swait.ge [sflag:s0], $0x1400  }
0x89: {  	[sflag:s0] =	ssyncset.done $0x0  }
0x8a: {  	s9 =	sadd.s32 $0x2800, s8;
	[sflag:s0] =	ssyncadd.s32 $0xFFFFEC00  }
0x8b: {  	[spmem:s3] =	stream.indirect.scatter.add.bf16 [tilespmem:s25], [sflag:$0x9], $0x40, s9, s20, $0xb8;
	[tilespmem:$0x15220] =	vst v63  }
0x8c: {  	_ =	swait.ge [sflag:s18], $0x1400  }
0x8d: {  	[sflag:s18] =	ssyncset.done $0x0  }
0x8e: {  	s9 =	sadd.s32 $0x2850, s8;
	[sflag:s18] =	ssyncadd.s32 $0xFFFFEC00  }
0x8f: {  	[spmem:s3] =	stream.indirect.scatter.add.bf16 [tilespmem:s28], [sflag:$0xA], $0x40, s9, s20, $0xb8;
	[tilespmem:$0x15220] =	vst v63  }
0x90: {  	_ =	swait.ge [sflag:s2], $0x1400  }
0x91: {  	[sflag:s2] =	ssyncset.done $0x0  }
0x92: {  	s9 =	sadd.s32 $0x190, s8;
	[sflag:s2] =	ssyncadd.s32 $0xFFFFEC00  }
0x93: {  	[tilespmem:s19], [sflag:$0x1] =	stream.indirect.gather [hbm4b:s1+s20], $0x40, s9, s20, $0xb8;
	[tilespmem:$0x15220] =	vst v63  }
0x94: {  	_ =	swait.ge [sflag:s22], $0x1400  }
0x95: {  	[sflag:s22] =	ssyncset.done $0x0  }
0x96: {  	s9 =	sadd.s32 $0x1E0, s8;
	[sflag:s22] =	ssyncadd.s32 $0xFFFFEC00  }
0x97: {  	[tilespmem:s21], [sflag:$0x2] =	stream.indirect.gather [hbm4b:s1+s20], $0x40, s9, s20, $0xb8;
	[tilespmem:$0x15220] =	vst v63  }
0x98: {  	_ =	swait.ge [sflag:s24], $0x1400  }
0x99: {  	[sflag:s24] =	ssyncset.done $0x0  }
0x9a: {  	s9 =	sadd.s32 $0x230, s8;
	[sflag:s24] =	ssyncadd.s32 $0xFFFFEC00  }
0x9b: {  	[tilespmem:s23], [sflag:$0x3] =	stream.indirect.gather [hbm4b:s1+s20], $0x40, s9, s20, $0xb8;
	[tilespmem:$0x15220] =	vst v63  }
0x9c: {  	_ =	swait.ge [sflag:s26], $0x1400  }
0x9d: {  	[sflag:s26] =	ssyncset.done $0x0  }
.Ltmp1:
0x9e: {  	s9 =	sadd.s32 $0x280, s8;
	[sflag:s26] =	ssyncadd.s32 $0xFFFFEC00;
	(pc) =	sbr.rel @p0 .LBB2_4-.Ltmp1, $4  }
0x9f: {  	[tilespmem:s25], [sflag:$0x4] =	stream.indirect.gather [hbm4b:s1+s20], $0x40, s9, s20, $0xb8;
	[tilespmem:$0x15220] =	vst v63  }
0xa0: {  	_ =	swait.ge [sflag:s4], $0x1400  }
0xa1: {  	[sflag:s4] =	ssyncset.done $0x0  }
0xa2: {  	s8 =	sadd.s32 $0x2D0, s8;
	[sflag:s4] =	ssyncadd.s32 $0xFFFFEC00  }
0xa3: {  	[tilespmem:s28], [sflag:$0x5] =	stream.indirect.gather [hbm4b:s1+s20], $0x40, s8, s20, $0xb8;
	[tilespmem:$0x15220] =	vst v63  }
0xa4: {  	_ =	swait.ge [sflag:s29], $0x1400  }
0xa5: {  	[sflag:s29] =	ssyncset.done $0x0  }
0xa6: {  	s6 =	simm.s32 $0x4C90;
	[sflag:s29] =	ssyncadd.s32 $0xFFFFEC00  }
0xa7: {  	[spmem:s3] =	stream.indirect.scatter.add.bf16 [tilespmem:s19], [sflag:$0x6], $0x40, s6, s20, $0xb8;
	[tilespmem:$0x15220] =	vst v63  }
0xa8: {  	_ =	swait.ge [sflag:s30], $0x1400  }
0xa9: {  	[sflag:s30] =	ssyncset.done $0x0  }
0xaa: {  	s8 =	simm.s32 $0x4CE0;
	[sflag:s30] =	ssyncadd.s32 $0xFFFFEC00  }
0xab: {  	[spmem:s3] =	stream.indirect.scatter.add.bf16 [tilespmem:s21], [sflag:$0x7], $0x40, s8, s20, $0xb8;
	[tilespmem:$0x15220] =	vst v63  }
0xac: {  	_ =	swait.ge [sflag:s31], $0x1400  }
0xad: {  	[sflag:s31] =	ssyncset.done $0x0  }
0xae: {  	s9 =	simm.s32 $0x4D30;
	[sflag:s31] =	ssyncadd.s32 $0xFFFFEC00  }
0xaf: {  	[spmem:s3] =	stream.indirect.scatter.add.bf16 [tilespmem:s23], [sflag:$0x8], $0x40, s9, s20, $0xb8;
	[tilespmem:$0x15220] =	vst v63  }
0xb0: {  	_ =	swait.ge [sflag:s0], $0x1400  }
0xb1: {  	[sflag:s0] =	ssyncset.done $0x0  }
0xb2: {  	s8 =	simm.s32 $0x4D80;
	[sflag:s0] =	ssyncadd.s32 $0xFFFFEC00  }
0xb3: {  	[spmem:s3] =	stream.indirect.scatter.add.bf16 [tilespmem:s25], [sflag:$0x9], $0x40, s8, s20, $0xb8;
	[tilespmem:$0x15220] =	vst v63  }
0xb4: {  	_ =	swait.ge [sflag:s18], $0x1400  }
0xb5: {  	[sflag:s18] =	ssyncset.done $0x0  }
0xb6: {  	s9 =	simm.s32 $0x4DD0;
	[sflag:s18] =	ssyncadd.s32 $0xFFFFEC00  }
0xb7: {  	[spmem:s3] =	stream.indirect.scatter.add.bf16 [tilespmem:s28], [sflag:$0xA], $0x40, s9, s20, $0xb8;
	[tilespmem:$0x15220] =	vst v63  }
0xb8: {  	_ =	swait.ge [sflag:s2], $0x1400  }
0xb9: {  	[sflag:s2] =	ssyncset.done $0x0  }
0xba: {  	[sflag:s2] =	ssyncadd.s32 $0xFFFFEC00  }
0xbb: {  	_ =	swait.ge [sflag:s22], $0x1400  }
0xbc: {  	[sflag:s22] =	ssyncset.done $0x0  }
0xbd: {  	[sflag:s22] =	ssyncadd.s32 $0xFFFFEC00  }
0xbe: {  	_ =	swait.ge [sflag:s24], $0x1400  }
0xbf: {  	[sflag:s24] =	ssyncset.done $0x0  }
0xc0: {  	[sflag:s24] =	ssyncadd.s32 $0xFFFFEC00  }
0xc1: {  	_ =	swait.ge [sflag:s26], $0x1400  }
0xc2: {  	[sflag:s26] =	ssyncset.done $0x0  }
0xc3: {  	[sflag:s26] =	ssyncadd.s32 $0xFFFFEC00  }
0xc4: {  	s8 =	stileid.u32;
	_ =	swait.ge [sflag:s4], $0x1400  }
0xc5: {  	s5 =	sadd.s32 $0x1, s5;
	s6 =	sshll.u32 s8, $0x6;
	[sflag:s4] =	ssyncset.done $0x0  }
0xc6: {  	p0 =	sne.s32 s5, s16;
	s6 =	sor.u32 $0x1C0B, s6;
	[sflag:s4] =	ssyncadd.s32 $0xFFFFEC00  }
.Ltmp2:
0xc7: {  	s9 =	sshrl.u32 s7, $0x3;
	[bflag:$0x0] =	sbarrier.arrive $0xFFFF;
	(pc) =	sbr.rel @p0 .LBB2_1-.Ltmp2, $4  }
0xc8: {  	[hbm:s15], [sflag:s6] =	dma.local [spmem:s9], $0x1400  }
0xc9: {  	_ =	swait.ge [sflag:s17], $0x1400  }
0xca: {  	[sflag:s17] =	ssyncset.done $0x0  }
0xcb: {  	[sflag:s17] =	ssyncadd.s32 $0xFFFFEC00  }
0xcc: {  	_ =	sfence.sel $0x180000  }
0xcd: {  	[bflag:$0x0] =	sbarrier.arrive $0xFFFF  }
0xce: {  	_ =	strace $0x90000047  }
0xcf: {  	s0 =	stileid.u32;
	[bflag:$0x2] =	sbarrier.arrive $0xFFFF  }
0xd0: {  	p0 =	sne.s32 s0, $0x0;
	s0 =	rddreg [dreg:$0x3]  }
0xd1: {  	s0 =	sadd.s32 @!p0 $0x100000, s0  }
0xd2: {  	[sflag:s0] =	ssyncadd.tile.s32 @!p0 $0x1;
	_ =	shalt  }
.Lfunc_end2:
_tile_overlayer_lowered:
.L_overlay_start_2:
0xd3: {  	(tag) =	ssettag $0x2  }
0xd4: {  	s0 =	rddreg [dreg:$0x0];
	s2 =	stileid.u32  }
0xd5: {  	s1 =	rddreg [dreg:$0x1];
	p0 =	sne.s32 s2, $0x0  }
0xd6: {  	s3 =	rddreg [dreg:$0x2];
	[bflag:$0x3] =	sbarrier.arrive $0xFFFF;
	s2 =	simm.s32 @!p0 $0x1C0B  }
0xd7: {  	[timem:s3], [sflag:s2] =	dma.local @!p0 [hbm:s0], s1  }
0xd8: {  	s0 =	simm.s32 @!p0 $0xB  }
0xd9: {  	_ =	swait.ge @!p0 [sflag:s0], s1  }
0xda: {  	s1 =	ssub.s32 @!p0 $0x0, s1;
	[sflag:s0] =	ssyncset.done @!p0 $0x0  }
0xdb: {  	[sflag:s0] =	ssyncadd.s32 @!p0 s1  }
0xdc: {  	[bflag:$0x3] =	sbarrier.arrive $0xFFFF  }
0xdd: {  	_ =	shalt  }

</sc_bundles>
